<compile_context>
chip_gen: v7x
topology: tpu7x:2x2x1
jax: 0.10.2.dev20260603
libtpu: 0.0.44.dev20260713+nightly
codegen_flags: <defaults>
</compile_context>

<pallas_src>
import functools

import jax
import jax.numpy as jnp
from jax import lax
from jax.experimental import pallas as pl
from jax.experimental.pallas import tpu as pltpu
from jax.experimental.pallas import tpu_sc as plsc

N = 10000
D = 128
D_OUT = 64
E = 320000

NC = 2
NS = 16
CH = 128
N_PAD = 10240
RPT = N_PAD // NS
E_PAD = 327680
CPT = E_PAD // (NC * NS * CH)

_MESH = plsc.VectorSubcoreMesh(core_axis_name="c", subcore_axis_name="s")



@functools.partial(
    pl.kernel,
    out_type=jax.ShapeDtypeStruct((NC * N_PAD, D), jnp.float32),
    mesh=_MESH,
    scratch_types=[
        pltpu.VMEM((CPT, CH), jnp.int32),
        pltpu.VMEM((CH, D), jnp.float32),
        pltpu.VMEM_SHARED((N_PAD, D), jnp.float32),
    ],
)
def _sc_degree(dst_h, ones_h, zeros8_h, out_h, didx, ones_v, deg_s):
    c = lax.axis_index("c")
    s = lax.axis_index("s")
    tid = c * NS + s
    pltpu.sync_copy(zeros8_h, deg_s.at[pl.ds(s * RPT, RPT)])
    pltpu.sync_copy(ones_h, ones_v)
    pltpu.sync_copy(dst_h.at[pl.ds(tid * CPT, CPT)], didx)
    plsc.subcore_barrier()

    def body(i, carry):
        pltpu.sync_copy(ones_v, deg_s.at[didx.at[i]], add=True)
        return carry

    lax.fori_loop(0, CPT, body, 0)
    plsc.subcore_barrier()
    pltpu.sync_copy(deg_s.at[pl.ds(s * RPT, RPT)],
                    out_h.at[pl.ds(c * N_PAD + s * RPT, RPT)])


_IB = 8
_NLAP = CPT // _IB


@functools.partial(
    pl.kernel,
    out_type=jax.ShapeDtypeStruct((NC * N_PAD, D), jnp.float32),
    mesh=_MESH,
    scratch_types=(
        [pltpu.VMEM((CPT, CH), jnp.int32),
         pltpu.VMEM((2, _IB, CH), jnp.int32),
         pltpu.VMEM((CH, D), jnp.float32),
         pltpu.VMEM((CH, D), jnp.float32)]
        + [pltpu.SemaphoreType.DMA] * 5
        + [pltpu.VMEM_SHARED((N_PAD, D), jnp.float32)]
    ),
)
def _sc_scatter_rows(g_h, src_h, dst_h, zeros_h, out_h,
                     sidx, didx, r0, r1, isem, gs0, gs1, ss0, ss1, acc_s):
    rows = (r0, r1)
    gsem = (gs0, gs1)
    ssem = (ss0, ss1)
    c = lax.axis_index("c")
    s = lax.axis_index("s")
    tid = c * NS + s
    base = tid * CPT

    def idx_load(q):
        pltpu.async_copy(dst_h.at[pl.ds(base + q * _IB, _IB)],
                         didx.at[q % 2], isem)

    def idx_wait(q):
        pltpu.make_async_copy(dst_h.at[pl.ds(base + q * _IB, _IB)],
                              didx.at[q % 2], isem).wait()

    def gather(i, b):
        pltpu.async_copy(g_h.at[sidx.at[i]], rows[b], gsem[b])

    def gather_wait(i, b):
        pltpu.make_async_copy(g_h.at[sidx.at[i]], rows[b], gsem[b]).wait()

    def scatter(v, k, b):
        pltpu.async_copy(rows[b], acc_s.at[didx.at[v, k]], ssem[b], add=True)

    def scatter_wait(v, k, b):
        pltpu.make_async_copy(rows[b], acc_s.at[didx.at[v, k]], ssem[b]).wait()

    pltpu.sync_copy(zeros_h, acc_s.at[pl.ds(s * RPT, RPT)])
    pltpu.sync_copy(src_h.at[pl.ds(base, CPT)], sidx)
    pltpu.sync_copy(dst_h.at[pl.ds(base, _IB)], didx.at[0])
    plsc.subcore_barrier()
    gather(0, 0)
    idx_load(1)

    def lap(q, carry):
        v = q % 2
        for k in range(_IB):
            b = k % 2
            i = q * _IB + k
            gather_wait(i, b)
            scatter(v, k, b)
            if k < _IB - 1:
                b2 = (k + 1) % 2
                if k == 0:
                    @pl.when(q > 0)
                    def _():
                        scatter_wait(1 - v, _IB - 1, b2)

                    @pl.when(jnp.logical_and(q > 0, q < _NLAP - 1))
                    def _():
                        idx_load(q + 1)
                else:
                    scatter_wait(v, k - 1, b2)
                gather(i + 1, b2)

        @pl.when(q < _NLAP - 1)
        def _():
            idx_wait(q + 1)
            scatter_wait(v, _IB - 2, 0)
            gather((q + 1) * _IB, 0)
        return carry

    lax.fori_loop(0, _NLAP, lap, 0)
    scatter_wait((_NLAP - 1) % 2, _IB - 2, 0)
    scatter_wait((_NLAP - 1) % 2, _IB - 1, 1)
    plsc.subcore_barrier()
    pltpu.sync_copy(acc_s.at[pl.ds(s * RPT, RPT)],
                    out_h.at[pl.ds(c * N_PAD + s * RPT, RPT)])



_BLK = 2000
_GRID = N // _BLK


def _tc_in_proj(x, w0t, b0r, wg0t):
    def body(x_ref, w0t_ref, b0_ref, wg0t_ref, o_ref):
        a = jnp.dot(x_ref[...], w0t_ref[...],
                    preferred_element_type=jnp.float32) + b0_ref[...]
        a = jnp.maximum(a, 0.0)
        o_ref[...] = jnp.dot(a, wg0t_ref[...],
                             preferred_element_type=jnp.float32)

    return pl.pallas_call(
        body,
        grid=(_GRID,),
        in_specs=[
            pl.BlockSpec((_BLK, D), lambda i: (i, 0)),
            pl.BlockSpec((D, D), lambda i: (0, 0)),
            pl.BlockSpec((1, D), lambda i: (0, 0)),
            pl.BlockSpec((D, D), lambda i: (0, 0)),
        ],
        out_specs=pl.BlockSpec((_BLK, D), lambda i: (i, 0)),
        out_shape=jax.ShapeDtypeStruct((N, D), jnp.float32),
    )(x, w0t, b0r, wg0t)


def _tc_scale(hw, dinvb):
    def body(h_ref, d_ref, o_ref):
        o_ref[...] = h_ref[...] * d_ref[...]

    return pl.pallas_call(
        body,
        grid=(_GRID,),
        in_specs=[pl.BlockSpec((_BLK, D), lambda i: (i, 0)),
                  pl.BlockSpec((_BLK, D), lambda i: (i, 0))],
        out_specs=pl.BlockSpec((_BLK, D), lambda i: (i, 0)),
        out_shape=jax.ShapeDtypeStruct((N, D), jnp.float32),
    )(hw, dinvb)


def _tc_mid(s0a, s0b, g0, dinvb, bg0r, wg1t):
    def body(a_ref, b_ref, g_ref, d_ref, bias_ref, w_ref, o_ref):
        h = d_ref[...] * (a_ref[...] + b_ref[...] + g_ref[...]) + bias_ref[...]
        h = jnp.maximum(h, 0.0)
        o_ref[...] = jnp.dot(h, w_ref[...],
                             preferred_element_type=jnp.float32) * d_ref[...]

    return pl.pallas_call(
        body,
        grid=(_GRID,),
        in_specs=[
            pl.BlockSpec((_BLK, D), lambda i: (i, 0)),
            pl.BlockSpec((_BLK, D), lambda i: (i, 0)),
            pl.BlockSpec((_BLK, D), lambda i: (i, 0)),
            pl.BlockSpec((_BLK, D), lambda i: (i, 0)),
            pl.BlockSpec((1, D), lambda i: (0, 0)),
            pl.BlockSpec((D, D), lambda i: (0, 0)),
        ],
        out_specs=pl.BlockSpec((_BLK, D), lambda i: (i, 0)),
        out_shape=jax.ShapeDtypeStruct((N, D), jnp.float32),
    )(s0a, s0b, g0, dinvb, bg0r, wg1t)


def _tc_out(s1a, s1b, g1, dinvb, bg1r, woutt, boutr):
    def body(a_ref, b_ref, g_ref, d_ref, bias_ref, w_ref, bo_ref, o_ref):
        h = d_ref[...] * (a_ref[...] + b_ref[...] + g_ref[...]) + bias_ref[...]
        h = jnp.maximum(h, 0.0)
        o_ref[...] = jnp.dot(h, w_ref[...],
                             preferred_element_type=jnp.float32) + bo_ref[...]

    return pl.pallas_call(
        body,
        grid=(_GRID,),
        in_specs=[
            pl.BlockSpec((_BLK, D), lambda i: (i, 0)),
            pl.BlockSpec((_BLK, D), lambda i: (i, 0)),
            pl.BlockSpec((_BLK, D), lambda i: (i, 0)),
            pl.BlockSpec((_BLK, D), lambda i: (i, 0)),
            pl.BlockSpec((1, D), lambda i: (0, 0)),
            pl.BlockSpec((D, D_OUT), lambda i: (0, 0)),
            pl.BlockSpec((1, D_OUT), lambda i: (0, 0)),
        ],
        out_specs=pl.BlockSpec((_BLK, D_OUT), lambda i: (i, 0)),
        out_shape=jax.ShapeDtypeStruct((N, D_OUT), jnp.float32),
    )(s1a, s1b, g1, dinvb, bg1r, woutt, boutr)



def kernel(x, edge_index, W0, b0, Wg0, bg0, Wg1, bg1, Wout, bout):
    src = edge_index[0]
    dst = edge_index[1]
    pad = E_PAD - E
    pad_ar = jnp.arange(pad, dtype=jnp.int32)
    src_p = jnp.concatenate([src, pad_ar % N])
    dst_p = jnp.concatenate([dst, N + pad_ar % (N_PAD - N)])
    src2d = src_p.reshape(E_PAD // CH, CH)
    dst2d = dst_p.reshape(E_PAD // CH, CH)

    zrows = jnp.zeros((RPT, D), jnp.float32)
    ones8 = jnp.ones((CH, D), jnp.float32)
    zeros8 = zrows
    
    w0t = W0.T
    wg0t = Wg0.T
    wg1t = Wg1.T
    woutt = Wout.T
    b0r = b0.reshape(1, D)
    bg0r = bg0.reshape(1, D)
    bg1r = bg1.reshape(1, D)
    boutr = bout.reshape(1, D_OUT)

    deg_parts = _sc_degree(dst2d, ones8, zeros8)
    hw0 = _tc_in_proj(x, w0t, b0r, wg0t)

    deg = deg_parts[:N, 0] + deg_parts[N_PAD:N_PAD + N, 0] + 1.0
    dinv = lax.rsqrt(jnp.maximum(deg, 1.0))
    dinvb = jnp.broadcast_to(dinv[:, None], (N, D))

    g0 = _tc_scale(hw0, dinvb)
    s0 = _sc_scatter_rows(g0, src2d, dst2d, zrows)
    g1 = _tc_mid(s0[:N], s0[N_PAD:N_PAD + N], g0, dinvb, bg0r, wg1t)

    s1 = _sc_scatter_rows(g1, src2d, dst2d, zrows)
    return _tc_out(s1[:N], s1[N_PAD:N_PAD + N], g1, dinvb, bg1r, woutt, boutr)

# --- scband reference (transcript-rebuilt; emitter-appended) ---
"""Pipeline reference for scband-init-gcn-10531259810642 (READ-ONLY COPY).

The authoritative reference and input builder live on the scoring server;
editing this copy changes nothing except your own understanding.
"""

import jax, jax.numpy as jnp
import numpy as np

N = 10000
E = 320000
D_IN = 128
D_H = 128
D_OUT = 64
NUM_LAYERS = 2
SIGMA = 1.0


def setup_inputs(seed: int = 0) -> dict:
    key = jax.random.key(seed)
    ks = jax.random.split(key, 12)
    x = jax.random.normal(ks[0], (N, D_IN), dtype=jnp.float32)
    edge_index = jax.random.randint(ks[1], (2, E), 0, N, dtype=jnp.int32)
    # first linear (nn.Linear default init approx)
    W0 = jax.random.normal(ks[2], (D_H, D_IN), dtype=jnp.float32) / np.sqrt(D_IN)
    b0 = jnp.zeros((D_H,), dtype=jnp.float32)
    # GCNConv layers: normal(0, sigma/sqrt(hidden)), zero bias
    std = SIGMA / np.sqrt(D_H)
    Wg0 = jax.random.normal(ks[3], (D_H, D_H), dtype=jnp.float32) * std
    bg0 = jnp.zeros((D_H,), dtype=jnp.float32)
    Wg1 = jax.random.normal(ks[4], (D_H, D_H), dtype=jnp.float32) * std
    bg1 = jnp.zeros((D_H,), dtype=jnp.float32)
    # output linear
    Wout = jax.random.normal(ks[5], (D_OUT, D_H), dtype=jnp.float32) / np.sqrt(D_H)
    bout = jnp.zeros((D_OUT,), dtype=jnp.float32)
    return {"x": x, "edge_index": edge_index, "W0": W0, "b0": b0,
            "Wg0": Wg0, "bg0": bg0, "Wg1": Wg1, "bg1": bg1,
            "Wout": Wout, "bout": bout}


def _gcn_conv(h, edge_index, W, b):
    # PyG-style GCNConv: add self-loops, symmetric normalization, linear first
    n = h.shape[0]
    loop = jnp.arange(n, dtype=edge_index.dtype)
    src = jnp.concatenate([edge_index[0], loop])
    dst = jnp.concatenate([edge_index[1], loop])
    deg = jnp.zeros((n,), dtype=h.dtype).at[dst].add(1.0)
    dinv = 1.0 / jnp.sqrt(jnp.maximum(deg, 1.0))
    norm = dinv[src] * dinv[dst]
    hw = h @ W.T
    msg = hw[src] * norm[:, None]
    out = jnp.zeros_like(hw).at[dst].add(msg)
    return out + b


def reference(x, edge_index, W0, b0, Wg0, bg0, Wg1, bg1, Wout, bout):
    h = jax.nn.relu(x @ W0.T + b0)
    h = jax.nn.relu(_gcn_conv(h, edge_index, Wg0, bg0))
    h = jax.nn.relu(_gcn_conv(h, edge_index, Wg1, bg1))
    logits = h @ Wout.T + bout
    return logits

if __name__ == "__main__":
    import jax
    _d = setup_inputs()
    print(jax.jit(kernel)(*tuple(_d.values())))

</pallas_src>

<mosaic_0001>
#map = affine_map<(d0, d1) -> (0, 0)>
module attributes {stable_mosaic.version = 14 : i64} {
  func.func @_sc_scatter_rows(%arg0: i32, %arg1: i32, %arg2: memref<10000x128xf32, #tpu.memory_space<hbm>>, %arg3: memref<2560x128xi32, #tpu.memory_space<hbm>>, %arg4: memref<2560x128xi32, #tpu.memory_space<hbm>>, %arg5: memref<640x128xf32, #tpu.memory_space<hbm>>, %arg6: memref<20480x128xf32, #tpu.memory_space<hbm>>, %arg7: memref<80x128xi32, #tpu.memory_space<vmem>>, %arg8: memref<2x8x128xi32, #tpu.memory_space<vmem>>, %arg9: memref<128x128xf32, #tpu.memory_space<vmem>>, %arg10: memref<128x128xf32, #tpu.memory_space<vmem>>, %arg11: memref<!tpu.dma_semaphore, #tpu.memory_space<semaphore_mem>>, %arg12: memref<!tpu.dma_semaphore, #tpu.memory_space<semaphore_mem>>, %arg13: memref<!tpu.dma_semaphore, #tpu.memory_space<semaphore_mem>>, %arg14: memref<!tpu.dma_semaphore, #tpu.memory_space<semaphore_mem>>, %arg15: memref<!tpu.dma_semaphore, #tpu.memory_space<semaphore_mem>>, %arg16: memref<10240x128xf32, #tpu.memory_space<vmem_shared>>) attributes {dimension_semantics = [#tpu.dimension_semantics<core_parallel>, #tpu.dimension_semantics<subcore_parallel>], iteration_bounds = array<i64: 2, 16>, scalar_prefetch = 0 : i64, scratch_operands = 10 : i64, tpu.core_type = #tpu.core_type<sc_vector_subcore>, window_params = [{transform_indices = #map}, {transform_indices = #map}, {transform_indices = #map}, {transform_indices = #map}, {transform_indices = #map}]} {
    %mul3A = arith.constant 16 : i32
    %mul3A_0 = arith.muli %arg0, %mul3A : i32
    %add3A = arith.addi %mul3A_0, %arg1 : i32
    %mul3A_1 = arith.constant 80 : i32
    %mul3A_2 = arith.muli %add3A, %mul3A_1 : i32
    %mul3A_3 = arith.constant 640 : i32
    %mul3A_4 = arith.muli %arg1, %mul3A_3 : i32
    "tpu.region"() ({
      %run_scoped3A_54 = tpu.sem_alloc : memref<!tpu.dma_semaphore, #tpu.memory_space<semaphore_mem>>
      %dma_start3A_55 = arith.constant 0 : i32
      %dma_start3A_56 = tpu.memref_slice %arg16[%mul3A_4, %dma_start3A_55] : memref<10240x128xf32, #tpu.memory_space<vmem_shared>> -> memref<640x128xf32, #tpu.memory_space<vmem_shared>>
      tpu.enqueue_dma source(%arg5 : memref<640x128xf32, #tpu.memory_space<hbm>>) target(%dma_start3A_56 : memref<640x128xf32, #tpu.memory_space<vmem_shared>>) target_semaphore(%run_scoped3A_54 : memref<!tpu.dma_semaphore, #tpu.memory_space<semaphore_mem>>)
      %dma_wait3A_57 = arith.constant 0 : i32
      %dma_wait3A_58 = tpu.memref_slice %arg16[%mul3A_4, %dma_wait3A_57] : memref<10240x128xf32, #tpu.memory_space<vmem_shared>> -> memref<640x128xf32, #tpu.memory_space<vmem_shared>>
      tpu.wait_dma2 semaphore(%run_scoped3A_54 : memref<!tpu.dma_semaphore, #tpu.memory_space<semaphore_mem>>) src(%arg5 : memref<640x128xf32, #tpu.memory_space<hbm>>) dst(%dma_wait3A_58 : memref<640x128xf32, #tpu.memory_space<vmem_shared>>)
      tpu.yield
    }) : () -> ()
    "tpu.region"() ({
      %run_scoped3A_54 = tpu.sem_alloc : memref<!tpu.dma_semaphore, #tpu.memory_space<semaphore_mem>>
      %dma_start3A_55 = arith.constant 0 : i32
      %dma_start3A_56 = tpu.memref_slice %arg3[%mul3A_2, %dma_start3A_55] : memref<2560x128xi32, #tpu.memory_space<hbm>> -> memref<80x128xi32, #tpu.memory_space<hbm>>
      %dma_start3A_57 = arith.constant 0 : i32
      %dma_start3A_58 = tpu.memref_slice %arg3[%mul3A_2, %dma_start3A_57] : memref<2560x128xi32, #tpu.memory_space<hbm>> -> memref<80x128xi32, #tpu.memory_space<hbm>>
      tpu.enqueue_dma source(%dma_start3A_58 : memref<80x128xi32, #tpu.memory_space<hbm>>) target(%arg7 : memref<80x128xi32, #tpu.memory_space<vmem>>) target_semaphore(%run_scoped3A_54 : memref<!tpu.dma_semaphore, #tpu.memory_space<semaphore_mem>>)
      %dma_wait3A_59 = arith.constant 0 : i32
      %dma_wait3A_60 = tpu.memref_slice %arg3[%mul3A_2, %dma_wait3A_59] : memref<2560x128xi32, #tpu.memory_space<hbm>> -> memref<80x128xi32, #tpu.memory_space<hbm>>
      %dma_wait3A_61 = arith.constant 0 : i32
      %dma_wait3A_62 = tpu.memref_slice %arg3[%mul3A_2, %dma_wait3A_61] : memref<2560x128xi32, #tpu.memory_space<hbm>> -> memref<80x128xi32, #tpu.memory_space<hbm>>
      tpu.wait_dma2 semaphore(%run_scoped3A_54 : memref<!tpu.dma_semaphore, #tpu.memory_space<semaphore_mem>>) src(%dma_wait3A_62 : memref<80x128xi32, #tpu.memory_space<hbm>>) dst(%arg7 : memref<80x128xi32, #tpu.memory_space<vmem>>)
      tpu.yield
    }) : () -> ()
    %run_scoped3A = arith.constant 0 : i32
    "tpu.region"() ({
      %run_scoped3A_54 = tpu.sem_alloc : memref<!tpu.dma_semaphore, #tpu.memory_space<semaphore_mem>>
      %dma_start3A_55 = arith.constant 0 : i32
      %dma_start3A_56 = arith.constant 0 : i32
      %dma_start3A_57 = tpu.memref_slice %arg8[%run_scoped3A, %dma_start3A_55, %dma_start3A_56] : memref<2x8x128xi32, #tpu.memory_space<vmem>> -> memref<1x8x128xi32, #tpu.memory_space<vmem>>
      %dma_start3A_58 = tpu.memref_squeeze %dma_start3A_57 : memref<1x8x128xi32, #tpu.memory_space<vmem>> -> memref<8x128xi32, #tpu.memory_space<vmem>>
      %dma_start3A_59 = arith.constant 0 : i32
      %dma_start3A_60 = tpu.memref_slice %arg4[%mul3A_2, %dma_start3A_59] : memref<2560x128xi32, #tpu.memory_space<hbm>> -> memref<8x128xi32, #tpu.memory_space<hbm>>
      %dma_start3A_61 = arith.constant 0 : i32
      %dma_start3A_62 = arith.constant 0 : i32
      %dma_start3A_63 = tpu.memref_slice %arg8[%run_scoped3A, %dma_start3A_61, %dma_start3A_62] : memref<2x8x128xi32, #tpu.memory_space<vmem>> -> memref<1x8x128xi32, #tpu.memory_space<vmem>>
      %dma_start3A_64 = tpu.memref_squeeze %dma_start3A_63 : memref<1x8x128xi32, #tpu.memory_space<vmem>> -> memref<8x128xi32, #tpu.memory_space<vmem>>
      %dma_start3A_65 = arith.constant 0 : i32
      %dma_start3A_66 = tpu.memref_slice %arg4[%mul3A_2, %dma_start3A_65] : memref<2560x128xi32, #tpu.memory_space<hbm>> -> memref<8x128xi32, #tpu.memory_space<hbm>>
      tpu.enqueue_dma source(%dma_start3A_66 : memref<8x128xi32, #tpu.memory_space<hbm>>) target(%dma_start3A_64 : memref<8x128xi32, #tpu.memory_space<vmem>>) target_semaphore(%run_scoped3A_54 : memref<!tpu.dma_semaphore, #tpu.memory_space<semaphore_mem>>)
      %dma_wait3A_67 = arith.constant 0 : i32
      %dma_wait3A_68 = arith.constant 0 : i32
      %dma_wait3A_69 = tpu.memref_slice %arg8[%run_scoped3A, %dma_wait3A_67, %dma_wait3A_68] : memref<2x8x128xi32, #tpu.memory_space<vmem>> -> memref<1x8x128xi32, #tpu.memory_space<vmem>>
      %dma_wait3A_70 = tpu.memref_squeeze %dma_wait3A_69 : memref<1x8x128xi32, #tpu.memory_space<vmem>> -> memref<8x128xi32, #tpu.memory_space<vmem>>
      %dma_wait3A_71 = arith.constant 0 : i32
      %dma_wait3A_72 = tpu.memref_slice %arg4[%mul3A_2, %dma_wait3A_71] : memref<2560x128xi32, #tpu.memory_space<hbm>> -> memref<8x128xi32, #tpu.memory_space<hbm>>
      %dma_wait3A_73 = arith.constant 0 : i32
      %dma_wait3A_74 = arith.constant 0 : i32
      %dma_wait3A_75 = tpu.memref_slice %arg8[%run_scoped3A, %dma_wait3A_73, %dma_wait3A_74] : memref<2x8x128xi32, #tpu.memory_space<vmem>> -> memref<1x8x128xi32, #tpu.memory_space<vmem>>
      %dma_wait3A_76 = tpu.memref_squeeze %dma_wait3A_75 : memref<1x8x128xi32, #tpu.memory_space<vmem>> -> memref<8x128xi32, #tpu.memory_space<vmem>>
      %dma_wait3A_77 = arith.constant 0 : i32
      %dma_wait3A_78 = tpu.memref_slice %arg4[%mul3A_2, %dma_wait3A_77] : memref<2560x128xi32, #tpu.memory_space<hbm>> -> memref<8x128xi32, #tpu.memory_space<hbm>>
      tpu.wait_dma2 semaphore(%run_scoped3A_54 : memref<!tpu.dma_semaphore, #tpu.memory_space<semaphore_mem>>) src(%dma_wait3A_78 : memref<8x128xi32, #tpu.memory_space<hbm>>) dst(%dma_wait3A_76 : memref<8x128xi32, #tpu.memory_space<vmem>>)
      tpu.yield
    }) : () -> ()
    %barrier3A = arith.constant 0 : index
    tpu.barrier barrier_id(%barrier3A)
    %dma_start3A = arith.constant 0 : i32
    %dma_start3A_5 = arith.constant 0 : i32
    %dma_start3A_6 = tpu.memref_slice %arg7[%dma_start3A, %dma_start3A_5] : memref<80x128xi32, #tpu.memory_space<vmem>> -> memref<1x128xi32, #tpu.memory_space<vmem>>
    %dma_start3A_7 = tpu.memref_squeeze %dma_start3A_6 : memref<1x128xi32, #tpu.memory_space<vmem>> -> memref<128xi32, #tpu.memory_space<vmem>>
    %dma_start3A_8 = arith.constant 0 : i32
    %dma_start3A_9 = arith.constant 0 : i32
    %dma_start3A_10 = tpu.memref_slice %arg2[%dma_start3A_8, %dma_start3A_9] : memref<10000x128xf32, #tpu.memory_space<hbm>> -> memref<10000x128xf32, #tpu.memory_space<hbm>>
    tpu.enqueue_indirect_dma source(%dma_start3A_10 : memref<10000x128xf32, #tpu.memory_space<hbm>>) target(%arg9 : memref<128x128xf32, #tpu.memory_space<vmem>>) offsets(%dma_start3A_7 : memref<128xi32, #tpu.memory_space<vmem>>) semaphore(%arg12 : memref<!tpu.dma_semaphore, #tpu.memory_space<semaphore_mem>>)
    %add3A_11 = arith.constant 8 : i32
    %add3A_12 = arith.addi %mul3A_2, %add3A_11 : i32
    %dma_start3A_13 = arith.constant 1 : i32
    %dma_start3A_14 = arith.constant 0 : i32
    %dma_start3A_15 = arith.constant 0 : i32
    %dma_start3A_16 = tpu.memref_slice %arg8[%dma_start3A_13, %dma_start3A_14, %dma_start3A_15] : memref<2x8x128xi32, #tpu.memory_space<vmem>> -> memref<1x8x128xi32, #tpu.memory_space<vmem>>
    %dma_start3A_17 = tpu.memref_squeeze %dma_start3A_16 : memref<1x8x128xi32, #tpu.memory_space<vmem>> -> memref<8x128xi32, #tpu.memory_space<vmem>>
    %dma_start3A_18 = arith.constant 0 : i32
    %dma_start3A_19 = tpu.memref_slice %arg4[%add3A_12, %dma_start3A_18] : memref<2560x128xi32, #tpu.memory_space<hbm>> -> memref<8x128xi32, #tpu.memory_space<hbm>>
    %dma_start3A_20 = arith.constant 0 : i32
    %dma_start3A_21 = arith.constant 0 : i32
    %dma_start3A_22 = tpu.memref_slice %arg8[%dma_start3A_13, %dma_start3A_20, %dma_start3A_21] : memref<2x8x128xi32, #tpu.memory_space<vmem>> -> memref<1x8x128xi32, #tpu.memory_space<vmem>>
    %dma_start3A_23 = tpu.memref_squeeze %dma_start3A_22 : memref<1x8x128xi32, #tpu.memory_space<vmem>> -> memref<8x128xi32, #tpu.memory_space<vmem>>
    %dma_start3A_24 = arith.constant 0 : i32
    %dma_start3A_25 = tpu.memref_slice %arg4[%add3A_12, %dma_start3A_24] : memref<2560x128xi32, #tpu.memory_space<hbm>> -> memref<8x128xi32, #tpu.memory_space<hbm>>
    tpu.enqueue_dma source(%dma_start3A_25 : memref<8x128xi32, #tpu.memory_space<hbm>>) target(%dma_start3A_23 : memref<8x128xi32, #tpu.memory_space<vmem>>) target_semaphore(%arg11 : memref<!tpu.dma_semaphore, #tpu.memory_space<semaphore_mem>>)
    %scan3A = arith.constant 0 : i32
    %scan3A_26 = arith.constant 0 : i32
    %scan3A_27 = arith.constant 10 : i32
    %scan3A_28 = arith.addi %scan3A_26, %scan3A_27 : i32
    %scan3A_29 = arith.constant 1 : i32
    scf.for %scan3A_54 = %scan3A_26 to %scan3A_28 step %scan3A_29  : i32 {
      %jit3A = arith.constant 2 : i32
      %eq3A = arith.constant 0 : i32
      %eq3A_55 = arith.cmpi eq, %jit3A, %eq3A : i32
      %jit3A_56 = arith.constant 1 : i32
      %select_n3A = arith.select %eq3A_55, %jit3A_56, %jit3A : i32
      %rem3A = arith.remsi %scan3A_54, %select_n3A : i32
      %ne3A = arith.constant 0 : i32
      %ne3A_57 = arith.cmpi ne, %rem3A, %ne3A : i32
      %lt3A = arith.constant 0 : i32
      %lt3A_58 = arith.cmpi slt, %rem3A, %lt3A : i32
      %lt3A_59 = arith.constant 0 : i32
      %lt3A_60 = arith.cmpi slt, %select_n3A, %lt3A_59 : i32
      %ne3A_61 = arith.xori %lt3A_58, %lt3A_60 : i1
      %and3A = arith.andi %ne3A_61, %ne3A_57 : i1
      %add3A_62 = arith.addi %rem3A, %select_n3A : i32
      %select_n3A_63 = arith.select %and3A, %add3A_62, %rem3A : i32
      %mul3A_64 = arith.constant 8 : i32
      %mul3A_65 = arith.muli %scan3A_54, %mul3A_64 : i32
      %add3A_66 = arith.constant 0 : i32
      %add3A_67 = arith.addi %mul3A_65, %add3A_66 : i32
      %dma_wait3A_68 = arith.constant 0 : i32
      %dma_wait3A_69 = tpu.memref_slice %arg7[%add3A_67, %dma_wait3A_68] : memref<80x128xi32, #tpu.memory_space<vmem>> -> memref<1x128xi32, #tpu.memory_space<vmem>>
      %dma_wait3A_70 = tpu.memref_squeeze %dma_wait3A_69 : memref<1x128xi32, #tpu.memory_space<vmem>> -> memref<128xi32, #tpu.memory_space<vmem>>
      %dma_wait3A_71 = arith.constant 0 : i32
      %dma_wait3A_72 = arith.constant 0 : i32
      %dma_wait3A_73 = tpu.memref_slice %arg2[%dma_wait3A_71, %dma_wait3A_72] : memref<10000x128xf32, #tpu.memory_space<hbm>> -> memref<10000x128xf32, #tpu.memory_space<hbm>>
      tpu.wait_indirect_dma semaphore(%arg12 : memref<!tpu.dma_semaphore, #tpu.memory_space<semaphore_mem>>) src(%dma_wait3A_73 : memref<10000x128xf32, #tpu.memory_space<hbm>>) dst(%arg9 : memref<128x128xf32, #tpu.memory_space<vmem>>)
      %dma_start3A_74 = arith.constant 0 : i32
      %dma_start3A_75 = arith.constant 0 : i32
      %dma_start3A_76 = tpu.memref_slice %arg8[%select_n3A_63, %dma_start3A_74, %dma_start3A_75] : memref<2x8x128xi32, #tpu.memory_space<vmem>> -> memref<1x1x128xi32, #tpu.memory_space<vmem>>
      %dma_start3A_77 = tpu.memref_squeeze %dma_start3A_76 : memref<1x1x128xi32, #tpu.memory_space<vmem>> -> memref<128xi32, #tpu.memory_space<vmem>>
      %dma_start3A_78 = arith.constant 0 : i32
      %dma_start3A_79 = arith.constant 0 : i32
      %dma_start3A_80 = tpu.memref_slice %arg16[%dma_start3A_78, %dma_start3A_79] : memref<10240x128xf32, #tpu.memory_space<vmem_shared>> -> memref<10240x128xf32, #tpu.memory_space<vmem_shared>>
      tpu.enqueue_indirect_dma source(%arg9 : memref<128x128xf32, #tpu.memory_space<vmem>>) target(%dma_start3A_80 : memref<10240x128xf32, #tpu.memory_space<vmem_shared>>) offsets(%dma_start3A_77 : memref<128xi32, #tpu.memory_space<vmem>>) semaphore(%arg14 : memref<!tpu.dma_semaphore, #tpu.memory_space<semaphore_mem>>) {add = true}
      %gt3A = arith.constant 0 : i32
      %gt3A_81 = arith.cmpi sgt, %scan3A_54, %gt3A : i32
      %convert_element_type3A = arith.extui %gt3A_81 : i1 to i32
      %cond3A = arith.constant 0 : i32
      %cond3A_82 = arith.cmpi ne, %convert_element_type3A, %cond3A : i32
      scf.if %cond3A_82 {
        %sub3A = arith.constant 1 : i32
        %sub3A_313 = arith.subi %sub3A, %select_n3A_63 : i32
        %dma_wait3A_314 = arith.constant 7 : i32
        %dma_wait3A_315 = arith.constant 0 : i32
        %dma_wait3A_316 = tpu.memref_slice %arg8[%sub3A_313, %dma_wait3A_314, %dma_wait3A_315] : memref<2x8x128xi32, #tpu.memory_space<vmem>> -> memref<1x1x128xi32, #tpu.memory_space<vmem>>
        %dma_wait3A_317 = tpu.memref_squeeze %dma_wait3A_316 : memref<1x1x128xi32, #tpu.memory_space<vmem>> -> memref<128xi32, #tpu.memory_space<vmem>>
        %dma_wait3A_318 = arith.constant 0 : i32
        %dma_wait3A_319 = arith.constant 0 : i32
        %dma_wait3A_320 = tpu.memref_slice %arg16[%dma_wait3A_318, %dma_wait3A_319] : memref<10240x128xf32, #tpu.memory_space<vmem_shared>> -> memref<10240x128xf32, #tpu.memory_space<vmem_shared>>
        tpu.wait_indirect_dma semaphore(%arg15 : memref<!tpu.dma_semaphore, #tpu.memory_space<semaphore_mem>>) src(%arg10 : memref<128x128xf32, #tpu.memory_space<vmem>>) dst(%dma_wait3A_320 : memref<10240x128xf32, #tpu.memory_space<vmem_shared>>)
      } else {
      }
      %gt3A_83 = arith.constant 0 : i32
      %gt3A_84 = arith.cmpi sgt, %scan3A_54, %gt3A_83 : i32
      %lt3A_85 = arith.constant 9 : i32
      %lt3A_86 = arith.cmpi slt, %scan3A_54, %lt3A_85 : i32
      %and3A_87 = arith.andi %gt3A_84, %lt3A_86 : i1
      %convert_element_type3A_88 = arith.extui %and3A_87 : i1 to i32
      %cond3A_89 = arith.constant 0 : i32
      %cond3A_90 = arith.cmpi ne, %convert_element_type3A_88, %cond3A_89 : i32
      scf.if %cond3A_90 {
        %add3A_313 = arith.constant 1 : i32
        %add3A_314 = arith.addi %scan3A_54, %add3A_313 : i32
        %mul3A_315 = arith.constant 8 : i32
        %mul3A_316 = arith.muli %add3A_314, %mul3A_315 : i32
        %add3A_317 = arith.addi %mul3A_2, %mul3A_316 : i32
        %jit3A_318 = arith.constant 2 : i32
        %eq3A_319 = arith.constant 0 : i32
        %eq3A_320 = arith.cmpi eq, %jit3A_318, %eq3A_319 : i32
        %jit3A_321 = arith.constant 1 : i32
        %select_n3A_322 = arith.select %eq3A_320, %jit3A_321, %jit3A_318 : i32
        %rem3A_323 = arith.remsi %add3A_314, %select_n3A_322 : i32
        %ne3A_324 = arith.constant 0 : i32
        %ne3A_325 = arith.cmpi ne, %rem3A_323, %ne3A_324 : i32
        %lt3A_326 = arith.constant 0 : i32
        %lt3A_327 = arith.cmpi slt, %rem3A_323, %lt3A_326 : i32
        %lt3A_328 = arith.constant 0 : i32
        %lt3A_329 = arith.cmpi slt, %select_n3A_322, %lt3A_328 : i32
        %ne3A_330 = arith.xori %lt3A_327, %lt3A_329 : i1
        %and3A_331 = arith.andi %ne3A_330, %ne3A_325 : i1
        %add3A_332 = arith.addi %rem3A_323, %select_n3A_322 : i32
        %select_n3A_333 = arith.select %and3A_331, %add3A_332, %rem3A_323 : i32
        %dma_start3A_334 = arith.constant 0 : i32
        %dma_start3A_335 = arith.constant 0 : i32
        %dma_start3A_336 = tpu.memref_slice %arg8[%select_n3A_333, %dma_start3A_334, %dma_start3A_335] : memref<2x8x128xi32, #tpu.memory_space<vmem>> -> memref<1x8x128xi32, #tpu.memory_space<vmem>>
        %dma_start3A_337 = tpu.memref_squeeze %dma_start3A_336 : memref<1x8x128xi32, #tpu.memory_space<vmem>> -> memref<8x128xi32, #tpu.memory_space<vmem>>
        %dma_start3A_338 = arith.constant 0 : i32
        %dma_start3A_339 = tpu.memref_slice %arg4[%add3A_317, %dma_start3A_338] : memref<2560x128xi32, #tpu.memory_space<hbm>> -> memref<8x128xi32, #tpu.memory_space<hbm>>
        %dma_start3A_340 = arith.constant 0 : i32
        %dma_start3A_341 = arith.constant 0 : i32
        %dma_start3A_342 = tpu.memref_slice %arg8[%select_n3A_333, %dma_start3A_340, %dma_start3A_341] : memref<2x8x128xi32, #tpu.memory_space<vmem>> -> memref<1x8x128xi32, #tpu.memory_space<vmem>>
        %dma_start3A_343 = tpu.memref_squeeze %dma_start3A_342 : memref<1x8x128xi32, #tpu.memory_space<vmem>> -> memref<8x128xi32, #tpu.memory_space<vmem>>
        %dma_start3A_344 = arith.constant 0 : i32
        %dma_start3A_345 = tpu.memref_slice %arg4[%add3A_317, %dma_start3A_344] : memref<2560x128xi32, #tpu.memory_space<hbm>> -> memref<8x128xi32, #tpu.memory_space<hbm>>
        tpu.enqueue_dma source(%dma_start3A_345 : memref<8x128xi32, #tpu.memory_space<hbm>>) target(%dma_start3A_343 : memref<8x128xi32, #tpu.memory_space<vmem>>) target_semaphore(%arg11 : memref<!tpu.dma_semaphore, #tpu.memory_space<semaphore_mem>>)
      } else {
      }
      %add3A_91 = arith.constant 1 : i32
      %add3A_92 = arith.addi %add3A_67, %add3A_91 : i32
      %dma_start3A_93 = arith.constant 0 : i32
      %dma_start3A_94 = tpu.memref_slice %arg7[%add3A_92, %dma_start3A_93] : memref<80x128xi32, #tpu.memory_space<vmem>> -> memref<1x128xi32, #tpu.memory_space<vmem>>
      %dma_start3A_95 = tpu.memref_squeeze %dma_start3A_94 : memref<1x128xi32, #tpu.memory_space<vmem>> -> memref<128xi32, #tpu.memory_space<vmem>>
      %dma_start3A_96 = arith.constant 0 : i32
      %dma_start3A_97 = arith.constant 0 : i32
      %dma_start3A_98 = tpu.memref_slice %arg2[%dma_start3A_96, %dma_start3A_97] : memref<10000x128xf32, #tpu.memory_space<hbm>> -> memref<10000x128xf32, #tpu.memory_space<hbm>>
      tpu.enqueue_indirect_dma source(%dma_start3A_98 : memref<10000x128xf32, #tpu.memory_space<hbm>>) target(%arg10 : memref<128x128xf32, #tpu.memory_space<vmem>>) offsets(%dma_start3A_95 : memref<128xi32, #tpu.memory_space<vmem>>) semaphore(%arg13 : memref<!tpu.dma_semaphore, #tpu.memory_space<semaphore_mem>>)
      %mul3A_99 = arith.constant 8 : i32
      %mul3A_100 = arith.muli %scan3A_54, %mul3A_99 : i32
      %add3A_101 = arith.constant 1 : i32
      %add3A_102 = arith.addi %mul3A_100, %add3A_101 : i32
      %dma_wait3A_103 = arith.constant 0 : i32
      %dma_wait3A_104 = tpu.memref_slice %arg7[%add3A_102, %dma_wait3A_103] : memref<80x128xi32, #tpu.memory_space<vmem>> -> memref<1x128xi32, #tpu.memory_space<vmem>>
      %dma_wait3A_105 = tpu.memref_squeeze %dma_wait3A_104 : memref<1x128xi32, #tpu.memory_space<vmem>> -> memref<128xi32, #tpu.memory_space<vmem>>
      %dma_wait3A_106 = arith.constant 0 : i32
      %dma_wait3A_107 = arith.constant 0 : i32
      %dma_wait3A_108 = tpu.memref_slice %arg2[%dma_wait3A_106, %dma_wait3A_107] : memref<10000x128xf32, #tpu.memory_space<hbm>> -> memref<10000x128xf32, #tpu.memory_space<hbm>>
      tpu.wait_indirect_dma semaphore(%arg13 : memref<!tpu.dma_semaphore, #tpu.memory_space<semaphore_mem>>) src(%dma_wait3A_108 : memref<10000x128xf32, #tpu.memory_space<hbm>>) dst(%arg10 : memref<128x128xf32, #tpu.memory_space<vmem>>)
      %dma_start3A_109 = arith.constant 1 : i32
      %dma_start3A_110 = arith.constant 0 : i32
      %dma_start3A_111 = tpu.memref_slice %arg8[%select_n3A_63, %dma_start3A_109, %dma_start3A_110] : memref<2x8x128xi32, #tpu.memory_space<vmem>> -> memref<1x1x128xi32, #tpu.memory_space<vmem>>
      %dma_start3A_112 = tpu.memref_squeeze %dma_start3A_111 : memref<1x1x128xi32, #tpu.memory_space<vmem>> -> memref<128xi32, #tpu.memory_space<vmem>>
      %dma_start3A_113 = arith.constant 0 : i32
      %dma_start3A_114 = arith.constant 0 : i32
      %dma_start3A_115 = tpu.memref_slice %arg16[%dma_start3A_113, %dma_start3A_114] : memref<10240x128xf32, #tpu.memory_space<vmem_shared>> -> memref<10240x128xf32, #tpu.memory_space<vmem_shared>>
      tpu.enqueue_indirect_dma source(%arg10 : memref<128x128xf32, #tpu.memory_space<vmem>>) target(%dma_start3A_115 : memref<10240x128xf32, #tpu.memory_space<vmem_shared>>) offsets(%dma_start3A_112 : memref<128xi32, #tpu.memory_space<vmem>>) semaphore(%arg15 : memref<!tpu.dma_semaphore, #tpu.memory_space<semaphore_mem>>) {add = true}
      %dma_wait3A_116 = arith.constant 0 : i32
      %dma_wait3A_117 = arith.constant 0 : i32
      %dma_wait3A_118 = tpu.memref_slice %arg8[%select_n3A_63, %dma_wait3A_116, %dma_wait3A_117] : memref<2x8x128xi32, #tpu.memory_space<vmem>> -> memref<1x1x128xi32, #tpu.memory_space<vmem>>
      %dma_wait3A_119 = tpu.memref_squeeze %dma_wait3A_118 : memref<1x1x128xi32, #tpu.memory_space<vmem>> -> memref<128xi32, #tpu.memory_space<vmem>>
      %dma_wait3A_120 = arith.constant 0 : i32
      %dma_wait3A_121 = arith.constant 0 : i32
      %dma_wait3A_122 = tpu.memref_slice %arg16[%dma_wait3A_120, %dma_wait3A_121] : memref<10240x128xf32, #tpu.memory_space<vmem_shared>> -> memref<10240x128xf32, #tpu.memory_space<vmem_shared>>
      tpu.wait_indirect_dma semaphore(%arg14 : memref<!tpu.dma_semaphore, #tpu.memory_space<semaphore_mem>>) src(%arg9 : memref<128x128xf32, #tpu.memory_space<vmem>>) dst(%dma_wait3A_122 : memref<10240x128xf32, #tpu.memory_space<vmem_shared>>)
      %add3A_123 = arith.constant 1 : i32
      %add3A_124 = arith.addi %add3A_102, %add3A_123 : i32
      %dma_start3A_125 = arith.constant 0 : i32
      %dma_start3A_126 = tpu.memref_slice %arg7[%add3A_124, %dma_start3A_125] : memref<80x128xi32, #tpu.memory_space<vmem>> -> memref<1x128xi32, #tpu.memory_space<vmem>>
      %dma_start3A_127 = tpu.memref_squeeze %dma_start3A_126 : memref<1x128xi32, #tpu.memory_space<vmem>> -> memref<128xi32, #tpu.memory_space<vmem>>
      %dma_start3A_128 = arith.constant 0 : i32
      %dma_start3A_129 = arith.constant 0 : i32
      %dma_start3A_130 = tpu.memref_slice %arg2[%dma_start3A_128, %dma_start3A_129] : memref<10000x128xf32, #tpu.memory_space<hbm>> -> memref<10000x128xf32, #tpu.memory_space<hbm>>
      tpu.enqueue_indirect_dma source(%dma_start3A_130 : memref<10000x128xf32, #tpu.memory_space<hbm>>) target(%arg9 : memref<128x128xf32, #tpu.memory_space<vmem>>) offsets(%dma_start3A_127 : memref<128xi32, #tpu.memory_space<vmem>>) semaphore(%arg12 : memref<!tpu.dma_semaphore, #tpu.memory_space<semaphore_mem>>)
      %mul3A_131 = arith.constant 8 : i32
      %mul3A_132 = arith.muli %scan3A_54, %mul3A_131 : i32
      %add3A_133 = arith.constant 2 : i32
      %add3A_134 = arith.addi %mul3A_132, %add3A_133 : i32
      %dma_wait3A_135 = arith.constant 0 : i32
      %dma_wait3A_136 = tpu.memref_slice %arg7[%add3A_134, %dma_wait3A_135] : memref<80x128xi32, #tpu.memory_space<vmem>> -> memref<1x128xi32, #tpu.memory_space<vmem>>
      %dma_wait3A_137 = tpu.memref_squeeze %dma_wait3A_136 : memref<1x128xi32, #tpu.memory_space<vmem>> -> memref<128xi32, #tpu.memory_space<vmem>>
      %dma_wait3A_138 = arith.constant 0 : i32
      %dma_wait3A_139 = arith.constant 0 : i32
      %dma_wait3A_140 = tpu.memref_slice %arg2[%dma_wait3A_138, %dma_wait3A_139] : memref<10000x128xf32, #tpu.memory_space<hbm>> -> memref<10000x128xf32, #tpu.memory_space<hbm>>
      tpu.wait_indirect_dma semaphore(%arg12 : memref<!tpu.dma_semaphore, #tpu.memory_space<semaphore_mem>>) src(%dma_wait3A_140 : memref<10000x128xf32, #tpu.memory_space<hbm>>) dst(%arg9 : memref<128x128xf32, #tpu.memory_space<vmem>>)
      %dma_start3A_141 = arith.constant 2 : i32
      %dma_start3A_142 = arith.constant 0 : i32
      %dma_start3A_143 = tpu.memref_slice %arg8[%select_n3A_63, %dma_start3A_141, %dma_start3A_142] : memref<2x8x128xi32, #tpu.memory_space<vmem>> -> memref<1x1x128xi32, #tpu.memory_space<vmem>>
      %dma_start3A_144 = tpu.memref_squeeze %dma_start3A_143 : memref<1x1x128xi32, #tpu.memory_space<vmem>> -> memref<128xi32, #tpu.memory_space<vmem>>
      %dma_start3A_145 = arith.constant 0 : i32
      %dma_start3A_146 = arith.constant 0 : i32
      %dma_start3A_147 = tpu.memref_slice %arg16[%dma_start3A_145, %dma_start3A_146] : memref<10240x128xf32, #tpu.memory_space<vmem_shared>> -> memref<10240x128xf32, #tpu.memory_space<vmem_shared>>
      tpu.enqueue_indirect_dma source(%arg9 : memref<128x128xf32, #tpu.memory_space<vmem>>) target(%dma_start3A_147 : memref<10240x128xf32, #tpu.memory_space<vmem_shared>>) offsets(%dma_start3A_144 : memref<128xi32, #tpu.memory_space<vmem>>) semaphore(%arg14 : memref<!tpu.dma_semaphore, #tpu.memory_space<semaphore_mem>>) {add = true}
      %dma_wait3A_148 = arith.constant 1 : i32
      %dma_wait3A_149 = arith.constant 0 : i32
      %dma_wait3A_150 = tpu.memref_slice %arg8[%select_n3A_63, %dma_wait3A_148, %dma_wait3A_149] : memref<2x8x128xi32, #tpu.memory_space<vmem>> -> memref<1x1x128xi32, #tpu.memory_space<vmem>>
      %dma_wait3A_151 = tpu.memref_squeeze %dma_wait3A_150 : memref<1x1x128xi32, #tpu.memory_space<vmem>> -> memref<128xi32, #tpu.memory_space<vmem>>
      %dma_wait3A_152 = arith.constant 0 : i32
      %dma_wait3A_153 = arith.constant 0 : i32
      %dma_wait3A_154 = tpu.memref_slice %arg16[%dma_wait3A_152, %dma_wait3A_153] : memref<10240x128xf32, #tpu.memory_space<vmem_shared>> -> memref<10240x128xf32, #tpu.memory_space<vmem_shared>>
      tpu.wait_indirect_dma semaphore(%arg15 : memref<!tpu.dma_semaphore, #tpu.memory_space<semaphore_mem>>) src(%arg10 : memref<128x128xf32, #tpu.memory_space<vmem>>) dst(%dma_wait3A_154 : memref<10240x128xf32, #tpu.memory_space<vmem_shared>>)
      %add3A_155 = arith.constant 1 : i32
      %add3A_156 = arith.addi %add3A_134, %add3A_155 : i32
      %dma_start3A_157 = arith.constant 0 : i32
      %dma_start3A_158 = tpu.memref_slice %arg7[%add3A_156, %dma_start3A_157] : memref<80x128xi32, #tpu.memory_space<vmem>> -> memref<1x128xi32, #tpu.memory_space<vmem>>
      %dma_start3A_159 = tpu.memref_squeeze %dma_start3A_158 : memref<1x128xi32, #tpu.memory_space<vmem>> -> memref<128xi32, #tpu.memory_space<vmem>>
      %dma_start3A_160 = arith.constant 0 : i32
      %dma_start3A_161 = arith.constant 0 : i32
      %dma_start3A_162 = tpu.memref_slice %arg2[%dma_start3A_160, %dma_start3A_161] : memref<10000x128xf32, #tpu.memory_space<hbm>> -> memref<10000x128xf32, #tpu.memory_space<hbm>>
      tpu.enqueue_indirect_dma source(%dma_start3A_162 : memref<10000x128xf32, #tpu.memory_space<hbm>>) target(%arg10 : memref<128x128xf32, #tpu.memory_space<vmem>>) offsets(%dma_start3A_159 : memref<128xi32, #tpu.memory_space<vmem>>) semaphore(%arg13 : memref<!tpu.dma_semaphore, #tpu.memory_space<semaphore_mem>>)
      %mul3A_163 = arith.constant 8 : i32
      %mul3A_164 = arith.muli %scan3A_54, %mul3A_163 : i32
      %add3A_165 = arith.constant 3 : i32
      %add3A_166 = arith.addi %mul3A_164, %add3A_165 : i32
      %dma_wait3A_167 = arith.constant 0 : i32
      %dma_wait3A_168 = tpu.memref_slice %arg7[%add3A_166, %dma_wait3A_167] : memref<80x128xi32, #tpu.memory_space<vmem>> -> memref<1x128xi32, #tpu.memory_space<vmem>>
      %dma_wait3A_169 = tpu.memref_squeeze %dma_wait3A_168 : memref<1x128xi32, #tpu.memory_space<vmem>> -> memref<128xi32, #tpu.memory_space<vmem>>
      %dma_wait3A_170 = arith.constant 0 : i32
      %dma_wait3A_171 = arith.constant 0 : i32
      %dma_wait3A_172 = tpu.memref_slice %arg2[%dma_wait3A_170, %dma_wait3A_171] : memref<10000x128xf32, #tpu.memory_space<hbm>> -> memref<10000x128xf32, #tpu.memory_space<hbm>>
      tpu.wait_indirect_dma semaphore(%arg13 : memref<!tpu.dma_semaphore, #tpu.memory_space<semaphore_mem>>) src(%dma_wait3A_172 : memref<10000x128xf32, #tpu.memory_space<hbm>>) dst(%arg10 : memref<128x128xf32, #tpu.memory_space<vmem>>)
      %dma_start3A_173 = arith.constant 3 : i32
      %dma_start3A_174 = arith.constant 0 : i32
      %dma_start3A_175 = tpu.memref_slice %arg8[%select_n3A_63, %dma_start3A_173, %dma_start3A_174] : memref<2x8x128xi32, #tpu.memory_space<vmem>> -> memref<1x1x128xi32, #tpu.memory_space<vmem>>
      %dma_start3A_176 = tpu.memref_squeeze %dma_start3A_175 : memref<1x1x128xi32, #tpu.memory_space<vmem>> -> memref<128xi32, #tpu.memory_space<vmem>>
      %dma_start3A_177 = arith.constant 0 : i32
      %dma_start3A_178 = arith.constant 0 : i32
      %dma_start3A_179 = tpu.memref_slice %arg16[%dma_start3A_177, %dma_start3A_178] : memref<10240x128xf32, #tpu.memory_space<vmem_shared>> -> memref<10240x128xf32, #tpu.memory_space<vmem_shared>>
      tpu.enqueue_indirect_dma source(%arg10 : memref<128x128xf32, #tpu.memory_space<vmem>>) target(%dma_start3A_179 : memref<10240x128xf32, #tpu.memory_space<vmem_shared>>) offsets(%dma_start3A_176 : memref<128xi32, #tpu.memory_space<vmem>>) semaphore(%arg15 : memref<!tpu.dma_semaphore, #tpu.memory_space<semaphore_mem>>) {add = true}
      %dma_wait3A_180 = arith.constant 2 : i32
      %dma_wait3A_181 = arith.constant 0 : i32
      %dma_wait3A_182 = tpu.memref_slice %arg8[%select_n3A_63, %dma_wait3A_180, %dma_wait3A_181] : memref<2x8x128xi32, #tpu.memory_space<vmem>> -> memref<1x1x128xi32, #tpu.memory_space<vmem>>
      %dma_wait3A_183 = tpu.memref_squeeze %dma_wait3A_182 : memref<1x1x128xi32, #tpu.memory_space<vmem>> -> memref<128xi32, #tpu.memory_space<vmem>>
      %dma_wait3A_184 = arith.constant 0 : i32
      %dma_wait3A_185 = arith.constant 0 : i32
      %dma_wait3A_186 = tpu.memref_slice %arg16[%dma_wait3A_184, %dma_wait3A_185] : memref<10240x128xf32, #tpu.memory_space<vmem_shared>> -> memref<10240x128xf32, #tpu.memory_space<vmem_shared>>
      tpu.wait_indirect_dma semaphore(%arg14 : memref<!tpu.dma_semaphore, #tpu.memory_space<semaphore_mem>>) src(%arg9 : memref<128x128xf32, #tpu.memory_space<vmem>>) dst(%dma_wait3A_186 : memref<10240x128xf32, #tpu.memory_space<vmem_shared>>)
      %add3A_187 = arith.constant 1 : i32
      %add3A_188 = arith.addi %add3A_166, %add3A_187 : i32
      %dma_start3A_189 = arith.constant 0 : i32
      %dma_start3A_190 = tpu.memref_slice %arg7[%add3A_188, %dma_start3A_189] : memref<80x128xi32, #tpu.memory_space<vmem>> -> memref<1x128xi32, #tpu.memory_space<vmem>>
      %dma_start3A_191 = tpu.memref_squeeze %dma_start3A_190 : memref<1x128xi32, #tpu.memory_space<vmem>> -> memref<128xi32, #tpu.memory_space<vmem>>
      %dma_start3A_192 = arith.constant 0 : i32
      %dma_start3A_193 = arith.constant 0 : i32
      %dma_start3A_194 = tpu.memref_slice %arg2[%dma_start3A_192, %dma_start3A_193] : memref<10000x128xf32, #tpu.memory_space<hbm>> -> memref<10000x128xf32, #tpu.memory_space<hbm>>
      tpu.enqueue_indirect_dma source(%dma_start3A_194 : memref<10000x128xf32, #tpu.memory_space<hbm>>) target(%arg9 : memref<128x128xf32, #tpu.memory_space<vmem>>) offsets(%dma_start3A_191 : memref<128xi32, #tpu.memory_space<vmem>>) semaphore(%arg12 : memref<!tpu.dma_semaphore, #tpu.memory_space<semaphore_mem>>)
      %mul3A_195 = arith.constant 8 : i32
      %mul3A_196 = arith.muli %scan3A_54, %mul3A_195 : i32
      %add3A_197 = arith.constant 4 : i32
      %add3A_198 = arith.addi %mul3A_196, %add3A_197 : i32
      %dma_wait3A_199 = arith.constant 0 : i32
      %dma_wait3A_200 = tpu.memref_slice %arg7[%add3A_198, %dma_wait3A_199] : memref<80x128xi32, #tpu.memory_space<vmem>> -> memref<1x128xi32, #tpu.memory_space<vmem>>
      %dma_wait3A_201 = tpu.memref_squeeze %dma_wait3A_200 : memref<1x128xi32, #tpu.memory_space<vmem>> -> memref<128xi32, #tpu.memory_space<vmem>>
      %dma_wait3A_202 = arith.constant 0 : i32
      %dma_wait3A_203 = arith.constant 0 : i32
      %dma_wait3A_204 = tpu.memref_slice %arg2[%dma_wait3A_202, %dma_wait3A_203] : memref<10000x128xf32, #tpu.memory_space<hbm>> -> memref<10000x128xf32, #tpu.memory_space<hbm>>
      tpu.wait_indirect_dma semaphore(%arg12 : memref<!tpu.dma_semaphore, #tpu.memory_space<semaphore_mem>>) src(%dma_wait3A_204 : memref<10000x128xf32, #tpu.memory_space<hbm>>) dst(%arg9 : memref<128x128xf32, #tpu.memory_space<vmem>>)
      %dma_start3A_205 = arith.constant 4 : i32
      %dma_start3A_206 = arith.constant 0 : i32
      %dma_start3A_207 = tpu.memref_slice %arg8[%select_n3A_63, %dma_start3A_205, %dma_start3A_206] : memref<2x8x128xi32, #tpu.memory_space<vmem>> -> memref<1x1x128xi32, #tpu.memory_space<vmem>>
      %dma_start3A_208 = tpu.memref_squeeze %dma_start3A_207 : memref<1x1x128xi32, #tpu.memory_space<vmem>> -> memref<128xi32, #tpu.memory_space<vmem>>
      %dma_start3A_209 = arith.constant 0 : i32
      %dma_start3A_210 = arith.constant 0 : i32
      %dma_start3A_211 = tpu.memref_slice %arg16[%dma_start3A_209, %dma_start3A_210] : memref<10240x128xf32, #tpu.memory_space<vmem_shared>> -> memref<10240x128xf32, #tpu.memory_space<vmem_shared>>
      tpu.enqueue_indirect_dma source(%arg9 : memref<128x128xf32, #tpu.memory_space<vmem>>) target(%dma_start3A_211 : memref<10240x128xf32, #tpu.memory_space<vmem_shared>>) offsets(%dma_start3A_208 : memref<128xi32, #tpu.memory_space<vmem>>) semaphore(%arg14 : memref<!tpu.dma_semaphore, #tpu.memory_space<semaphore_mem>>) {add = true}
      %dma_wait3A_212 = arith.constant 3 : i32
      %dma_wait3A_213 = arith.constant 0 : i32
      %dma_wait3A_214 = tpu.memref_slice %arg8[%select_n3A_63, %dma_wait3A_212, %dma_wait3A_213] : memref<2x8x128xi32, #tpu.memory_space<vmem>> -> memref<1x1x128xi32, #tpu.memory_space<vmem>>
      %dma_wait3A_215 = tpu.memref_squeeze %dma_wait3A_214 : memref<1x1x128xi32, #tpu.memory_space<vmem>> -> memref<128xi32, #tpu.memory_space<vmem>>
      %dma_wait3A_216 = arith.constant 0 : i32
      %dma_wait3A_217 = arith.constant 0 : i32
      %dma_wait3A_218 = tpu.memref_slice %arg16[%dma_wait3A_216, %dma_wait3A_217] : memref<10240x128xf32, #tpu.memory_space<vmem_shared>> -> memref<10240x128xf32, #tpu.memory_space<vmem_shared>>
      tpu.wait_indirect_dma semaphore(%arg15 : memref<!tpu.dma_semaphore, #tpu.memory_space<semaphore_mem>>) src(%arg10 : memref<128x128xf32, #tpu.memory_space<vmem>>) dst(%dma_wait3A_218 : memref<10240x128xf32, #tpu.memory_space<vmem_shared>>)
      %add3A_219 = arith.constant 1 : i32
      %add3A_220 = arith.addi %add3A_198, %add3A_219 : i32
      %dma_start3A_221 = arith.constant 0 : i32
      %dma_start3A_222 = tpu.memref_slice %arg7[%add3A_220, %dma_start3A_221] : memref<80x128xi32, #tpu.memory_space<vmem>> -> memref<1x128xi32, #tpu.memory_space<vmem>>
      %dma_start3A_223 = tpu.memref_squeeze %dma_start3A_222 : memref<1x128xi32, #tpu.memory_space<vmem>> -> memref<128xi32, #tpu.memory_space<vmem>>
      %dma_start3A_224 = arith.constant 0 : i32
      %dma_start3A_225 = arith.constant 0 : i32
      %dma_start3A_226 = tpu.memref_slice %arg2[%dma_start3A_224, %dma_start3A_225] : memref<10000x128xf32, #tpu.memory_space<hbm>> -> memref<10000x128xf32, #tpu.memory_space<hbm>>
      tpu.enqueue_indirect_dma source(%dma_start3A_226 : memref<10000x128xf32, #tpu.memory_space<hbm>>) target(%arg10 : memref<128x128xf32, #tpu.memory_space<vmem>>) offsets(%dma_start3A_223 : memref<128xi32, #tpu.memory_space<vmem>>) semaphore(%arg13 : memref<!tpu.dma_semaphore, #tpu.memory_space<semaphore_mem>>)
      %mul3A_227 = arith.constant 8 : i32
      %mul3A_228 = arith.muli %scan3A_54, %mul3A_227 : i32
      %add3A_229 = arith.constant 5 : i32
      %add3A_230 = arith.addi %mul3A_228, %add3A_229 : i32
      %dma_wait3A_231 = arith.constant 0 : i32
      %dma_wait3A_232 = tpu.memref_slice %arg7[%add3A_230, %dma_wait3A_231] : memref<80x128xi32, #tpu.memory_space<vmem>> -> memref<1x128xi32, #tpu.memory_space<vmem>>
      %dma_wait3A_233 = tpu.memref_squeeze %dma_wait3A_232 : memref<1x128xi32, #tpu.memory_space<vmem>> -> memref<128xi32, #tpu.memory_space<vmem>>
      %dma_wait3A_234 = arith.constant 0 : i32
      %dma_wait3A_235 = arith.constant 0 : i32
      %dma_wait3A_236 = tpu.memref_slice %arg2[%dma_wait3A_234, %dma_wait3A_235] : memref<10000x128xf32, #tpu.memory_space<hbm>> -> memref<10000x128xf32, #tpu.memory_space<hbm>>
      tpu.wait_indirect_dma semaphore(%arg13 : memref<!tpu.dma_semaphore, #tpu.memory_space<semaphore_mem>>) src(%dma_wait3A_236 : memref<10000x128xf32, #tpu.memory_space<hbm>>) dst(%arg10 : memref<128x128xf32, #tpu.memory_space<vmem>>)
      %dma_start3A_237 = arith.constant 5 : i32
      %dma_start3A_238 = arith.constant 0 : i32
      %dma_start3A_239 = tpu.memref_slice %arg8[%select_n3A_63, %dma_start3A_237, %dma_start3A_238] : memref<2x8x128xi32, #tpu.memory_space<vmem>> -> memref<1x1x128xi32, #tpu.memory_space<vmem>>
      %dma_start3A_240 = tpu.memref_squeeze %dma_start3A_239 : memref<1x1x128xi32, #tpu.memory_space<vmem>> -> memref<128xi32, #tpu.memory_space<vmem>>
      %dma_start3A_241 = arith.constant 0 : i32
      %dma_start3A_242 = arith.constant 0 : i32
      %dma_start3A_243 = tpu.memref_slice %arg16[%dma_start3A_241, %dma_start3A_242] : memref<10240x128xf32, #tpu.memory_space<vmem_shared>> -> memref<10240x128xf32, #tpu.memory_space<vmem_shared>>
      tpu.enqueue_indirect_dma source(%arg10 : memref<128x128xf32, #tpu.memory_space<vmem>>) target(%dma_start3A_243 : memref<10240x128xf32, #tpu.memory_space<vmem_shared>>) offsets(%dma_start3A_240 : memref<128xi32, #tpu.memory_space<vmem>>) semaphore(%arg15 : memref<!tpu.dma_semaphore, #tpu.memory_space<semaphore_mem>>) {add = true}
      %dma_wait3A_244 = arith.constant 4 : i32
      %dma_wait3A_245 = arith.constant 0 : i32
      %dma_wait3A_246 = tpu.memref_slice %arg8[%select_n3A_63, %dma_wait3A_244, %dma_wait3A_245] : memref<2x8x128xi32, #tpu.memory_space<vmem>> -> memref<1x1x128xi32, #tpu.memory_space<vmem>>
      %dma_wait3A_247 = tpu.memref_squeeze %dma_wait3A_246 : memref<1x1x128xi32, #tpu.memory_space<vmem>> -> memref<128xi32, #tpu.memory_space<vmem>>
      %dma_wait3A_248 = arith.constant 0 : i32
      %dma_wait3A_249 = arith.constant 0 : i32
      %dma_wait3A_250 = tpu.memref_slice %arg16[%dma_wait3A_248, %dma_wait3A_249] : memref<10240x128xf32, #tpu.memory_space<vmem_shared>> -> memref<10240x128xf32, #tpu.memory_space<vmem_shared>>
      tpu.wait_indirect_dma semaphore(%arg14 : memref<!tpu.dma_semaphore, #tpu.memory_space<semaphore_mem>>) src(%arg9 : memref<128x128xf32, #tpu.memory_space<vmem>>) dst(%dma_wait3A_250 : memref<10240x128xf32, #tpu.memory_space<vmem_shared>>)
      %add3A_251 = arith.constant 1 : i32
      %add3A_252 = arith.addi %add3A_230, %add3A_251 : i32
      %dma_start3A_253 = arith.constant 0 : i32
      %dma_start3A_254 = tpu.memref_slice %arg7[%add3A_252, %dma_start3A_253] : memref<80x128xi32, #tpu.memory_space<vmem>> -> memref<1x128xi32, #tpu.memory_space<vmem>>
      %dma_start3A_255 = tpu.memref_squeeze %dma_start3A_254 : memref<1x128xi32, #tpu.memory_space<vmem>> -> memref<128xi32, #tpu.memory_space<vmem>>
      %dma_start3A_256 = arith.constant 0 : i32
      %dma_start3A_257 = arith.constant 0 : i32
      %dma_start3A_258 = tpu.memref_slice %arg2[%dma_start3A_256, %dma_start3A_257] : memref<10000x128xf32, #tpu.memory_space<hbm>> -> memref<10000x128xf32, #tpu.memory_space<hbm>>
      tpu.enqueue_indirect_dma source(%dma_start3A_258 : memref<10000x128xf32, #tpu.memory_space<hbm>>) target(%arg9 : memref<128x128xf32, #tpu.memory_space<vmem>>) offsets(%dma_start3A_255 : memref<128xi32, #tpu.memory_space<vmem>>) semaphore(%arg12 : memref<!tpu.dma_semaphore, #tpu.memory_space<semaphore_mem>>)
      %mul3A_259 = arith.constant 8 : i32
      %mul3A_260 = arith.muli %scan3A_54, %mul3A_259 : i32
      %add3A_261 = arith.constant 6 : i32
      %add3A_262 = arith.addi %mul3A_260, %add3A_261 : i32
      %dma_wait3A_263 = arith.constant 0 : i32
      %dma_wait3A_264 = tpu.memref_slice %arg7[%add3A_262, %dma_wait3A_263] : memref<80x128xi32, #tpu.memory_space<vmem>> -> memref<1x128xi32, #tpu.memory_space<vmem>>
      %dma_wait3A_265 = tpu.memref_squeeze %dma_wait3A_264 : memref<1x128xi32, #tpu.memory_space<vmem>> -> memref<128xi32, #tpu.memory_space<vmem>>
      %dma_wait3A_266 = arith.constant 0 : i32
      %dma_wait3A_267 = arith.constant 0 : i32
      %dma_wait3A_268 = tpu.memref_slice %arg2[%dma_wait3A_266, %dma_wait3A_267] : memref<10000x128xf32, #tpu.memory_space<hbm>> -> memref<10000x128xf32, #tpu.memory_space<hbm>>
      tpu.wait_indirect_dma semaphore(%arg12 : memref<!tpu.dma_semaphore, #tpu.memory_space<semaphore_mem>>) src(%dma_wait3A_268 : memref<10000x128xf32, #tpu.memory_space<hbm>>) dst(%arg9 : memref<128x128xf32, #tpu.memory_space<vmem>>)
      %dma_start3A_269 = arith.constant 6 : i32
      %dma_start3A_270 = arith.constant 0 : i32
      %dma_start3A_271 = tpu.memref_slice %arg8[%select_n3A_63, %dma_start3A_269, %dma_start3A_270] : memref<2x8x128xi32, #tpu.memory_space<vmem>> -> memref<1x1x128xi32, #tpu.memory_space<vmem>>
      %dma_start3A_272 = tpu.memref_squeeze %dma_start3A_271 : memref<1x1x128xi32, #tpu.memory_space<vmem>> -> memref<128xi32, #tpu.memory_space<vmem>>
      %dma_start3A_273 = arith.constant 0 : i32
      %dma_start3A_274 = arith.constant 0 : i32
      %dma_start3A_275 = tpu.memref_slice %arg16[%dma_start3A_273, %dma_start3A_274] : memref<10240x128xf32, #tpu.memory_space<vmem_shared>> -> memref<10240x128xf32, #tpu.memory_space<vmem_shared>>
      tpu.enqueue_indirect_dma source(%arg9 : memref<128x128xf32, #tpu.memory_space<vmem>>) target(%dma_start3A_275 : memref<10240x128xf32, #tpu.memory_space<vmem_shared>>) offsets(%dma_start3A_272 : memref<128xi32, #tpu.memory_space<vmem>>) semaphore(%arg14 : memref<!tpu.dma_semaphore, #tpu.memory_space<semaphore_mem>>) {add = true}
      %dma_wait3A_276 = arith.constant 5 : i32
      %dma_wait3A_277 = arith.constant 0 : i32
      %dma_wait3A_278 = tpu.memref_slice %arg8[%select_n3A_63, %dma_wait3A_276, %dma_wait3A_277] : memref<2x8x128xi32, #tpu.memory_space<vmem>> -> memref<1x1x128xi32, #tpu.memory_space<vmem>>
      %dma_wait3A_279 = tpu.memref_squeeze %dma_wait3A_278 : memref<1x1x128xi32, #tpu.memory_space<vmem>> -> memref<128xi32, #tpu.memory_space<vmem>>
      %dma_wait3A_280 = arith.constant 0 : i32
      %dma_wait3A_281 = arith.constant 0 : i32
      %dma_wait3A_282 = tpu.memref_slice %arg16[%dma_wait3A_280, %dma_wait3A_281] : memref<10240x128xf32, #tpu.memory_space<vmem_shared>> -> memref<10240x128xf32, #tpu.memory_space<vmem_shared>>
      tpu.wait_indirect_dma semaphore(%arg15 : memref<!tpu.dma_semaphore, #tpu.memory_space<semaphore_mem>>) src(%arg10 : memref<128x128xf32, #tpu.memory_space<vmem>>) dst(%dma_wait3A_282 : memref<10240x128xf32, #tpu.memory_space<vmem_shared>>)
      %add3A_283 = arith.constant 1 : i32
      %add3A_284 = arith.addi %add3A_262, %add3A_283 : i32
      %dma_start3A_285 = arith.constant 0 : i32
      %dma_start3A_286 = tpu.memref_slice %arg7[%add3A_284, %dma_start3A_285] : memref<80x128xi32, #tpu.memory_space<vmem>> -> memref<1x128xi32, #tpu.memory_space<vmem>>
      %dma_start3A_287 = tpu.memref_squeeze %dma_start3A_286 : memref<1x128xi32, #tpu.memory_space<vmem>> -> memref<128xi32, #tpu.memory_space<vmem>>
      %dma_start3A_288 = arith.constant 0 : i32
      %dma_start3A_289 = arith.constant 0 : i32
      %dma_start3A_290 = tpu.memref_slice %arg2[%dma_start3A_288, %dma_start3A_289] : memref<10000x128xf32, #tpu.memory_space<hbm>> -> memref<10000x128xf32, #tpu.memory_space<hbm>>
      tpu.enqueue_indirect_dma source(%dma_start3A_290 : memref<10000x128xf32, #tpu.memory_space<hbm>>) target(%arg10 : memref<128x128xf32, #tpu.memory_space<vmem>>) offsets(%dma_start3A_287 : memref<128xi32, #tpu.memory_space<vmem>>) semaphore(%arg13 : memref<!tpu.dma_semaphore, #tpu.memory_space<semaphore_mem>>)
      %mul3A_291 = arith.constant 8 : i32
      %mul3A_292 = arith.muli %scan3A_54, %mul3A_291 : i32
      %add3A_293 = arith.constant 7 : i32
      %add3A_294 = arith.addi %mul3A_292, %add3A_293 : i32
      %dma_wait3A_295 = arith.constant 0 : i32
      %dma_wait3A_296 = tpu.memref_slice %arg7[%add3A_294, %dma_wait3A_295] : memref<80x128xi32, #tpu.memory_space<vmem>> -> memref<1x128xi32, #tpu.memory_space<vmem>>
      %dma_wait3A_297 = tpu.memref_squeeze %dma_wait3A_296 : memref<1x128xi32, #tpu.memory_space<vmem>> -> memref<128xi32, #tpu.memory_space<vmem>>
      %dma_wait3A_298 = arith.constant 0 : i32
      %dma_wait3A_299 = arith.constant 0 : i32
      %dma_wait3A_300 = tpu.memref_slice %arg2[%dma_wait3A_298, %dma_wait3A_299] : memref<10000x128xf32, #tpu.memory_space<hbm>> -> memref<10000x128xf32, #tpu.memory_space<hbm>>
      tpu.wait_indirect_dma semaphore(%arg13 : memref<!tpu.dma_semaphore, #tpu.memory_space<semaphore_mem>>) src(%dma_wait3A_300 : memref<10000x128xf32, #tpu.memory_space<hbm>>) dst(%arg10 : memref<128x128xf32, #tpu.memory_space<vmem>>)
      %dma_start3A_301 = arith.constant 7 : i32
      %dma_start3A_302 = arith.constant 0 : i32
      %dma_start3A_303 = tpu.memref_slice %arg8[%select_n3A_63, %dma_start3A_301, %dma_start3A_302] : memref<2x8x128xi32, #tpu.memory_space<vmem>> -> memref<1x1x128xi32, #tpu.memory_space<vmem>>
      %dma_start3A_304 = tpu.memref_squeeze %dma_start3A_303 : memref<1x1x128xi32, #tpu.memory_space<vmem>> -> memref<128xi32, #tpu.memory_space<vmem>>
      %dma_start3A_305 = arith.constant 0 : i32
      %dma_start3A_306 = arith.constant 0 : i32
      %dma_start3A_307 = tpu.memref_slice %arg16[%dma_start3A_305, %dma_start3A_306] : memref<10240x128xf32, #tpu.memory_space<vmem_shared>> -> memref<10240x128xf32, #tpu.memory_space<vmem_shared>>
      tpu.enqueue_indirect_dma source(%arg10 : memref<128x128xf32, #tpu.memory_space<vmem>>) target(%dma_start3A_307 : memref<10240x128xf32, #tpu.memory_space<vmem_shared>>) offsets(%dma_start3A_304 : memref<128xi32, #tpu.memory_space<vmem>>) semaphore(%arg15 : memref<!tpu.dma_semaphore, #tpu.memory_space<semaphore_mem>>) {add = true}
      %lt3A_308 = arith.constant 9 : i32
      %lt3A_309 = arith.cmpi slt, %scan3A_54, %lt3A_308 : i32
      %convert_element_type3A_310 = arith.extui %lt3A_309 : i1 to i32
      %cond3A_311 = arith.constant 0 : i32
      %cond3A_312 = arith.cmpi ne, %convert_element_type3A_310, %cond3A_311 : i32
      scf.if %cond3A_312 {
        %add3A_313 = arith.constant 1 : i32
        %add3A_314 = arith.addi %scan3A_54, %add3A_313 : i32
        %mul3A_315 = arith.constant 8 : i32
        %mul3A_316 = arith.muli %add3A_314, %mul3A_315 : i32
        %add3A_317 = arith.addi %mul3A_2, %mul3A_316 : i32
        %jit3A_318 = arith.constant 2 : i32
        %eq3A_319 = arith.constant 0 : i32
        %eq3A_320 = arith.cmpi eq, %jit3A_318, %eq3A_319 : i32
        %jit3A_321 = arith.constant 1 : i32
        %select_n3A_322 = arith.select %eq3A_320, %jit3A_321, %jit3A_318 : i32
        %rem3A_323 = arith.remsi %add3A_314, %select_n3A_322 : i32
        %ne3A_324 = arith.constant 0 : i32
        %ne3A_325 = arith.cmpi ne, %rem3A_323, %ne3A_324 : i32
        %lt3A_326 = arith.constant 0 : i32
        %lt3A_327 = arith.cmpi slt, %rem3A_323, %lt3A_326 : i32
        %lt3A_328 = arith.constant 0 : i32
        %lt3A_329 = arith.cmpi slt, %select_n3A_322, %lt3A_328 : i32
        %ne3A_330 = arith.xori %lt3A_327, %lt3A_329 : i1
        %and3A_331 = arith.andi %ne3A_330, %ne3A_325 : i1
        %add3A_332 = arith.addi %rem3A_323, %select_n3A_322 : i32
        %select_n3A_333 = arith.select %and3A_331, %add3A_332, %rem3A_323 : i32
        %dma_wait3A_334 = arith.constant 0 : i32
        %dma_wait3A_335 = arith.constant 0 : i32
        %dma_wait3A_336 = tpu.memref_slice %arg8[%select_n3A_333, %dma_wait3A_334, %dma_wait3A_335] : memref<2x8x128xi32, #tpu.memory_space<vmem>> -> memref<1x8x128xi32, #tpu.memory_space<vmem>>
        %dma_wait3A_337 = tpu.memref_squeeze %dma_wait3A_336 : memref<1x8x128xi32, #tpu.memory_space<vmem>> -> memref<8x128xi32, #tpu.memory_space<vmem>>
        %dma_wait3A_338 = arith.constant 0 : i32
        %dma_wait3A_339 = tpu.memref_slice %arg4[%add3A_317, %dma_wait3A_338] : memref<2560x128xi32, #tpu.memory_space<hbm>> -> memref<8x128xi32, #tpu.memory_space<hbm>>
        %dma_wait3A_340 = arith.constant 0 : i32
        %dma_wait3A_341 = arith.constant 0 : i32
        %dma_wait3A_342 = tpu.memref_slice %arg8[%select_n3A_333, %dma_wait3A_340, %dma_wait3A_341] : memref<2x8x128xi32, #tpu.memory_space<vmem>> -> memref<1x8x128xi32, #tpu.memory_space<vmem>>
        %dma_wait3A_343 = tpu.memref_squeeze %dma_wait3A_342 : memref<1x8x128xi32, #tpu.memory_space<vmem>> -> memref<8x128xi32, #tpu.memory_space<vmem>>
        %dma_wait3A_344 = arith.constant 0 : i32
        %dma_wait3A_345 = tpu.memref_slice %arg4[%add3A_317, %dma_wait3A_344] : memref<2560x128xi32, #tpu.memory_space<hbm>> -> memref<8x128xi32, #tpu.memory_space<hbm>>
        tpu.wait_dma2 semaphore(%arg11 : memref<!tpu.dma_semaphore, #tpu.memory_space<semaphore_mem>>) src(%dma_wait3A_345 : memref<8x128xi32, #tpu.memory_space<hbm>>) dst(%dma_wait3A_343 : memref<8x128xi32, #tpu.memory_space<vmem>>)
        %dma_wait3A_346 = arith.constant 6 : i32
        %dma_wait3A_347 = arith.constant 0 : i32
        %dma_wait3A_348 = tpu.memref_slice %arg8[%select_n3A_63, %dma_wait3A_346, %dma_wait3A_347] : memref<2x8x128xi32, #tpu.memory_space<vmem>> -> memref<1x1x128xi32, #tpu.memory_space<vmem>>
        %dma_wait3A_349 = tpu.memref_squeeze %dma_wait3A_348 : memref<1x1x128xi32, #tpu.memory_space<vmem>> -> memref<128xi32, #tpu.memory_space<vmem>>
        %dma_wait3A_350 = arith.constant 0 : i32
        %dma_wait3A_351 = arith.constant 0 : i32
        %dma_wait3A_352 = tpu.memref_slice %arg16[%dma_wait3A_350, %dma_wait3A_351] : memref<10240x128xf32, #tpu.memory_space<vmem_shared>> -> memref<10240x128xf32, #tpu.memory_space<vmem_shared>>
        tpu.wait_indirect_dma semaphore(%arg14 : memref<!tpu.dma_semaphore, #tpu.memory_space<semaphore_mem>>) src(%arg9 : memref<128x128xf32, #tpu.memory_space<vmem>>) dst(%dma_wait3A_352 : memref<10240x128xf32, #tpu.memory_space<vmem_shared>>)
        %add3A_353 = arith.constant 1 : i32
        %add3A_354 = arith.addi %scan3A_54, %add3A_353 : i32
        %mul3A_355 = arith.constant 8 : i32
        %mul3A_356 = arith.muli %add3A_354, %mul3A_355 : i32
        %dma_start3A_357 = arith.constant 0 : i32
        %dma_start3A_358 = tpu.memref_slice %arg7[%mul3A_356, %dma_start3A_357] : memref<80x128xi32, #tpu.memory_space<vmem>> -> memref<1x128xi32, #tpu.memory_space<vmem>>
        %dma_start3A_359 = tpu.memref_squeeze %dma_start3A_358 : memref<1x128xi32, #tpu.memory_space<vmem>> -> memref<128xi32, #tpu.memory_space<vmem>>
        %dma_start3A_360 = arith.constant 0 : i32
        %dma_start3A_361 = arith.constant 0 : i32
        %dma_start3A_362 = tpu.memref_slice %arg2[%dma_start3A_360, %dma_start3A_361] : memref<10000x128xf32, #tpu.memory_space<hbm>> -> memref<10000x128xf32, #tpu.memory_space<hbm>>
        tpu.enqueue_indirect_dma source(%dma_start3A_362 : memref<10000x128xf32, #tpu.memory_space<hbm>>) target(%arg9 : memref<128x128xf32, #tpu.memory_space<vmem>>) offsets(%dma_start3A_359 : memref<128xi32, #tpu.memory_space<vmem>>) semaphore(%arg12 : memref<!tpu.dma_semaphore, #tpu.memory_space<semaphore_mem>>)
      } else {
      }
    }
    %scan3A_30 = arith.constant 10 : i32
    %dma_wait3A = arith.constant 1 : i32
    %dma_wait3A_31 = arith.constant 6 : i32
    %dma_wait3A_32 = arith.constant 0 : i32
    %dma_wait3A_33 = tpu.memref_slice %arg8[%dma_wait3A, %dma_wait3A_31, %dma_wait3A_32] : memref<2x8x128xi32, #tpu.memory_space<vmem>> -> memref<1x1x128xi32, #tpu.memory_space<vmem>>
    %dma_wait3A_34 = tpu.memref_squeeze %dma_wait3A_33 : memref<1x1x128xi32, #tpu.memory_space<vmem>> -> memref<128xi32, #tpu.memory_space<vmem>>
    %dma_wait3A_35 = arith.constant 0 : i32
    %dma_wait3A_36 = arith.constant 0 : i32
    %dma_wait3A_37 = tpu.memref_slice %arg16[%dma_wait3A_35, %dma_wait3A_36] : memref<10240x128xf32, #tpu.memory_space<vmem_shared>> -> memref<10240x128xf32, #tpu.memory_space<vmem_shared>>
    tpu.wait_indirect_dma semaphore(%arg14 : memref<!tpu.dma_semaphore, #tpu.memory_space<semaphore_mem>>) src(%arg9 : memref<128x128xf32, #tpu.memory_space<vmem>>) dst(%dma_wait3A_37 : memref<10240x128xf32, #tpu.memory_space<vmem_shared>>)
    %dma_wait3A_38 = arith.constant 1 : i32
    %dma_wait3A_39 = arith.constant 7 : i32
    %dma_wait3A_40 = arith.constant 0 : i32
    %dma_wait3A_41 = tpu.memref_slice %arg8[%dma_wait3A_38, %dma_wait3A_39, %dma_wait3A_40] : memref<2x8x128xi32, #tpu.memory_space<vmem>> -> memref<1x1x128xi32, #tpu.memory_space<vmem>>
    %dma_wait3A_42 = tpu.memref_squeeze %dma_wait3A_41 : memref<1x1x128xi32, #tpu.memory_space<vmem>> -> memref<128xi32, #tpu.memory_space<vmem>>
    %dma_wait3A_43 = arith.constant 0 : i32
    %dma_wait3A_44 = arith.constant 0 : i32
    %dma_wait3A_45 = tpu.memref_slice %arg16[%dma_wait3A_43, %dma_wait3A_44] : memref<10240x128xf32, #tpu.memory_space<vmem_shared>> -> memref<10240x128xf32, #tpu.memory_space<vmem_shared>>
    tpu.wait_indirect_dma semaphore(%arg15 : memref<!tpu.dma_semaphore, #tpu.memory_space<semaphore_mem>>) src(%arg10 : memref<128x128xf32, #tpu.memory_space<vmem>>) dst(%dma_wait3A_45 : memref<10240x128xf32, #tpu.memory_space<vmem_shared>>)
    %barrier3A_46 = arith.constant 0 : index
    tpu.barrier barrier_id(%barrier3A_46)
    %mul3A_47 = arith.constant 640 : i32
    %mul3A_48 = arith.muli %arg1, %mul3A_47 : i32
    %mul3A_49 = arith.constant 10240 : i32
    %mul3A_50 = arith.muli %arg0, %mul3A_49 : i32
    %mul3A_51 = arith.constant 640 : i32
    %mul3A_52 = arith.muli %arg1, %mul3A_51 : i32
    %add3A_53 = arith.addi %mul3A_50, %mul3A_52 : i32
    "tpu.region"() ({
      %run_scoped3A_54 = tpu.sem_alloc : memref<!tpu.dma_semaphore, #tpu.memory_space<semaphore_mem>>
      %dma_start3A_55 = arith.constant 0 : i32
      %dma_start3A_56 = tpu.memref_slice %arg6[%add3A_53, %dma_start3A_55] : memref<20480x128xf32, #tpu.memory_space<hbm>> -> memref<640x128xf32, #tpu.memory_space<hbm>>
      %dma_start3A_57 = arith.constant 0 : i32
      %dma_start3A_58 = tpu.memref_slice %arg16[%mul3A_48, %dma_start3A_57] : memref<10240x128xf32, #tpu.memory_space<vmem_shared>> -> memref<640x128xf32, #tpu.memory_space<vmem_shared>>
      tpu.enqueue_dma source(%dma_start3A_58 : memref<640x128xf32, #tpu.memory_space<vmem_shared>>) target(%dma_start3A_56 : memref<640x128xf32, #tpu.memory_space<hbm>>) target_semaphore(%run_scoped3A_54 : memref<!tpu.dma_semaphore, #tpu.memory_space<semaphore_mem>>)
      %dma_wait3A_59 = arith.constant 0 : i32
      %dma_wait3A_60 = tpu.memref_slice %arg6[%add3A_53, %dma_wait3A_59] : memref<20480x128xf32, #tpu.memory_space<hbm>> -> memref<640x128xf32, #tpu.memory_space<hbm>>
      %dma_wait3A_61 = arith.constant 0 : i32
      %dma_wait3A_62 = tpu.memref_slice %arg16[%mul3A_48, %dma_wait3A_61] : memref<10240x128xf32, #tpu.memory_space<vmem_shared>> -> memref<640x128xf32, #tpu.memory_space<vmem_shared>>
      tpu.wait_dma2 semaphore(%run_scoped3A_54 : memref<!tpu.dma_semaphore, #tpu.memory_space<semaphore_mem>>) src(%dma_wait3A_62 : memref<640x128xf32, #tpu.memory_space<vmem_shared>>) dst(%dma_wait3A_60 : memref<640x128xf32, #tpu.memory_space<hbm>>)
      tpu.yield
    }) : () -> ()
    return
  }
}

#map = affine_map<(d0, d1) -> (0, 0)>
module attributes {stable_mosaic.version = 14 : i64} {
  func.func @_sc_degree(%arg0: i32, %arg1: i32, %arg2: memref<2560x128xi32, #tpu.memory_space<hbm>>, %arg3: memref<128x128xf32, #tpu.memory_space<hbm>>, %arg4: memref<640x128xf32, #tpu.memory_space<hbm>>, %arg5: memref<20480x128xf32, #tpu.memory_space<hbm>>, %arg6: memref<80x128xi32, #tpu.memory_space<vmem>>, %arg7: memref<128x128xf32, #tpu.memory_space<vmem>>, %arg8: memref<10240x128xf32, #tpu.memory_space<vmem_shared>>) attributes {dimension_semantics = [#tpu.dimension_semantics<core_parallel>, #tpu.dimension_semantics<subcore_parallel>], iteration_bounds = array<i64: 2, 16>, scalar_prefetch = 0 : i64, scratch_operands = 3 : i64, tpu.core_type = #tpu.core_type<sc_vector_subcore>, window_params = [{transform_indices = #map}, {transform_indices = #map}, {transform_indices = #map}, {transform_indices = #map}]} {
    %mul3A = arith.constant 16 : i32
    %mul3A_0 = arith.muli %arg0, %mul3A : i32
    %add3A = arith.addi %mul3A_0, %arg1 : i32
    %mul3A_1 = arith.constant 640 : i32
    %mul3A_2 = arith.muli %arg1, %mul3A_1 : i32
    "tpu.region"() ({
      %run_scoped3A = tpu.sem_alloc : memref<!tpu.dma_semaphore, #tpu.memory_space<semaphore_mem>>
      %dma_start3A = arith.constant 0 : i32
      %dma_start3A_18 = tpu.memref_slice %arg8[%mul3A_2, %dma_start3A] : memref<10240x128xf32, #tpu.memory_space<vmem_shared>> -> memref<640x128xf32, #tpu.memory_space<vmem_shared>>
      tpu.enqueue_dma source(%arg4 : memref<640x128xf32, #tpu.memory_space<hbm>>) target(%dma_start3A_18 : memref<640x128xf32, #tpu.memory_space<vmem_shared>>) target_semaphore(%run_scoped3A : memref<!tpu.dma_semaphore, #tpu.memory_space<semaphore_mem>>)
      %dma_wait3A = arith.constant 0 : i32
      %dma_wait3A_19 = tpu.memref_slice %arg8[%mul3A_2, %dma_wait3A] : memref<10240x128xf32, #tpu.memory_space<vmem_shared>> -> memref<640x128xf32, #tpu.memory_space<vmem_shared>>
      tpu.wait_dma2 semaphore(%run_scoped3A : memref<!tpu.dma_semaphore, #tpu.memory_space<semaphore_mem>>) src(%arg4 : memref<640x128xf32, #tpu.memory_space<hbm>>) dst(%dma_wait3A_19 : memref<640x128xf32, #tpu.memory_space<vmem_shared>>)
      tpu.yield
    }) : () -> ()
    "tpu.region"() ({
      %run_scoped3A = tpu.sem_alloc : memref<!tpu.dma_semaphore, #tpu.memory_space<semaphore_mem>>
      tpu.enqueue_dma source(%arg3 : memref<128x128xf32, #tpu.memory_space<hbm>>) target(%arg7 : memref<128x128xf32, #tpu.memory_space<vmem>>) target_semaphore(%run_scoped3A : memref<!tpu.dma_semaphore, #tpu.memory_space<semaphore_mem>>)
      tpu.wait_dma2 semaphore(%run_scoped3A : memref<!tpu.dma_semaphore, #tpu.memory_space<semaphore_mem>>) src(%arg3 : memref<128x128xf32, #tpu.memory_space<hbm>>) dst(%arg7 : memref<128x128xf32, #tpu.memory_space<vmem>>)
      tpu.yield
    }) : () -> ()
    %mul3A_3 = arith.constant 80 : i32
    %mul3A_4 = arith.muli %add3A, %mul3A_3 : i32
    "tpu.region"() ({
      %run_scoped3A = tpu.sem_alloc : memref<!tpu.dma_semaphore, #tpu.memory_space<semaphore_mem>>
      %dma_start3A = arith.constant 0 : i32
      %dma_start3A_18 = tpu.memref_slice %arg2[%mul3A_4, %dma_start3A] : memref<2560x128xi32, #tpu.memory_space<hbm>> -> memref<80x128xi32, #tpu.memory_space<hbm>>
      %dma_start3A_19 = arith.constant 0 : i32
      %dma_start3A_20 = tpu.memref_slice %arg2[%mul3A_4, %dma_start3A_19] : memref<2560x128xi32, #tpu.memory_space<hbm>> -> memref<80x128xi32, #tpu.memory_space<hbm>>
      tpu.enqueue_dma source(%dma_start3A_20 : memref<80x128xi32, #tpu.memory_space<hbm>>) target(%arg6 : memref<80x128xi32, #tpu.memory_space<vmem>>) target_semaphore(%run_scoped3A : memref<!tpu.dma_semaphore, #tpu.memory_space<semaphore_mem>>)
      %dma_wait3A = arith.constant 0 : i32
      %dma_wait3A_21 = tpu.memref_slice %arg2[%mul3A_4, %dma_wait3A] : memref<2560x128xi32, #tpu.memory_space<hbm>> -> memref<80x128xi32, #tpu.memory_space<hbm>>
      %dma_wait3A_22 = arith.constant 0 : i32
      %dma_wait3A_23 = tpu.memref_slice %arg2[%mul3A_4, %dma_wait3A_22] : memref<2560x128xi32, #tpu.memory_space<hbm>> -> memref<80x128xi32, #tpu.memory_space<hbm>>
      tpu.wait_dma2 semaphore(%run_scoped3A : memref<!tpu.dma_semaphore, #tpu.memory_space<semaphore_mem>>) src(%dma_wait3A_23 : memref<80x128xi32, #tpu.memory_space<hbm>>) dst(%arg6 : memref<80x128xi32, #tpu.memory_space<vmem>>)
      tpu.yield
    }) : () -> ()
    %barrier3A = arith.constant 0 : index
    tpu.barrier barrier_id(%barrier3A)
    %scan3A = arith.constant 0 : i32
    %scan3A_5 = arith.constant 0 : i32
    %scan3A_6 = arith.constant 80 : i32
    %scan3A_7 = arith.addi %scan3A_5, %scan3A_6 : i32
    %scan3A_8 = arith.constant 1 : i32
    scf.for %scan3A_18 = %scan3A_5 to %scan3A_7 step %scan3A_8  : i32 {
      "tpu.region"() ({
        %run_scoped3A = tpu.sem_alloc : memref<!tpu.dma_semaphore, #tpu.memory_space<semaphore_mem>>
        %dma_start3A = arith.constant 0 : i32
        %dma_start3A_19 = tpu.memref_slice %arg6[%scan3A_18, %dma_start3A] : memref<80x128xi32, #tpu.memory_space<vmem>> -> memref<1x128xi32, #tpu.memory_space<vmem>>
        %dma_start3A_20 = tpu.memref_squeeze %dma_start3A_19 : memref<1x128xi32, #tpu.memory_space<vmem>> -> memref<128xi32, #tpu.memory_space<vmem>>
        %dma_start3A_21 = arith.constant 0 : i32
        %dma_start3A_22 = arith.constant 0 : i32
        %dma_start3A_23 = tpu.memref_slice %arg8[%dma_start3A_21, %dma_start3A_22] : memref<10240x128xf32, #tpu.memory_space<vmem_shared>> -> memref<10240x128xf32, #tpu.memory_space<vmem_shared>>
        tpu.enqueue_indirect_dma source(%arg7 : memref<128x128xf32, #tpu.memory_space<vmem>>) target(%dma_start3A_23 : memref<10240x128xf32, #tpu.memory_space<vmem_shared>>) offsets(%dma_start3A_20 : memref<128xi32, #tpu.memory_space<vmem>>) semaphore(%run_scoped3A : memref<!tpu.dma_semaphore, #tpu.memory_space<semaphore_mem>>) {add = true}
        %dma_wait3A = arith.constant 0 : i32
        %dma_wait3A_24 = tpu.memref_slice %arg6[%scan3A_18, %dma_wait3A] : memref<80x128xi32, #tpu.memory_space<vmem>> -> memref<1x128xi32, #tpu.memory_space<vmem>>
        %dma_wait3A_25 = tpu.memref_squeeze %dma_wait3A_24 : memref<1x128xi32, #tpu.memory_space<vmem>> -> memref<128xi32, #tpu.memory_space<vmem>>
        %dma_wait3A_26 = arith.constant 0 : i32
        %dma_wait3A_27 = arith.constant 0 : i32
        %dma_wait3A_28 = tpu.memref_slice %arg8[%dma_wait3A_26, %dma_wait3A_27] : memref<10240x128xf32, #tpu.memory_space<vmem_shared>> -> memref<10240x128xf32, #tpu.memory_space<vmem_shared>>
        tpu.wait_indirect_dma semaphore(%run_scoped3A : memref<!tpu.dma_semaphore, #tpu.memory_space<semaphore_mem>>) src(%arg7 : memref<128x128xf32, #tpu.memory_space<vmem>>) dst(%dma_wait3A_28 : memref<10240x128xf32, #tpu.memory_space<vmem_shared>>)
        tpu.yield
      }) : () -> ()
    }
    %scan3A_9 = arith.constant 80 : i32
    %barrier3A_10 = arith.constant 0 : index
    tpu.barrier barrier_id(%barrier3A_10)
    %mul3A_11 = arith.constant 640 : i32
    %mul3A_12 = arith.muli %arg1, %mul3A_11 : i32
    %mul3A_13 = arith.constant 10240 : i32
    %mul3A_14 = arith.muli %arg0, %mul3A_13 : i32
    %mul3A_15 = arith.constant 640 : i32
    %mul3A_16 = arith.muli %arg1, %mul3A_15 : i32
    %add3A_17 = arith.addi %mul3A_14, %mul3A_16 : i32
    "tpu.region"() ({
      %run_scoped3A = tpu.sem_alloc : memref<!tpu.dma_semaphore, #tpu.memory_space<semaphore_mem>>
      %dma_start3A = arith.constant 0 : i32
      %dma_start3A_18 = tpu.memref_slice %arg5[%add3A_17, %dma_start3A] : memref<20480x128xf32, #tpu.memory_space<hbm>> -> memref<640x128xf32, #tpu.memory_space<hbm>>
      %dma_start3A_19 = arith.constant 0 : i32
      %dma_start3A_20 = tpu.memref_slice %arg8[%mul3A_12, %dma_start3A_19] : memref<10240x128xf32, #tpu.memory_space<vmem_shared>> -> memref<640x128xf32, #tpu.memory_space<vmem_shared>>
      tpu.enqueue_dma source(%dma_start3A_20 : memref<640x128xf32, #tpu.memory_space<vmem_shared>>) target(%dma_start3A_18 : memref<640x128xf32, #tpu.memory_space<hbm>>) target_semaphore(%run_scoped3A : memref<!tpu.dma_semaphore, #tpu.memory_space<semaphore_mem>>)
      %dma_wait3A = arith.constant 0 : i32
      %dma_wait3A_21 = tpu.memref_slice %arg5[%add3A_17, %dma_wait3A] : memref<20480x128xf32, #tpu.memory_space<hbm>> -> memref<640x128xf32, #tpu.memory_space<hbm>>
      %dma_wait3A_22 = arith.constant 0 : i32
      %dma_wait3A_23 = tpu.memref_slice %arg8[%mul3A_12, %dma_wait3A_22] : memref<10240x128xf32, #tpu.memory_space<vmem_shared>> -> memref<640x128xf32, #tpu.memory_space<vmem_shared>>
      tpu.wait_dma2 semaphore(%run_scoped3A : memref<!tpu.dma_semaphore, #tpu.memory_space<semaphore_mem>>) src(%dma_wait3A_23 : memref<640x128xf32, #tpu.memory_space<vmem_shared>>) dst(%dma_wait3A_21 : memref<640x128xf32, #tpu.memory_space<hbm>>)
      tpu.yield
    }) : () -> ()
    return
  }
}

#map = affine_map<(d0, d1) -> (0, 0)>
module attributes {stable_mosaic.version = 14 : i64} {
  func.func @_sc_scatter_rows(%arg0: i32, %arg1: i32, %arg2: memref<10000x128xf32, #tpu.memory_space<hbm>>, %arg3: memref<2560x128xi32, #tpu.memory_space<hbm>>, %arg4: memref<2560x128xi32, #tpu.memory_space<hbm>>, %arg5: memref<640x128xf32, #tpu.memory_space<hbm>>, %arg6: memref<20480x128xf32, #tpu.memory_space<hbm>>, %arg7: memref<80x128xi32, #tpu.memory_space<vmem>>, %arg8: memref<2x8x128xi32, #tpu.memory_space<vmem>>, %arg9: memref<128x128xf32, #tpu.memory_space<vmem>>, %arg10: memref<128x128xf32, #tpu.memory_space<vmem>>, %arg11: memref<!tpu.dma_semaphore, #tpu.memory_space<semaphore_mem>>, %arg12: memref<!tpu.dma_semaphore, #tpu.memory_space<semaphore_mem>>, %arg13: memref<!tpu.dma_semaphore, #tpu.memory_space<semaphore_mem>>, %arg14: memref<!tpu.dma_semaphore, #tpu.memory_space<semaphore_mem>>, %arg15: memref<!tpu.dma_semaphore, #tpu.memory_space<semaphore_mem>>, %arg16: memref<10240x128xf32, #tpu.memory_space<vmem_shared>>) attributes {dimension_semantics = [#tpu.dimension_semantics<core_parallel>, #tpu.dimension_semantics<subcore_parallel>], iteration_bounds = array<i64: 2, 16>, scalar_prefetch = 0 : i64, scratch_operands = 10 : i64, tpu.core_type = #tpu.core_type<sc_vector_subcore>, window_params = [{transform_indices = #map}, {transform_indices = #map}, {transform_indices = #map}, {transform_indices = #map}, {transform_indices = #map}]} {
    %mul3A = arith.constant 16 : i32
    %mul3A_0 = arith.muli %arg0, %mul3A : i32
    %add3A = arith.addi %mul3A_0, %arg1 : i32
    %mul3A_1 = arith.constant 80 : i32
    %mul3A_2 = arith.muli %add3A, %mul3A_1 : i32
    %mul3A_3 = arith.constant 640 : i32
    %mul3A_4 = arith.muli %arg1, %mul3A_3 : i32
    "tpu.region"() ({
      %run_scoped3A_54 = tpu.sem_alloc : memref<!tpu.dma_semaphore, #tpu.memory_space<semaphore_mem>>
      %dma_start3A_55 = arith.constant 0 : i32
      %dma_start3A_56 = tpu.memref_slice %arg16[%mul3A_4, %dma_start3A_55] : memref<10240x128xf32, #tpu.memory_space<vmem_shared>> -> memref<640x128xf32, #tpu.memory_space<vmem_shared>>
      tpu.enqueue_dma source(%arg5 : memref<640x128xf32, #tpu.memory_space<hbm>>) target(%dma_start3A_56 : memref<640x128xf32, #tpu.memory_space<vmem_shared>>) target_semaphore(%run_scoped3A_54 : memref<!tpu.dma_semaphore, #tpu.memory_space<semaphore_mem>>)
      %dma_wait3A_57 = arith.constant 0 : i32
      %dma_wait3A_58 = tpu.memref_slice %arg16[%mul3A_4, %dma_wait3A_57] : memref<10240x128xf32, #tpu.memory_space<vmem_shared>> -> memref<640x128xf32, #tpu.memory_space<vmem_shared>>
      tpu.wait_dma2 semaphore(%run_scoped3A_54 : memref<!tpu.dma_semaphore, #tpu.memory_space<semaphore_mem>>) src(%arg5 : memref<640x128xf32, #tpu.memory_space<hbm>>) dst(%dma_wait3A_58 : memref<640x128xf32, #tpu.memory_space<vmem_shared>>)
      tpu.yield
    }) : () -> ()
    "tpu.region"() ({
      %run_scoped3A_54 = tpu.sem_alloc : memref<!tpu.dma_semaphore, #tpu.memory_space<semaphore_mem>>
      %dma_start3A_55 = arith.constant 0 : i32
      %dma_start3A_56 = tpu.memref_slice %arg3[%mul3A_2, %dma_start3A_55] : memref<2560x128xi32, #tpu.memory_space<hbm>> -> memref<80x128xi32, #tpu.memory_space<hbm>>
      %dma_start3A_57 = arith.constant 0 : i32
      %dma_start3A_58 = tpu.memref_slice %arg3[%mul3A_2, %dma_start3A_57] : memref<2560x128xi32, #tpu.memory_space<hbm>> -> memref<80x128xi32, #tpu.memory_space<hbm>>
      tpu.enqueue_dma source(%dma_start3A_58 : memref<80x128xi32, #tpu.memory_space<hbm>>) target(%arg7 : memref<80x128xi32, #tpu.memory_space<vmem>>) target_semaphore(%run_scoped3A_54 : memref<!tpu.dma_semaphore, #tpu.memory_space<semaphore_mem>>)
      %dma_wait3A_59 = arith.constant 0 : i32
      %dma_wait3A_60 = tpu.memref_slice %arg3[%mul3A_2, %dma_wait3A_59] : memref<2560x128xi32, #tpu.memory_space<hbm>> -> memref<80x128xi32, #tpu.memory_space<hbm>>
      %dma_wait3A_61 = arith.constant 0 : i32
      %dma_wait3A_62 = tpu.memref_slice %arg3[%mul3A_2, %dma_wait3A_61] : memref<2560x128xi32, #tpu.memory_space<hbm>> -> memref<80x128xi32, #tpu.memory_space<hbm>>
      tpu.wait_dma2 semaphore(%run_scoped3A_54 : memref<!tpu.dma_semaphore, #tpu.memory_space<semaphore_mem>>) src(%dma_wait3A_62 : memref<80x128xi32, #tpu.memory_space<hbm>>) dst(%arg7 : memref<80x128xi32, #tpu.memory_space<vmem>>)
      tpu.yield
    }) : () -> ()
    %run_scoped3A = arith.constant 0 : i32
    "tpu.region"() ({
      %run_scoped3A_54 = tpu.sem_alloc : memref<!tpu.dma_semaphore, #tpu.memory_space<semaphore_mem>>
      %dma_start3A_55 = arith.constant 0 : i32
      %dma_start3A_56 = arith.constant 0 : i32
      %dma_start3A_57 = tpu.memref_slice %arg8[%run_scoped3A, %dma_start3A_55, %dma_start3A_56] : memref<2x8x128xi32, #tpu.memory_space<vmem>> -> memref<1x8x128xi32, #tpu.memory_space<vmem>>
      %dma_start3A_58 = tpu.memref_squeeze %dma_start3A_57 : memref<1x8x128xi32, #tpu.memory_space<vmem>> -> memref<8x128xi32, #tpu.memory_space<vmem>>
      %dma_start3A_59 = arith.constant 0 : i32
      %dma_start3A_60 = tpu.memref_slice %arg4[%mul3A_2, %dma_start3A_59] : memref<2560x128xi32, #tpu.memory_space<hbm>> -> memref<8x128xi32, #tpu.memory_space<hbm>>
      %dma_start3A_61 = arith.constant 0 : i32
      %dma_start3A_62 = arith.constant 0 : i32
      %dma_start3A_63 = tpu.memref_slice %arg8[%run_scoped3A, %dma_start3A_61, %dma_start3A_62] : memref<2x8x128xi32, #tpu.memory_space<vmem>> -> memref<1x8x128xi32, #tpu.memory_space<vmem>>
      %dma_start3A_64 = tpu.memref_squeeze %dma_start3A_63 : memref<1x8x128xi32, #tpu.memory_space<vmem>> -> memref<8x128xi32, #tpu.memory_space<vmem>>
      %dma_start3A_65 = arith.constant 0 : i32
      %dma_start3A_66 = tpu.memref_slice %arg4[%mul3A_2, %dma_start3A_65] : memref<2560x128xi32, #tpu.memory_space<hbm>> -> memref<8x128xi32, #tpu.memory_space<hbm>>
      tpu.enqueue_dma source(%dma_start3A_66 : memref<8x128xi32, #tpu.memory_space<hbm>>) target(%dma_start3A_64 : memref<8x128xi32, #tpu.memory_space<vmem>>) target_semaphore(%run_scoped3A_54 : memref<!tpu.dma_semaphore, #tpu.memory_space<semaphore_mem>>)
      %dma_wait3A_67 = arith.constant 0 : i32
      %dma_wait3A_68 = arith.constant 0 : i32
      %dma_wait3A_69 = tpu.memref_slice %arg8[%run_scoped3A, %dma_wait3A_67, %dma_wait3A_68] : memref<2x8x128xi32, #tpu.memory_space<vmem>> -> memref<1x8x128xi32, #tpu.memory_space<vmem>>
      %dma_wait3A_70 = tpu.memref_squeeze %dma_wait3A_69 : memref<1x8x128xi32, #tpu.memory_space<vmem>> -> memref<8x128xi32, #tpu.memory_space<vmem>>
      %dma_wait3A_71 = arith.constant 0 : i32
      %dma_wait3A_72 = tpu.memref_slice %arg4[%mul3A_2, %dma_wait3A_71] : memref<2560x128xi32, #tpu.memory_space<hbm>> -> memref<8x128xi32, #tpu.memory_space<hbm>>
      %dma_wait3A_73 = arith.constant 0 : i32
      %dma_wait3A_74 = arith.constant 0 : i32
      %dma_wait3A_75 = tpu.memref_slice %arg8[%run_scoped3A, %dma_wait3A_73, %dma_wait3A_74] : memref<2x8x128xi32, #tpu.memory_space<vmem>> -> memref<1x8x128xi32, #tpu.memory_space<vmem>>
      %dma_wait3A_76 = tpu.memref_squeeze %dma_wait3A_75 : memref<1x8x128xi32, #tpu.memory_space<vmem>> -> memref<8x128xi32, #tpu.memory_space<vmem>>
      %dma_wait3A_77 = arith.constant 0 : i32
      %dma_wait3A_78 = tpu.memref_slice %arg4[%mul3A_2, %dma_wait3A_77] : memref<2560x128xi32, #tpu.memory_space<hbm>> -> memref<8x128xi32, #tpu.memory_space<hbm>>
      tpu.wait_dma2 semaphore(%run_scoped3A_54 : memref<!tpu.dma_semaphore, #tpu.memory_space<semaphore_mem>>) src(%dma_wait3A_78 : memref<8x128xi32, #tpu.memory_space<hbm>>) dst(%dma_wait3A_76 : memref<8x128xi32, #tpu.memory_space<vmem>>)
      tpu.yield
    }) : () -> ()
    %barrier3A = arith.constant 0 : index
    tpu.barrier barrier_id(%barrier3A)
    %dma_start3A = arith.constant 0 : i32
    %dma_start3A_5 = arith.constant 0 : i32
    %dma_start3A_6 = tpu.memref_slice %arg7[%dma_start3A, %dma_start3A_5] : memref<80x128xi32, #tpu.memory_space<vmem>> -> memref<1x128xi32, #tpu.memory_space<vmem>>
    %dma_start3A_7 = tpu.memref_squeeze %dma_start3A_6 : memref<1x128xi32, #tpu.memory_space<vmem>> -> memref<128xi32, #tpu.memory_space<vmem>>
    %dma_start3A_8 = arith.constant 0 : i32
    %dma_start3A_9 = arith.constant 0 : i32
    %dma_start3A_10 = tpu.memref_slice %arg2[%dma_start3A_8, %dma_start3A_9] : memref<10000x128xf32, #tpu.memory_space<hbm>> -> memref<10000x128xf32, #tpu.memory_space<hbm>>
    tpu.enqueue_indirect_dma source(%dma_start3A_10 : memref<10000x128xf32, #tpu.memory_space<hbm>>) target(%arg9 : memref<128x128xf32, #tpu.memory_space<vmem>>) offsets(%dma_start3A_7 : memref<128xi32, #tpu.memory_space<vmem>>) semaphore(%arg12 : memref<!tpu.dma_semaphore, #tpu.memory_space<semaphore_mem>>)
    %add3A_11 = arith.constant 8 : i32
    %add3A_12 = arith.addi %mul3A_2, %add3A_11 : i32
    %dma_start3A_13 = arith.constant 1 : i32
    %dma_start3A_14 = arith.constant 0 : i32
    %dma_start3A_15 = arith.constant 0 : i32
    %dma_start3A_16 = tpu.memref_slice %arg8[%dma_start3A_13, %dma_start3A_14, %dma_start3A_15] : memref<2x8x128xi32, #tpu.memory_space<vmem>> -> memref<1x8x128xi32, #tpu.memory_space<vmem>>
    %dma_start3A_17 = tpu.memref_squeeze %dma_start3A_16 : memref<1x8x128xi32, #tpu.memory_space<vmem>> -> memref<8x128xi32, #tpu.memory_space<vmem>>
    %dma_start3A_18 = arith.constant 0 : i32
    %dma_start3A_19 = tpu.memref_slice %arg4[%add3A_12, %dma_start3A_18] : memref<2560x128xi32, #tpu.memory_space<hbm>> -> memref<8x128xi32, #tpu.memory_space<hbm>>
    %dma_start3A_20 = arith.constant 0 : i32
    %dma_start3A_21 = arith.constant 0 : i32
    %dma_start3A_22 = tpu.memref_slice %arg8[%dma_start3A_13, %dma_start3A_20, %dma_start3A_21] : memref<2x8x128xi32, #tpu.memory_space<vmem>> -> memref<1x8x128xi32, #tpu.memory_space<vmem>>
    %dma_start3A_23 = tpu.memref_squeeze %dma_start3A_22 : memref<1x8x128xi32, #tpu.memory_space<vmem>> -> memref<8x128xi32, #tpu.memory_space<vmem>>
    %dma_start3A_24 = arith.constant 0 : i32
    %dma_start3A_25 = tpu.memref_slice %arg4[%add3A_12, %dma_start3A_24] : memref<2560x128xi32, #tpu.memory_space<hbm>> -> memref<8x128xi32, #tpu.memory_space<hbm>>
    tpu.enqueue_dma source(%dma_start3A_25 : memref<8x128xi32, #tpu.memory_space<hbm>>) target(%dma_start3A_23 : memref<8x128xi32, #tpu.memory_space<vmem>>) target_semaphore(%arg11 : memref<!tpu.dma_semaphore, #tpu.memory_space<semaphore_mem>>)
    %scan3A = arith.constant 0 : i32
    %scan3A_26 = arith.constant 0 : i32
    %scan3A_27 = arith.constant 10 : i32
    %scan3A_28 = arith.addi %scan3A_26, %scan3A_27 : i32
    %scan3A_29 = arith.constant 1 : i32
    scf.for %scan3A_54 = %scan3A_26 to %scan3A_28 step %scan3A_29  : i32 {
      %jit3A = arith.constant 2 : i32
      %eq3A = arith.constant 0 : i32
      %eq3A_55 = arith.cmpi eq, %jit3A, %eq3A : i32
      %jit3A_56 = arith.constant 1 : i32
      %select_n3A = arith.select %eq3A_55, %jit3A_56, %jit3A : i32
      %rem3A = arith.remsi %scan3A_54, %select_n3A : i32
      %ne3A = arith.constant 0 : i32
      %ne3A_57 = arith.cmpi ne, %rem3A, %ne3A : i32
      %lt3A = arith.constant 0 : i32
      %lt3A_58 = arith.cmpi slt, %rem3A, %lt3A : i32
      %lt3A_59 = arith.constant 0 : i32
      %lt3A_60 = arith.cmpi slt, %select_n3A, %lt3A_59 : i32
      %ne3A_61 = arith.xori %lt3A_58, %lt3A_60 : i1
      %and3A = arith.andi %ne3A_61, %ne3A_57 : i1
      %add3A_62 = arith.addi %rem3A, %select_n3A : i32
      %select_n3A_63 = arith.select %and3A, %add3A_62, %rem3A : i32
      %mul3A_64 = arith.constant 8 : i32
      %mul3A_65 = arith.muli %scan3A_54, %mul3A_64 : i32
      %add3A_66 = arith.constant 0 : i32
      %add3A_67 = arith.addi %mul3A_65, %add3A_66 : i32
      %dma_wait3A_68 = arith.constant 0 : i32
      %dma_wait3A_69 = tpu.memref_slice %arg7[%add3A_67, %dma_wait3A_68] : memref<80x128xi32, #tpu.memory_space<vmem>> -> memref<1x128xi32, #tpu.memory_space<vmem>>
      %dma_wait3A_70 = tpu.memref_squeeze %dma_wait3A_69 : memref<1x128xi32, #tpu.memory_space<vmem>> -> memref<128xi32, #tpu.memory_space<vmem>>
      %dma_wait3A_71 = arith.constant 0 : i32
      %dma_wait3A_72 = arith.constant 0 : i32
      %dma_wait3A_73 = tpu.memref_slice %arg2[%dma_wait3A_71, %dma_wait3A_72] : memref<10000x128xf32, #tpu.memory_space<hbm>> -> memref<10000x128xf32, #tpu.memory_space<hbm>>
      tpu.wait_indirect_dma semaphore(%arg12 : memref<!tpu.dma_semaphore, #tpu.memory_space<semaphore_mem>>) src(%dma_wait3A_73 : memref<10000x128xf32, #tpu.memory_space<hbm>>) dst(%arg9 : memref<128x128xf32, #tpu.memory_space<vmem>>)
      %dma_start3A_74 = arith.constant 0 : i32
      %dma_start3A_75 = arith.constant 0 : i32
      %dma_start3A_76 = tpu.memref_slice %arg8[%select_n3A_63, %dma_start3A_74, %dma_start3A_75] : memref<2x8x128xi32, #tpu.memory_space<vmem>> -> memref<1x1x128xi32, #tpu.memory_space<vmem>>
      %dma_start3A_77 = tpu.memref_squeeze %dma_start3A_76 : memref<1x1x128xi32, #tpu.memory_space<vmem>> -> memref<128xi32, #tpu.memory_space<vmem>>
      %dma_start3A_78 = arith.constant 0 : i32
      %dma_start3A_79 = arith.constant 0 : i32
      %dma_start3A_80 = tpu.memref_slice %arg16[%dma_start3A_78, %dma_start3A_79] : memref<10240x128xf32, #tpu.memory_space<vmem_shared>> -> memref<10240x128xf32, #tpu.memory_space<vmem_shared>>
      tpu.enqueue_indirect_dma source(%arg9 : memref<128x128xf32, #tpu.memory_space<vmem>>) target(%dma_start3A_80 : memref<10240x128xf32, #tpu.memory_space<vmem_shared>>) offsets(%dma_start3A_77 : memref<128xi32, #tpu.memory_space<vmem>>) semaphore(%arg14 : memref<!tpu.dma_semaphore, #tpu.memory_space<semaphore_mem>>) {add = true}
      %gt3A = arith.constant 0 : i32
      %gt3A_81 = arith.cmpi sgt, %scan3A_54, %gt3A : i32
      %convert_element_type3A = arith.extui %gt3A_81 : i1 to i32
      %cond3A = arith.constant 0 : i32
      %cond3A_82 = arith.cmpi ne, %convert_element_type3A, %cond3A : i32
      scf.if %cond3A_82 {
        %sub3A = arith.constant 1 : i32
        %sub3A_313 = arith.subi %sub3A, %select_n3A_63 : i32
        %dma_wait3A_314 = arith.constant 7 : i32
        %dma_wait3A_315 = arith.constant 0 : i32
        %dma_wait3A_316 = tpu.memref_slice %arg8[%sub3A_313, %dma_wait3A_314, %dma_wait3A_315] : memref<2x8x128xi32, #tpu.memory_space<vmem>> -> memref<1x1x128xi32, #tpu.memory_space<vmem>>
        %dma_wait3A_317 = tpu.memref_squeeze %dma_wait3A_316 : memref<1x1x128xi32, #tpu.memory_space<vmem>> -> memref<128xi32, #tpu.memory_space<vmem>>
        %dma_wait3A_318 = arith.constant 0 : i32
        %dma_wait3A_319 = arith.constant 0 : i32
        %dma_wait3A_320 = tpu.memref_slice %arg16[%dma_wait3A_318, %dma_wait3A_319] : memref<10240x128xf32, #tpu.memory_space<vmem_shared>> -> memref<10240x128xf32, #tpu.memory_space<vmem_shared>>
        tpu.wait_indirect_dma semaphore(%arg15 : memref<!tpu.dma_semaphore, #tpu.memory_space<semaphore_mem>>) src(%arg10 : memref<128x128xf32, #tpu.memory_space<vmem>>) dst(%dma_wait3A_320 : memref<10240x128xf32, #tpu.memory_space<vmem_shared>>)
      } else {
      }
      %gt3A_83 = arith.constant 0 : i32
      %gt3A_84 = arith.cmpi sgt, %scan3A_54, %gt3A_83 : i32
      %lt3A_85 = arith.constant 9 : i32
      %lt3A_86 = arith.cmpi slt, %scan3A_54, %lt3A_85 : i32
      %and3A_87 = arith.andi %gt3A_84, %lt3A_86 : i1
      %convert_element_type3A_88 = arith.extui %and3A_87 : i1 to i32
      %cond3A_89 = arith.constant 0 : i32
      %cond3A_90 = arith.cmpi ne, %convert_element_type3A_88, %cond3A_89 : i32
      scf.if %cond3A_90 {
        %add3A_313 = arith.constant 1 : i32
        %add3A_314 = arith.addi %scan3A_54, %add3A_313 : i32
        %mul3A_315 = arith.constant 8 : i32
        %mul3A_316 = arith.muli %add3A_314, %mul3A_315 : i32
        %add3A_317 = arith.addi %mul3A_2, %mul3A_316 : i32
        %jit3A_318 = arith.constant 2 : i32
        %eq3A_319 = arith.constant 0 : i32
        %eq3A_320 = arith.cmpi eq, %jit3A_318, %eq3A_319 : i32
        %jit3A_321 = arith.constant 1 : i32
        %select_n3A_322 = arith.select %eq3A_320, %jit3A_321, %jit3A_318 : i32
        %rem3A_323 = arith.remsi %add3A_314, %select_n3A_322 : i32
        %ne3A_324 = arith.constant 0 : i32
        %ne3A_325 = arith.cmpi ne, %rem3A_323, %ne3A_324 : i32
        %lt3A_326 = arith.constant 0 : i32
        %lt3A_327 = arith.cmpi slt, %rem3A_323, %lt3A_326 : i32
        %lt3A_328 = arith.constant 0 : i32
        %lt3A_329 = arith.cmpi slt, %select_n3A_322, %lt3A_328 : i32
        %ne3A_330 = arith.xori %lt3A_327, %lt3A_329 : i1
        %and3A_331 = arith.andi %ne3A_330, %ne3A_325 : i1
        %add3A_332 = arith.addi %rem3A_323, %select_n3A_322 : i32
        %select_n3A_333 = arith.select %and3A_331, %add3A_332, %rem3A_323 : i32
        %dma_start3A_334 = arith.constant 0 : i32
        %dma_start3A_335 = arith.constant 0 : i32
        %dma_start3A_336 = tpu.memref_slice %arg8[%select_n3A_333, %dma_start3A_334, %dma_start3A_335] : memref<2x8x128xi32, #tpu.memory_space<vmem>> -> memref<1x8x128xi32, #tpu.memory_space<vmem>>
        %dma_start3A_337 = tpu.memref_squeeze %dma_start3A_336 : memref<1x8x128xi32, #tpu.memory_space<vmem>> -> memref<8x128xi32, #tpu.memory_space<vmem>>
        %dma_start3A_338 = arith.constant 0 : i32
        %dma_start3A_339 = tpu.memref_slice %arg4[%add3A_317, %dma_start3A_338] : memref<2560x128xi32, #tpu.memory_space<hbm>> -> memref<8x128xi32, #tpu.memory_space<hbm>>
        %dma_start3A_340 = arith.constant 0 : i32
        %dma_start3A_341 = arith.constant 0 : i32
        %dma_start3A_342 = tpu.memref_slice %arg8[%select_n3A_333, %dma_start3A_340, %dma_start3A_341] : memref<2x8x128xi32, #tpu.memory_space<vmem>> -> memref<1x8x128xi32, #tpu.memory_space<vmem>>
        %dma_start3A_343 = tpu.memref_squeeze %dma_start3A_342 : memref<1x8x128xi32, #tpu.memory_space<vmem>> -> memref<8x128xi32, #tpu.memory_space<vmem>>
        %dma_start3A_344 = arith.constant 0 : i32
        %dma_start3A_345 = tpu.memref_slice %arg4[%add3A_317, %dma_start3A_344] : memref<2560x128xi32, #tpu.memory_space<hbm>> -> memref<8x128xi32, #tpu.memory_space<hbm>>
        tpu.enqueue_dma source(%dma_start3A_345 : memref<8x128xi32, #tpu.memory_space<hbm>>) target(%dma_start3A_343 : memref<8x128xi32, #tpu.memory_space<vmem>>) target_semaphore(%arg11 : memref<!tpu.dma_semaphore, #tpu.memory_space<semaphore_mem>>)
      } else {
      }
      %add3A_91 = arith.constant 1 : i32
      %add3A_92 = arith.addi %add3A_67, %add3A_91 : i32
      %dma_start3A_93 = arith.constant 0 : i32
      %dma_start3A_94 = tpu.memref_slice %arg7[%add3A_92, %dma_start3A_93] : memref<80x128xi32, #tpu.memory_space<vmem>> -> memref<1x128xi32, #tpu.memory_space<vmem>>
      %dma_start3A_95 = tpu.memref_squeeze %dma_start3A_94 : memref<1x128xi32, #tpu.memory_space<vmem>> -> memref<128xi32, #tpu.memory_space<vmem>>
      %dma_start3A_96 = arith.constant 0 : i32
      %dma_start3A_97 = arith.constant 0 : i32
      %dma_start3A_98 = tpu.memref_slice %arg2[%dma_start3A_96, %dma_start3A_97] : memref<10000x128xf32, #tpu.memory_space<hbm>> -> memref<10000x128xf32, #tpu.memory_space<hbm>>
      tpu.enqueue_indirect_dma source(%dma_start3A_98 : memref<10000x128xf32, #tpu.memory_space<hbm>>) target(%arg10 : memref<128x128xf32, #tpu.memory_space<vmem>>) offsets(%dma_start3A_95 : memref<128xi32, #tpu.memory_space<vmem>>) semaphore(%arg13 : memref<!tpu.dma_semaphore, #tpu.memory_space<semaphore_mem>>)
      %mul3A_99 = arith.constant 8 : i32
      %mul3A_100 = arith.muli %scan3A_54, %mul3A_99 : i32
      %add3A_101 = arith.constant 1 : i32
      %add3A_102 = arith.addi %mul3A_100, %add3A_101 : i32
      %dma_wait3A_103 = arith.constant 0 : i32
      %dma_wait3A_104 = tpu.memref_slice %arg7[%add3A_102, %dma_wait3A_103] : memref<80x128xi32, #tpu.memory_space<vmem>> -> memref<1x128xi32, #tpu.memory_space<vmem>>
      %dma_wait3A_105 = tpu.memref_squeeze %dma_wait3A_104 : memref<1x128xi32, #tpu.memory_space<vmem>> -> memref<128xi32, #tpu.memory_space<vmem>>
      %dma_wait3A_106 = arith.constant 0 : i32
      %dma_wait3A_107 = arith.constant 0 : i32
      %dma_wait3A_108 = tpu.memref_slice %arg2[%dma_wait3A_106, %dma_wait3A_107] : memref<10000x128xf32, #tpu.memory_space<hbm>> -> memref<10000x128xf32, #tpu.memory_space<hbm>>
      tpu.wait_indirect_dma semaphore(%arg13 : memref<!tpu.dma_semaphore, #tpu.memory_space<semaphore_mem>>) src(%dma_wait3A_108 : memref<10000x128xf32, #tpu.memory_space<hbm>>) dst(%arg10 : memref<128x128xf32, #tpu.memory_space<vmem>>)
      %dma_start3A_109 = arith.constant 1 : i32
      %dma_start3A_110 = arith.constant 0 : i32
      %dma_start3A_111 = tpu.memref_slice %arg8[%select_n3A_63, %dma_start3A_109, %dma_start3A_110] : memref<2x8x128xi32, #tpu.memory_space<vmem>> -> memref<1x1x128xi32, #tpu.memory_space<vmem>>
      %dma_start3A_112 = tpu.memref_squeeze %dma_start3A_111 : memref<1x1x128xi32, #tpu.memory_space<vmem>> -> memref<128xi32, #tpu.memory_space<vmem>>
      %dma_start3A_113 = arith.constant 0 : i32
      %dma_start3A_114 = arith.constant 0 : i32
      %dma_start3A_115 = tpu.memref_slice %arg16[%dma_start3A_113, %dma_start3A_114] : memref<10240x128xf32, #tpu.memory_space<vmem_shared>> -> memref<10240x128xf32, #tpu.memory_space<vmem_shared>>
      tpu.enqueue_indirect_dma source(%arg10 : memref<128x128xf32, #tpu.memory_space<vmem>>) target(%dma_start3A_115 : memref<10240x128xf32, #tpu.memory_space<vmem_shared>>) offsets(%dma_start3A_112 : memref<128xi32, #tpu.memory_space<vmem>>) semaphore(%arg15 : memref<!tpu.dma_semaphore, #tpu.memory_space<semaphore_mem>>) {add = true}
      %dma_wait3A_116 = arith.constant 0 : i32
      %dma_wait3A_117 = arith.constant 0 : i32
      %dma_wait3A_118 = tpu.memref_slice %arg8[%select_n3A_63, %dma_wait3A_116, %dma_wait3A_117] : memref<2x8x128xi32, #tpu.memory_space<vmem>> -> memref<1x1x128xi32, #tpu.memory_space<vmem>>
      %dma_wait3A_119 = tpu.memref_squeeze %dma_wait3A_118 : memref<1x1x128xi32, #tpu.memory_space<vmem>> -> memref<128xi32, #tpu.memory_space<vmem>>
      %dma_wait3A_120 = arith.constant 0 : i32
      %dma_wait3A_121 = arith.constant 0 : i32
      %dma_wait3A_122 = tpu.memref_slice %arg16[%dma_wait3A_120, %dma_wait3A_121] : memref<10240x128xf32, #tpu.memory_space<vmem_shared>> -> memref<10240x128xf32, #tpu.memory_space<vmem_shared>>
      tpu.wait_indirect_dma semaphore(%arg14 : memref<!tpu.dma_semaphore, #tpu.memory_space<semaphore_mem>>) src(%arg9 : memref<128x128xf32, #tpu.memory_space<vmem>>) dst(%dma_wait3A_122 : memref<10240x128xf32, #tpu.memory_space<vmem_shared>>)
      %add3A_123 = arith.constant 1 : i32
      %add3A_124 = arith.addi %add3A_102, %add3A_123 : i32
      %dma_start3A_125 = arith.constant 0 : i32
      %dma_start3A_126 = tpu.memref_slice %arg7[%add3A_124, %dma_start3A_125] : memref<80x128xi32, #tpu.memory_space<vmem>> -> memref<1x128xi32, #tpu.memory_space<vmem>>
      %dma_start3A_127 = tpu.memref_squeeze %dma_start3A_126 : memref<1x128xi32, #tpu.memory_space<vmem>> -> memref<128xi32, #tpu.memory_space<vmem>>
      %dma_start3A_128 = arith.constant 0 : i32
      %dma_start3A_129 = arith.constant 0 : i32
      %dma_start3A_130 = tpu.memref_slice %arg2[%dma_start3A_128, %dma_start3A_129] : memref<10000x128xf32, #tpu.memory_space<hbm>> -> memref<10000x128xf32, #tpu.memory_space<hbm>>
      tpu.enqueue_indirect_dma source(%dma_start3A_130 : memref<10000x128xf32, #tpu.memory_space<hbm>>) target(%arg9 : memref<128x128xf32, #tpu.memory_space<vmem>>) offsets(%dma_start3A_127 : memref<128xi32, #tpu.memory_space<vmem>>) semaphore(%arg12 : memref<!tpu.dma_semaphore, #tpu.memory_space<semaphore_mem>>)
      %mul3A_131 = arith.constant 8 : i32
      %mul3A_132 = arith.muli %scan3A_54, %mul3A_131 : i32
      %add3A_133 = arith.constant 2 : i32
      %add3A_134 = arith.addi %mul3A_132, %add3A_133 : i32
      %dma_wait3A_135 = arith.constant 0 : i32
      %dma_wait3A_136 = tpu.memref_slice %arg7[%add3A_134, %dma_wait3A_135] : memref<80x128xi32, #tpu.memory_space<vmem>> -> memref<1x128xi32, #tpu.memory_space<vmem>>
      %dma_wait3A_137 = tpu.memref_squeeze %dma_wait3A_136 : memref<1x128xi32, #tpu.memory_space<vmem>> -> memref<128xi32, #tpu.memory_space<vmem>>
      %dma_wait3A_138 = arith.constant 0 : i32
      %dma_wait3A_139 = arith.constant 0 : i32
      %dma_wait3A_140 = tpu.memref_slice %arg2[%dma_wait3A_138, %dma_wait3A_139] : memref<10000x128xf32, #tpu.memory_space<hbm>> -> memref<10000x128xf32, #tpu.memory_space<hbm>>
      tpu.wait_indirect_dma semaphore(%arg12 : memref<!tpu.dma_semaphore, #tpu.memory_space<semaphore_mem>>) src(%dma_wait3A_140 : memref<10000x128xf32, #tpu.memory_space<hbm>>) dst(%arg9 : memref<128x128xf32, #tpu.memory_space<vmem>>)
      %dma_start3A_141 = arith.constant 2 : i32
      %dma_start3A_142 = arith.constant 0 : i32
      %dma_start3A_143 = tpu.memref_slice %arg8[%select_n3A_63, %dma_start3A_141, %dma_start3A_142] : memref<2x8x128xi32, #tpu.memory_space<vmem>> -> memref<1x1x128xi32, #tpu.memory_space<vmem>>
      %dma_start3A_144 = tpu.memref_squeeze %dma_start3A_143 : memref<1x1x128xi32, #tpu.memory_space<vmem>> -> memref<128xi32, #tpu.memory_space<vmem>>
      %dma_start3A_145 = arith.constant 0 : i32
      %dma_start3A_146 = arith.constant 0 : i32
      %dma_start3A_147 = tpu.memref_slice %arg16[%dma_start3A_145, %dma_start3A_146] : memref<10240x128xf32, #tpu.memory_space<vmem_shared>> -> memref<10240x128xf32, #tpu.memory_space<vmem_shared>>
      tpu.enqueue_indirect_dma source(%arg9 : memref<128x128xf32, #tpu.memory_space<vmem>>) target(%dma_start3A_147 : memref<10240x128xf32, #tpu.memory_space<vmem_shared>>) offsets(%dma_start3A_144 : memref<128xi32, #tpu.memory_space<vmem>>) semaphore(%arg14 : memref<!tpu.dma_semaphore, #tpu.memory_space<semaphore_mem>>) {add = true}
      %dma_wait3A_148 = arith.constant 1 : i32
      %dma_wait3A_149 = arith.constant 0 : i32
      %dma_wait3A_150 = tpu.memref_slice %arg8[%select_n3A_63, %dma_wait3A_148, %dma_wait3A_149] : memref<2x8x128xi32, #tpu.memory_space<vmem>> -> memref<1x1x128xi32, #tpu.memory_space<vmem>>
      %dma_wait3A_151 = tpu.memref_squeeze %dma_wait3A_150 : memref<1x1x128xi32, #tpu.memory_space<vmem>> -> memref<128xi32, #tpu.memory_space<vmem>>
      %dma_wait3A_152 = arith.constant 0 : i32
      %dma_wait3A_153 = arith.constant 0 : i32
      %dma_wait3A_154 = tpu.memref_slice %arg16[%dma_wait3A_152, %dma_wait3A_153] : memref<10240x128xf32, #tpu.memory_space<vmem_shared>> -> memref<10240x128xf32, #tpu.memory_space<vmem_shared>>
      tpu.wait_indirect_dma semaphore(%arg15 : memref<!tpu.dma_semaphore, #tpu.memory_space<semaphore_mem>>) src(%arg10 : memref<128x128xf32, #tpu.memory_space<vmem>>) dst(%dma_wait3A_154 : memref<10240x128xf32, #tpu.memory_space<vmem_shared>>)
      %add3A_155 = arith.constant 1 : i32
      %add3A_156 = arith.addi %add3A_134, %add3A_155 : i32
      %dma_start3A_157 = arith.constant 0 : i32
      %dma_start3A_158 = tpu.memref_slice %arg7[%add3A_156, %dma_start3A_157] : memref<80x128xi32, #tpu.memory_space<vmem>> -> memref<1x128xi32, #tpu.memory_space<vmem>>
      %dma_start3A_159 = tpu.memref_squeeze %dma_start3A_158 : memref<1x128xi32, #tpu.memory_space<vmem>> -> memref<128xi32, #tpu.memory_space<vmem>>
      %dma_start3A_160 = arith.constant 0 : i32
      %dma_start3A_161 = arith.constant 0 : i32
      %dma_start3A_162 = tpu.memref_slice %arg2[%dma_start3A_160, %dma_start3A_161] : memref<10000x128xf32, #tpu.memory_space<hbm>> -> memref<10000x128xf32, #tpu.memory_space<hbm>>
      tpu.enqueue_indirect_dma source(%dma_start3A_162 : memref<10000x128xf32, #tpu.memory_space<hbm>>) target(%arg10 : memref<128x128xf32, #tpu.memory_space<vmem>>) offsets(%dma_start3A_159 : memref<128xi32, #tpu.memory_space<vmem>>) semaphore(%arg13 : memref<!tpu.dma_semaphore, #tpu.memory_space<semaphore_mem>>)
      %mul3A_163 = arith.constant 8 : i32
      %mul3A_164 = arith.muli %scan3A_54, %mul3A_163 : i32
      %add3A_165 = arith.constant 3 : i32
      %add3A_166 = arith.addi %mul3A_164, %add3A_165 : i32
      %dma_wait3A_167 = arith.constant 0 : i32
      %dma_wait3A_168 = tpu.memref_slice %arg7[%add3A_166, %dma_wait3A_167] : memref<80x128xi32, #tpu.memory_space<vmem>> -> memref<1x128xi32, #tpu.memory_space<vmem>>
      %dma_wait3A_169 = tpu.memref_squeeze %dma_wait3A_168 : memref<1x128xi32, #tpu.memory_space<vmem>> -> memref<128xi32, #tpu.memory_space<vmem>>
      %dma_wait3A_170 = arith.constant 0 : i32
      %dma_wait3A_171 = arith.constant 0 : i32
      %dma_wait3A_172 = tpu.memref_slice %arg2[%dma_wait3A_170, %dma_wait3A_171] : memref<10000x128xf32, #tpu.memory_space<hbm>> -> memref<10000x128xf32, #tpu.memory_space<hbm>>
      tpu.wait_indirect_dma semaphore(%arg13 : memref<!tpu.dma_semaphore, #tpu.memory_space<semaphore_mem>>) src(%dma_wait3A_172 : memref<10000x128xf32, #tpu.memory_space<hbm>>) dst(%arg10 : memref<128x128xf32, #tpu.memory_space<vmem>>)
      %dma_start3A_173 = arith.constant 3 : i32
      %dma_start3A_174 = arith.constant 0 : i32
      %dma_start3A_175 = tpu.memref_slice %arg8[%select_n3A_63, %dma_start3A_173, %dma_start3A_174] : memref<2x8x128xi32, #tpu.memory_space<vmem>> -> memref<1x1x128xi32, #tpu.memory_space<vmem>>
      %dma_start3A_176 = tpu.memref_squeeze %dma_start3A_175 : memref<1x1x128xi32, #tpu.memory_space<vmem>> -> memref<128xi32, #tpu.memory_space<vmem>>
      %dma_start3A_177 = arith.constant 0 : i32
      %dma_start3A_178 = arith.constant 0 : i32
      %dma_start3A_179 = tpu.memref_slice %arg16[%dma_start3A_177, %dma_start3A_178] : memref<10240x128xf32, #tpu.memory_space<vmem_shared>> -> memref<10240x128xf32, #tpu.memory_space<vmem_shared>>
      tpu.enqueue_indirect_dma source(%arg10 : memref<128x128xf32, #tpu.memory_space<vmem>>) target(%dma_start3A_179 : memref<10240x128xf32, #tpu.memory_space<vmem_shared>>) offsets(%dma_start3A_176 : memref<128xi32, #tpu.memory_space<vmem>>) semaphore(%arg15 : memref<!tpu.dma_semaphore, #tpu.memory_space<semaphore_mem>>) {add = true}
      %dma_wait3A_180 = arith.constant 2 : i32
      %dma_wait3A_181 = arith.constant 0 : i32
      %dma_wait3A_182 = tpu.memref_slice %arg8[%select_n3A_63, %dma_wait3A_180, %dma_wait3A_181] : memref<2x8x128xi32, #tpu.memory_space<vmem>> -> memref<1x1x128xi32, #tpu.memory_space<vmem>>
      %dma_wait3A_183 = tpu.memref_squeeze %dma_wait3A_182 : memref<1x1x128xi32, #tpu.memory_space<vmem>> -> memref<128xi32, #tpu.memory_space<vmem>>
      %dma_wait3A_184 = arith.constant 0 : i32
      %dma_wait3A_185 = arith.constant 0 : i32
      %dma_wait3A_186 = tpu.memref_slice %arg16[%dma_wait3A_184, %dma_wait3A_185] : memref<10240x128xf32, #tpu.memory_space<vmem_shared>> -> memref<10240x128xf32, #tpu.memory_space<vmem_shared>>
      tpu.wait_indirect_dma semaphore(%arg14 : memref<!tpu.dma_semaphore, #tpu.memory_space<semaphore_mem>>) src(%arg9 : memref<128x128xf32, #tpu.memory_space<vmem>>) dst(%dma_wait3A_186 : memref<10240x128xf32, #tpu.memory_space<vmem_shared>>)
      %add3A_187 = arith.constant 1 : i32
      %add3A_188 = arith.addi %add3A_166, %add3A_187 : i32
      %dma_start3A_189 = arith.constant 0 : i32
      %dma_start3A_190 = tpu.memref_slice %arg7[%add3A_188, %dma_start3A_189] : memref<80x128xi32, #tpu.memory_space<vmem>> -> memref<1x128xi32, #tpu.memory_space<vmem>>
      %dma_start3A_191 = tpu.memref_squeeze %dma_start3A_190 : memref<1x128xi32, #tpu.memory_space<vmem>> -> memref<128xi32, #tpu.memory_space<vmem>>
      %dma_start3A_192 = arith.constant 0 : i32
      %dma_start3A_193 = arith.constant 0 : i32
      %dma_start3A_194 = tpu.memref_slice %arg2[%dma_start3A_192, %dma_start3A_193] : memref<10000x128xf32, #tpu.memory_space<hbm>> -> memref<10000x128xf32, #tpu.memory_space<hbm>>
      tpu.enqueue_indirect_dma source(%dma_start3A_194 : memref<10000x128xf32, #tpu.memory_space<hbm>>) target(%arg9 : memref<128x128xf32, #tpu.memory_space<vmem>>) offsets(%dma_start3A_191 : memref<128xi32, #tpu.memory_space<vmem>>) semaphore(%arg12 : memref<!tpu.dma_semaphore, #tpu.memory_space<semaphore_mem>>)
      %mul3A_195 = arith.constant 8 : i32
      %mul3A_196 = arith.muli %scan3A_54, %mul3A_195 : i32
      %add3A_197 = arith.constant 4 : i32
      %add3A_198 = arith.addi %mul3A_196, %add3A_197 : i32
      %dma_wait3A_199 = arith.constant 0 : i32
      %dma_wait3A_200 = tpu.memref_slice %arg7[%add3A_198, %dma_wait3A_199] : memref<80x128xi32, #tpu.memory_space<vmem>> -> memref<1x128xi32, #tpu.memory_space<vmem>>
      %dma_wait3A_201 = tpu.memref_squeeze %dma_wait3A_200 : memref<1x128xi32, #tpu.memory_space<vmem>> -> memref<128xi32, #tpu.memory_space<vmem>>
      %dma_wait3A_202 = arith.constant 0 : i32
      %dma_wait3A_203 = arith.constant 0 : i32
      %dma_wait3A_204 = tpu.memref_slice %arg2[%dma_wait3A_202, %dma_wait3A_203] : memref<10000x128xf32, #tpu.memory_space<hbm>> -> memref<10000x128xf32, #tpu.memory_space<hbm>>
      tpu.wait_indirect_dma semaphore(%arg12 : memref<!tpu.dma_semaphore, #tpu.memory_space<semaphore_mem>>) src(%dma_wait3A_204 : memref<10000x128xf32, #tpu.memory_space<hbm>>) dst(%arg9 : memref<128x128xf32, #tpu.memory_space<vmem>>)
      %dma_start3A_205 = arith.constant 4 : i32
      %dma_start3A_206 = arith.constant 0 : i32
      %dma_start3A_207 = tpu.memref_slice %arg8[%select_n3A_63, %dma_start3A_205, %dma_start3A_206] : memref<2x8x128xi32, #tpu.memory_space<vmem>> -> memref<1x1x128xi32, #tpu.memory_space<vmem>>
      %dma_start3A_208 = tpu.memref_squeeze %dma_start3A_207 : memref<1x1x128xi32, #tpu.memory_space<vmem>> -> memref<128xi32, #tpu.memory_space<vmem>>
      %dma_start3A_209 = arith.constant 0 : i32
      %dma_start3A_210 = arith.constant 0 : i32
      %dma_start3A_211 = tpu.memref_slice %arg16[%dma_start3A_209, %dma_start3A_210] : memref<10240x128xf32, #tpu.memory_space<vmem_shared>> -> memref<10240x128xf32, #tpu.memory_space<vmem_shared>>
      tpu.enqueue_indirect_dma source(%arg9 : memref<128x128xf32, #tpu.memory_space<vmem>>) target(%dma_start3A_211 : memref<10240x128xf32, #tpu.memory_space<vmem_shared>>) offsets(%dma_start3A_208 : memref<128xi32, #tpu.memory_space<vmem>>) semaphore(%arg14 : memref<!tpu.dma_semaphore, #tpu.memory_space<semaphore_mem>>) {add = true}
      %dma_wait3A_212 = arith.constant 3 : i32
      %dma_wait3A_213 = arith.constant 0 : i32
      %dma_wait3A_214 = tpu.memref_slice %arg8[%select_n3A_63, %dma_wait3A_212, %dma_wait3A_213] : memref<2x8x128xi32, #tpu.memory_space<vmem>> -> memref<1x1x128xi32, #tpu.memory_space<vmem>>
      %dma_wait3A_215 = tpu.memref_squeeze %dma_wait3A_214 : memref<1x1x128xi32, #tpu.memory_space<vmem>> -> memref<128xi32, #tpu.memory_space<vmem>>
      %dma_wait3A_216 = arith.constant 0 : i32
      %dma_wait3A_217 = arith.constant 0 : i32
      %dma_wait3A_218 = tpu.memref_slice %arg16[%dma_wait3A_216, %dma_wait3A_217] : memref<10240x128xf32, #tpu.memory_space<vmem_shared>> -> memref<10240x128xf32, #tpu.memory_space<vmem_shared>>
      tpu.wait_indirect_dma semaphore(%arg15 : memref<!tpu.dma_semaphore, #tpu.memory_space<semaphore_mem>>) src(%arg10 : memref<128x128xf32, #tpu.memory_space<vmem>>) dst(%dma_wait3A_218 : memref<10240x128xf32, #tpu.memory_space<vmem_shared>>)
      %add3A_219 = arith.constant 1 : i32
      %add3A_220 = arith.addi %add3A_198, %add3A_219 : i32
      %dma_start3A_221 = arith.constant 0 : i32
      %dma_start3A_222 = tpu.memref_slice %arg7[%add3A_220, %dma_start3A_221] : memref<80x128xi32, #tpu.memory_space<vmem>> -> memref<1x128xi32, #tpu.memory_space<vmem>>
      %dma_start3A_223 = tpu.memref_squeeze %dma_start3A_222 : memref<1x128xi32, #tpu.memory_space<vmem>> -> memref<128xi32, #tpu.memory_space<vmem>>
      %dma_start3A_224 = arith.constant 0 : i32
      %dma_start3A_225 = arith.constant 0 : i32
      %dma_start3A_226 = tpu.memref_slice %arg2[%dma_start3A_224, %dma_start3A_225] : memref<10000x128xf32, #tpu.memory_space<hbm>> -> memref<10000x128xf32, #tpu.memory_space<hbm>>
      tpu.enqueue_indirect_dma source(%dma_start3A_226 : memref<10000x128xf32, #tpu.memory_space<hbm>>) target(%arg10 : memref<128x128xf32, #tpu.memory_space<vmem>>) offsets(%dma_start3A_223 : memref<128xi32, #tpu.memory_space<vmem>>) semaphore(%arg13 : memref<!tpu.dma_semaphore, #tpu.memory_space<semaphore_mem>>)
      %mul3A_227 = arith.constant 8 : i32
      %mul3A_228 = arith.muli %scan3A_54, %mul3A_227 : i32
      %add3A_229 = arith.constant 5 : i32
      %add3A_230 = arith.addi %mul3A_228, %add3A_229 : i32
      %dma_wait3A_231 = arith.constant 0 : i32
      %dma_wait3A_232 = tpu.memref_slice %arg7[%add3A_230, %dma_wait3A_231] : memref<80x128xi32, #tpu.memory_space<vmem>> -> memref<1x128xi32, #tpu.memory_space<vmem>>
      %dma_wait3A_233 = tpu.memref_squeeze %dma_wait3A_232 : memref<1x128xi32, #tpu.memory_space<vmem>> -> memref<128xi32, #tpu.memory_space<vmem>>
      %dma_wait3A_234 = arith.constant 0 : i32
      %dma_wait3A_235 = arith.constant 0 : i32
      %dma_wait3A_236 = tpu.memref_slice %arg2[%dma_wait3A_234, %dma_wait3A_235] : memref<10000x128xf32, #tpu.memory_space<hbm>> -> memref<10000x128xf32, #tpu.memory_space<hbm>>
      tpu.wait_indirect_dma semaphore(%arg13 : memref<!tpu.dma_semaphore, #tpu.memory_space<semaphore_mem>>) src(%dma_wait3A_236 : memref<10000x128xf32, #tpu.memory_space<hbm>>) dst(%arg10 : memref<128x128xf32, #tpu.memory_space<vmem>>)
      %dma_start3A_237 = arith.constant 5 : i32
      %dma_start3A_238 = arith.constant 0 : i32
      %dma_start3A_239 = tpu.memref_slice %arg8[%select_n3A_63, %dma_start3A_237, %dma_start3A_238] : memref<2x8x128xi32, #tpu.memory_space<vmem>> -> memref<1x1x128xi32, #tpu.memory_space<vmem>>
      %dma_start3A_240 = tpu.memref_squeeze %dma_start3A_239 : memref<1x1x128xi32, #tpu.memory_space<vmem>> -> memref<128xi32, #tpu.memory_space<vmem>>
      %dma_start3A_241 = arith.constant 0 : i32
      %dma_start3A_242 = arith.constant 0 : i32
      %dma_start3A_243 = tpu.memref_slice %arg16[%dma_start3A_241, %dma_start3A_242] : memref<10240x128xf32, #tpu.memory_space<vmem_shared>> -> memref<10240x128xf32, #tpu.memory_space<vmem_shared>>
      tpu.enqueue_indirect_dma source(%arg10 : memref<128x128xf32, #tpu.memory_space<vmem>>) target(%dma_start3A_243 : memref<10240x128xf32, #tpu.memory_space<vmem_shared>>) offsets(%dma_start3A_240 : memref<128xi32, #tpu.memory_space<vmem>>) semaphore(%arg15 : memref<!tpu.dma_semaphore, #tpu.memory_space<semaphore_mem>>) {add = true}
      %dma_wait3A_244 = arith.constant 4 : i32
      %dma_wait3A_245 = arith.constant 0 : i32
      %dma_wait3A_246 = tpu.memref_slice %arg8[%select_n3A_63, %dma_wait3A_244, %dma_wait3A_245] : memref<2x8x128xi32, #tpu.memory_space<vmem>> -> memref<1x1x128xi32, #tpu.memory_space<vmem>>
      %dma_wait3A_247 = tpu.memref_squeeze %dma_wait3A_246 : memref<1x1x128xi32, #tpu.memory_space<vmem>> -> memref<128xi32, #tpu.memory_space<vmem>>
      %dma_wait3A_248 = arith.constant 0 : i32
      %dma_wait3A_249 = arith.constant 0 : i32
      %dma_wait3A_250 = tpu.memref_slice %arg16[%dma_wait3A_248, %dma_wait3A_249] : memref<10240x128xf32, #tpu.memory_space<vmem_shared>> -> memref<10240x128xf32, #tpu.memory_space<vmem_shared>>
      tpu.wait_indirect_dma semaphore(%arg14 : memref<!tpu.dma_semaphore, #tpu.memory_space<semaphore_mem>>) src(%arg9 : memref<128x128xf32, #tpu.memory_space<vmem>>) dst(%dma_wait3A_250 : memref<10240x128xf32, #tpu.memory_space<vmem_shared>>)
      %add3A_251 = arith.constant 1 : i32
      %add3A_252 = arith.addi %add3A_230, %add3A_251 : i32
      %dma_start3A_253 = arith.constant 0 : i32
      %dma_start3A_254 = tpu.memref_slice %arg7[%add3A_252, %dma_start3A_253] : memref<80x128xi32, #tpu.memory_space<vmem>> -> memref<1x128xi32, #tpu.memory_space<vmem>>
      %dma_start3A_255 = tpu.memref_squeeze %dma_start3A_254 : memref<1x128xi32, #tpu.memory_space<vmem>> -> memref<128xi32, #tpu.memory_space<vmem>>
      %dma_start3A_256 = arith.constant 0 : i32
      %dma_start3A_257 = arith.constant 0 : i32
      %dma_start3A_258 = tpu.memref_slice %arg2[%dma_start3A_256, %dma_start3A_257] : memref<10000x128xf32, #tpu.memory_space<hbm>> -> memref<10000x128xf32, #tpu.memory_space<hbm>>
      tpu.enqueue_indirect_dma source(%dma_start3A_258 : memref<10000x128xf32, #tpu.memory_space<hbm>>) target(%arg9 : memref<128x128xf32, #tpu.memory_space<vmem>>) offsets(%dma_start3A_255 : memref<128xi32, #tpu.memory_space<vmem>>) semaphore(%arg12 : memref<!tpu.dma_semaphore, #tpu.memory_space<semaphore_mem>>)
      %mul3A_259 = arith.constant 8 : i32
      %mul3A_260 = arith.muli %scan3A_54, %mul3A_259 : i32
      %add3A_261 = arith.constant 6 : i32
      %add3A_262 = arith.addi %mul3A_260, %add3A_261 : i32
      %dma_wait3A_263 = arith.constant 0 : i32
      %dma_wait3A_264 = tpu.memref_slice %arg7[%add3A_262, %dma_wait3A_263] : memref<80x128xi32, #tpu.memory_space<vmem>> -> memref<1x128xi32, #tpu.memory_space<vmem>>
      %dma_wait3A_265 = tpu.memref_squeeze %dma_wait3A_264 : memref<1x128xi32, #tpu.memory_space<vmem>> -> memref<128xi32, #tpu.memory_space<vmem>>
      %dma_wait3A_266 = arith.constant 0 : i32
      %dma_wait3A_267 = arith.constant 0 : i32
      %dma_wait3A_268 = tpu.memref_slice %arg2[%dma_wait3A_266, %dma_wait3A_267] : memref<10000x128xf32, #tpu.memory_space<hbm>> -> memref<10000x128xf32, #tpu.memory_space<hbm>>
      tpu.wait_indirect_dma semaphore(%arg12 : memref<!tpu.dma_semaphore, #tpu.memory_space<semaphore_mem>>) src(%dma_wait3A_268 : memref<10000x128xf32, #tpu.memory_space<hbm>>) dst(%arg9 : memref<128x128xf32, #tpu.memory_space<vmem>>)
      %dma_start3A_269 = arith.constant 6 : i32
      %dma_start3A_270 = arith.constant 0 : i32
      %dma_start3A_271 = tpu.memref_slice %arg8[%select_n3A_63, %dma_start3A_269, %dma_start3A_270] : memref<2x8x128xi32, #tpu.memory_space<vmem>> -> memref<1x1x128xi32, #tpu.memory_space<vmem>>
      %dma_start3A_272 = tpu.memref_squeeze %dma_start3A_271 : memref<1x1x128xi32, #tpu.memory_space<vmem>> -> memref<128xi32, #tpu.memory_space<vmem>>
      %dma_start3A_273 = arith.constant 0 : i32
      %dma_start3A_274 = arith.constant 0 : i32
      %dma_start3A_275 = tpu.memref_slice %arg16[%dma_start3A_273, %dma_start3A_274] : memref<10240x128xf32, #tpu.memory_space<vmem_shared>> -> memref<10240x128xf32, #tpu.memory_space<vmem_shared>>
      tpu.enqueue_indirect_dma source(%arg9 : memref<128x128xf32, #tpu.memory_space<vmem>>) target(%dma_start3A_275 : memref<10240x128xf32, #tpu.memory_space<vmem_shared>>) offsets(%dma_start3A_272 : memref<128xi32, #tpu.memory_space<vmem>>) semaphore(%arg14 : memref<!tpu.dma_semaphore, #tpu.memory_space<semaphore_mem>>) {add = true}
      %dma_wait3A_276 = arith.constant 5 : i32
      %dma_wait3A_277 = arith.constant 0 : i32
      %dma_wait3A_278 = tpu.memref_slice %arg8[%select_n3A_63, %dma_wait3A_276, %dma_wait3A_277] : memref<2x8x128xi32, #tpu.memory_space<vmem>> -> memref<1x1x128xi32, #tpu.memory_space<vmem>>
      %dma_wait3A_279 = tpu.memref_squeeze %dma_wait3A_278 : memref<1x1x128xi32, #tpu.memory_space<vmem>> -> memref<128xi32, #tpu.memory_space<vmem>>
      %dma_wait3A_280 = arith.constant 0 : i32
      %dma_wait3A_281 = arith.constant 0 : i32
      %dma_wait3A_282 = tpu.memref_slice %arg16[%dma_wait3A_280, %dma_wait3A_281] : memref<10240x128xf32, #tpu.memory_space<vmem_shared>> -> memref<10240x128xf32, #tpu.memory_space<vmem_shared>>
      tpu.wait_indirect_dma semaphore(%arg15 : memref<!tpu.dma_semaphore, #tpu.memory_space<semaphore_mem>>) src(%arg10 : memref<128x128xf32, #tpu.memory_space<vmem>>) dst(%dma_wait3A_282 : memref<10240x128xf32, #tpu.memory_space<vmem_shared>>)
      %add3A_283 = arith.constant 1 : i32
      %add3A_284 = arith.addi %add3A_262, %add3A_283 : i32
      %dma_start3A_285 = arith.constant 0 : i32
      %dma_start3A_286 = tpu.memref_slice %arg7[%add3A_284, %dma_start3A_285] : memref<80x128xi32, #tpu.memory_space<vmem>> -> memref<1x128xi32, #tpu.memory_space<vmem>>
      %dma_start3A_287 = tpu.memref_squeeze %dma_start3A_286 : memref<1x128xi32, #tpu.memory_space<vmem>> -> memref<128xi32, #tpu.memory_space<vmem>>
      %dma_start3A_288 = arith.constant 0 : i32
      %dma_start3A_289 = arith.constant 0 : i32
      %dma_start3A_290 = tpu.memref_slice %arg2[%dma_start3A_288, %dma_start3A_289] : memref<10000x128xf32, #tpu.memory_space<hbm>> -> memref<10000x128xf32, #tpu.memory_space<hbm>>
      tpu.enqueue_indirect_dma source(%dma_start3A_290 : memref<10000x128xf32, #tpu.memory_space<hbm>>) target(%arg10 : memref<128x128xf32, #tpu.memory_space<vmem>>) offsets(%dma_start3A_287 : memref<128xi32, #tpu.memory_space<vmem>>) semaphore(%arg13 : memref<!tpu.dma_semaphore, #tpu.memory_space<semaphore_mem>>)
      %mul3A_291 = arith.constant 8 : i32
      %mul3A_292 = arith.muli %scan3A_54, %mul3A_291 : i32
      %add3A_293 = arith.constant 7 : i32
      %add3A_294 = arith.addi %mul3A_292, %add3A_293 : i32
      %dma_wait3A_295 = arith.constant 0 : i32
      %dma_wait3A_296 = tpu.memref_slice %arg7[%add3A_294, %dma_wait3A_295] : memref<80x128xi32, #tpu.memory_space<vmem>> -> memref<1x128xi32, #tpu.memory_space<vmem>>
      %dma_wait3A_297 = tpu.memref_squeeze %dma_wait3A_296 : memref<1x128xi32, #tpu.memory_space<vmem>> -> memref<128xi32, #tpu.memory_space<vmem>>
      %dma_wait3A_298 = arith.constant 0 : i32
      %dma_wait3A_299 = arith.constant 0 : i32
      %dma_wait3A_300 = tpu.memref_slice %arg2[%dma_wait3A_298, %dma_wait3A_299] : memref<10000x128xf32, #tpu.memory_space<hbm>> -> memref<10000x128xf32, #tpu.memory_space<hbm>>
      tpu.wait_indirect_dma semaphore(%arg13 : memref<!tpu.dma_semaphore, #tpu.memory_space<semaphore_mem>>) src(%dma_wait3A_300 : memref<10000x128xf32, #tpu.memory_space<hbm>>) dst(%arg10 : memref<128x128xf32, #tpu.memory_space<vmem>>)
      %dma_start3A_301 = arith.constant 7 : i32
      %dma_start3A_302 = arith.constant 0 : i32
      %dma_start3A_303 = tpu.memref_slice %arg8[%select_n3A_63, %dma_start3A_301, %dma_start3A_302] : memref<2x8x128xi32, #tpu.memory_space<vmem>> -> memref<1x1x128xi32, #tpu.memory_space<vmem>>
      %dma_start3A_304 = tpu.memref_squeeze %dma_start3A_303 : memref<1x1x128xi32, #tpu.memory_space<vmem>> -> memref<128xi32, #tpu.memory_space<vmem>>
      %dma_start3A_305 = arith.constant 0 : i32
      %dma_start3A_306 = arith.constant 0 : i32
      %dma_start3A_307 = tpu.memref_slice %arg16[%dma_start3A_305, %dma_start3A_306] : memref<10240x128xf32, #tpu.memory_space<vmem_shared>> -> memref<10240x128xf32, #tpu.memory_space<vmem_shared>>
      tpu.enqueue_indirect_dma source(%arg10 : memref<128x128xf32, #tpu.memory_space<vmem>>) target(%dma_start3A_307 : memref<10240x128xf32, #tpu.memory_space<vmem_shared>>) offsets(%dma_start3A_304 : memref<128xi32, #tpu.memory_space<vmem>>) semaphore(%arg15 : memref<!tpu.dma_semaphore, #tpu.memory_space<semaphore_mem>>) {add = true}
      %lt3A_308 = arith.constant 9 : i32
      %lt3A_309 = arith.cmpi slt, %scan3A_54, %lt3A_308 : i32
      %convert_element_type3A_310 = arith.extui %lt3A_309 : i1 to i32
      %cond3A_311 = arith.constant 0 : i32
      %cond3A_312 = arith.cmpi ne, %convert_element_type3A_310, %cond3A_311 : i32
      scf.if %cond3A_312 {
        %add3A_313 = arith.constant 1 : i32
        %add3A_314 = arith.addi %scan3A_54, %add3A_313 : i32
        %mul3A_315 = arith.constant 8 : i32
        %mul3A_316 = arith.muli %add3A_314, %mul3A_315 : i32
        %add3A_317 = arith.addi %mul3A_2, %mul3A_316 : i32
        %jit3A_318 = arith.constant 2 : i32
        %eq3A_319 = arith.constant 0 : i32
        %eq3A_320 = arith.cmpi eq, %jit3A_318, %eq3A_319 : i32
        %jit3A_321 = arith.constant 1 : i32
        %select_n3A_322 = arith.select %eq3A_320, %jit3A_321, %jit3A_318 : i32
        %rem3A_323 = arith.remsi %add3A_314, %select_n3A_322 : i32
        %ne3A_324 = arith.constant 0 : i32
        %ne3A_325 = arith.cmpi ne, %rem3A_323, %ne3A_324 : i32
        %lt3A_326 = arith.constant 0 : i32
        %lt3A_327 = arith.cmpi slt, %rem3A_323, %lt3A_326 : i32
        %lt3A_328 = arith.constant 0 : i32
        %lt3A_329 = arith.cmpi slt, %select_n3A_322, %lt3A_328 : i32
        %ne3A_330 = arith.xori %lt3A_327, %lt3A_329 : i1
        %and3A_331 = arith.andi %ne3A_330, %ne3A_325 : i1
        %add3A_332 = arith.addi %rem3A_323, %select_n3A_322 : i32
        %select_n3A_333 = arith.select %and3A_331, %add3A_332, %rem3A_323 : i32
        %dma_wait3A_334 = arith.constant 0 : i32
        %dma_wait3A_335 = arith.constant 0 : i32
        %dma_wait3A_336 = tpu.memref_slice %arg8[%select_n3A_333, %dma_wait3A_334, %dma_wait3A_335] : memref<2x8x128xi32, #tpu.memory_space<vmem>> -> memref<1x8x128xi32, #tpu.memory_space<vmem>>
        %dma_wait3A_337 = tpu.memref_squeeze %dma_wait3A_336 : memref<1x8x128xi32, #tpu.memory_space<vmem>> -> memref<8x128xi32, #tpu.memory_space<vmem>>
        %dma_wait3A_338 = arith.constant 0 : i32
        %dma_wait3A_339 = tpu.memref_slice %arg4[%add3A_317, %dma_wait3A_338] : memref<2560x128xi32, #tpu.memory_space<hbm>> -> memref<8x128xi32, #tpu.memory_space<hbm>>
        %dma_wait3A_340 = arith.constant 0 : i32
        %dma_wait3A_341 = arith.constant 0 : i32
        %dma_wait3A_342 = tpu.memref_slice %arg8[%select_n3A_333, %dma_wait3A_340, %dma_wait3A_341] : memref<2x8x128xi32, #tpu.memory_space<vmem>> -> memref<1x8x128xi32, #tpu.memory_space<vmem>>
        %dma_wait3A_343 = tpu.memref_squeeze %dma_wait3A_342 : memref<1x8x128xi32, #tpu.memory_space<vmem>> -> memref<8x128xi32, #tpu.memory_space<vmem>>
        %dma_wait3A_344 = arith.constant 0 : i32
        %dma_wait3A_345 = tpu.memref_slice %arg4[%add3A_317, %dma_wait3A_344] : memref<2560x128xi32, #tpu.memory_space<hbm>> -> memref<8x128xi32, #tpu.memory_space<hbm>>
        tpu.wait_dma2 semaphore(%arg11 : memref<!tpu.dma_semaphore, #tpu.memory_space<semaphore_mem>>) src(%dma_wait3A_345 : memref<8x128xi32, #tpu.memory_space<hbm>>) dst(%dma_wait3A_343 : memref<8x128xi32, #tpu.memory_space<vmem>>)
        %dma_wait3A_346 = arith.constant 6 : i32
        %dma_wait3A_347 = arith.constant 0 : i32
        %dma_wait3A_348 = tpu.memref_slice %arg8[%select_n3A_63, %dma_wait3A_346, %dma_wait3A_347] : memref<2x8x128xi32, #tpu.memory_space<vmem>> -> memref<1x1x128xi32, #tpu.memory_space<vmem>>
        %dma_wait3A_349 = tpu.memref_squeeze %dma_wait3A_348 : memref<1x1x128xi32, #tpu.memory_space<vmem>> -> memref<128xi32, #tpu.memory_space<vmem>>
        %dma_wait3A_350 = arith.constant 0 : i32
        %dma_wait3A_351 = arith.constant 0 : i32
        %dma_wait3A_352 = tpu.memref_slice %arg16[%dma_wait3A_350, %dma_wait3A_351] : memref<10240x128xf32, #tpu.memory_space<vmem_shared>> -> memref<10240x128xf32, #tpu.memory_space<vmem_shared>>
        tpu.wait_indirect_dma semaphore(%arg14 : memref<!tpu.dma_semaphore, #tpu.memory_space<semaphore_mem>>) src(%arg9 : memref<128x128xf32, #tpu.memory_space<vmem>>) dst(%dma_wait3A_352 : memref<10240x128xf32, #tpu.memory_space<vmem_shared>>)
        %add3A_353 = arith.constant 1 : i32
        %add3A_354 = arith.addi %scan3A_54, %add3A_353 : i32
        %mul3A_355 = arith.constant 8 : i32
        %mul3A_356 = arith.muli %add3A_354, %mul3A_355 : i32
        %dma_start3A_357 = arith.constant 0 : i32
        %dma_start3A_358 = tpu.memref_slice %arg7[%mul3A_356, %dma_start3A_357] : memref<80x128xi32, #tpu.memory_space<vmem>> -> memref<1x128xi32, #tpu.memory_space<vmem>>
        %dma_start3A_359 = tpu.memref_squeeze %dma_start3A_358 : memref<1x128xi32, #tpu.memory_space<vmem>> -> memref<128xi32, #tpu.memory_space<vmem>>
        %dma_start3A_360 = arith.constant 0 : i32
        %dma_start3A_361 = arith.constant 0 : i32
        %dma_start3A_362 = tpu.memref_slice %arg2[%dma_start3A_360, %dma_start3A_361] : memref<10000x128xf32, #tpu.memory_space<hbm>> -> memref<10000x128xf32, #tpu.memory_space<hbm>>
        tpu.enqueue_indirect_dma source(%dma_start3A_362 : memref<10000x128xf32, #tpu.memory_space<hbm>>) target(%arg9 : memref<128x128xf32, #tpu.memory_space<vmem>>) offsets(%dma_start3A_359 : memref<128xi32, #tpu.memory_space<vmem>>) semaphore(%arg12 : memref<!tpu.dma_semaphore, #tpu.memory_space<semaphore_mem>>)
      } else {
      }
    }
    %scan3A_30 = arith.constant 10 : i32
    %dma_wait3A = arith.constant 1 : i32
    %dma_wait3A_31 = arith.constant 6 : i32
    %dma_wait3A_32 = arith.constant 0 : i32
    %dma_wait3A_33 = tpu.memref_slice %arg8[%dma_wait3A, %dma_wait3A_31, %dma_wait3A_32] : memref<2x8x128xi32, #tpu.memory_space<vmem>> -> memref<1x1x128xi32, #tpu.memory_space<vmem>>
    %dma_wait3A_34 = tpu.memref_squeeze %dma_wait3A_33 : memref<1x1x128xi32, #tpu.memory_space<vmem>> -> memref<128xi32, #tpu.memory_space<vmem>>
    %dma_wait3A_35 = arith.constant 0 : i32
    %dma_wait3A_36 = arith.constant 0 : i32
    %dma_wait3A_37 = tpu.memref_slice %arg16[%dma_wait3A_35, %dma_wait3A_36] : memref<10240x128xf32, #tpu.memory_space<vmem_shared>> -> memref<10240x128xf32, #tpu.memory_space<vmem_shared>>
    tpu.wait_indirect_dma semaphore(%arg14 : memref<!tpu.dma_semaphore, #tpu.memory_space<semaphore_mem>>) src(%arg9 : memref<128x128xf32, #tpu.memory_space<vmem>>) dst(%dma_wait3A_37 : memref<10240x128xf32, #tpu.memory_space<vmem_shared>>)
    %dma_wait3A_38 = arith.constant 1 : i32
    %dma_wait3A_39 = arith.constant 7 : i32
    %dma_wait3A_40 = arith.constant 0 : i32
    %dma_wait3A_41 = tpu.memref_slice %arg8[%dma_wait3A_38, %dma_wait3A_39, %dma_wait3A_40] : memref<2x8x128xi32, #tpu.memory_space<vmem>> -> memref<1x1x128xi32, #tpu.memory_space<vmem>>
    %dma_wait3A_42 = tpu.memref_squeeze %dma_wait3A_41 : memref<1x1x128xi32, #tpu.memory_space<vmem>> -> memref<128xi32, #tpu.memory_space<vmem>>
    %dma_wait3A_43 = arith.constant 0 : i32
    %dma_wait3A_44 = arith.constant 0 : i32
    %dma_wait3A_45 = tpu.memref_slice %arg16[%dma_wait3A_43, %dma_wait3A_44] : memref<10240x128xf32, #tpu.memory_space<vmem_shared>> -> memref<10240x128xf32, #tpu.memory_space<vmem_shared>>
    tpu.wait_indirect_dma semaphore(%arg15 : memref<!tpu.dma_semaphore, #tpu.memory_space<semaphore_mem>>) src(%arg10 : memref<128x128xf32, #tpu.memory_space<vmem>>) dst(%dma_wait3A_45 : memref<10240x128xf32, #tpu.memory_space<vmem_shared>>)
    %barrier3A_46 = arith.constant 0 : index
    tpu.barrier barrier_id(%barrier3A_46)
    %mul3A_47 = arith.constant 640 : i32
    %mul3A_48 = arith.muli %arg1, %mul3A_47 : i32
    %mul3A_49 = arith.constant 10240 : i32
    %mul3A_50 = arith.muli %arg0, %mul3A_49 : i32
    %mul3A_51 = arith.constant 640 : i32
    %mul3A_52 = arith.muli %arg1, %mul3A_51 : i32
    %add3A_53 = arith.addi %mul3A_50, %mul3A_52 : i32
    "tpu.region"() ({
      %run_scoped3A_54 = tpu.sem_alloc : memref<!tpu.dma_semaphore, #tpu.memory_space<semaphore_mem>>
      %dma_start3A_55 = arith.constant 0 : i32
      %dma_start3A_56 = tpu.memref_slice %arg6[%add3A_53, %dma_start3A_55] : memref<20480x128xf32, #tpu.memory_space<hbm>> -> memref<640x128xf32, #tpu.memory_space<hbm>>
      %dma_start3A_57 = arith.constant 0 : i32
      %dma_start3A_58 = tpu.memref_slice %arg16[%mul3A_48, %dma_start3A_57] : memref<10240x128xf32, #tpu.memory_space<vmem_shared>> -> memref<640x128xf32, #tpu.memory_space<vmem_shared>>
      tpu.enqueue_dma source(%dma_start3A_58 : memref<640x128xf32, #tpu.memory_space<vmem_shared>>) target(%dma_start3A_56 : memref<640x128xf32, #tpu.memory_space<hbm>>) target_semaphore(%run_scoped3A_54 : memref<!tpu.dma_semaphore, #tpu.memory_space<semaphore_mem>>)
      %dma_wait3A_59 = arith.constant 0 : i32
      %dma_wait3A_60 = tpu.memref_slice %arg6[%add3A_53, %dma_wait3A_59] : memref<20480x128xf32, #tpu.memory_space<hbm>> -> memref<640x128xf32, #tpu.memory_space<hbm>>
      %dma_wait3A_61 = arith.constant 0 : i32
      %dma_wait3A_62 = tpu.memref_slice %arg16[%mul3A_48, %dma_wait3A_61] : memref<10240x128xf32, #tpu.memory_space<vmem_shared>> -> memref<640x128xf32, #tpu.memory_space<vmem_shared>>
      tpu.wait_dma2 semaphore(%run_scoped3A_54 : memref<!tpu.dma_semaphore, #tpu.memory_space<semaphore_mem>>) src(%dma_wait3A_62 : memref<640x128xf32, #tpu.memory_space<vmem_shared>>) dst(%dma_wait3A_60 : memref<640x128xf32, #tpu.memory_space<hbm>>)
      tpu.yield
    }) : () -> ()
    return
  }
}

module attributes {stable_mosaic.version = 14 : i64} {
  func.func @body(%arg0: i32, %arg1: memref<2000x128xf32, #tpu.memory_space<vmem>>, %arg2: memref<128x128xf32, #tpu.memory_space<vmem>>, %arg3: memref<1x128xf32, #tpu.memory_space<vmem>>, %arg4: memref<128x128xf32, #tpu.memory_space<vmem>>, %arg5: memref<2000x128xf32, #tpu.memory_space<vmem>>) attributes {dimension_semantics = [#tpu.dimension_semantics<arbitrary>], iteration_bounds = array<i64: 5>, scalar_prefetch = 0 : i64, scratch_operands = 0 : i64, tpu.core_type = #tpu.core_type<tc>, window_params = [{transform_indices = @transform_0, window_bounds = array<i64: 2000, 128>}, {pipeline_mode = #tpu.pipeline_mode<synchronous>, transform_indices = @transform_1, window_bounds = array<i64: 128, 128>}, {pipeline_mode = #tpu.pipeline_mode<synchronous>, transform_indices = @transform_2, window_bounds = array<i64: 1, 128>}, {pipeline_mode = #tpu.pipeline_mode<synchronous>, transform_indices = @transform_3, window_bounds = array<i64: 128, 128>}, {transform_indices = @transform_4, window_bounds = array<i64: 2000, 128>}]} {
    %get3A = arith.constant 0 : index
    %get3A_0 = arith.constant 0 : index
    %get3A_1 = vector.load %arg1[%get3A, %get3A_0] : memref<2000x128xf32, #tpu.memory_space<vmem>>, vector<2000x128xf32>
    %get3A_2 = arith.constant 0 : index
    %get3A_3 = arith.constant 0 : index
    %get3A_4 = vector.load %arg2[%get3A_2, %get3A_3] : memref<128x128xf32, #tpu.memory_space<vmem>>, vector<128x128xf32>
    %dot_general3A = arith.constant dense<0.000000e+00> : vector<2000x128xf32>
    %dot_general3A_5 = tpu.matmul %get3A_1, %get3A_4, %dot_general3A {dimension_numbers = #tpu.dot_dimension_numbers<[1], [0], [0], [1], [0, 0, 1, 1], [], []>, transpose_lhs_hint = false} : vector<2000x128xf32>, vector<128x128xf32>, vector<2000x128xf32> -> vector<2000x128xf32>
    %get3A_6 = arith.constant 0 : index
    %get3A_7 = arith.constant 0 : index
    %get3A_8 = vector.load %arg3[%get3A_6, %get3A_7] : memref<1x128xf32, #tpu.memory_space<vmem>>, vector<1x128xf32>
    %add3A = vector.broadcast %get3A_8 : vector<1x128xf32> to vector<2000x128xf32>
    %add3A_9 = arith.addf %dot_general3A_5, %add3A : vector<2000x128xf32>
    %max3A = arith.constant 0.000000e+00 : f32
    %max3A_10 = vector.broadcast %max3A : f32 to vector<2000x128xf32>
    %max3A_11 = arith.maximumf %add3A_9, %max3A_10 : vector<2000x128xf32>
    %get3A_12 = arith.constant 0 : index
    %get3A_13 = arith.constant 0 : index
    %get3A_14 = vector.load %arg4[%get3A_12, %get3A_13] : memref<128x128xf32, #tpu.memory_space<vmem>>, vector<128x128xf32>
    %dot_general3A_15 = arith.constant dense<0.000000e+00> : vector<2000x128xf32>
    %dot_general3A_16 = tpu.matmul %max3A_11, %get3A_14, %dot_general3A_15 {dimension_numbers = #tpu.dot_dimension_numbers<[1], [0], [0], [1], [0, 0, 1, 1], [], []>, transpose_lhs_hint = false} : vector<2000x128xf32>, vector<128x128xf32>, vector<2000x128xf32> -> vector<2000x128xf32>
    %swap3A = arith.constant 0 : index
    %swap3A_17 = arith.constant 0 : index
    %swap3A_18 = vector.load %arg5[%swap3A, %swap3A_17] : memref<2000x128xf32, #tpu.memory_space<vmem>>, vector<2000x128xf32>
    tpu.vector_store %arg5[%swap3A, %swap3A_17], %dot_general3A_16 {strides = array<i32>} : memref<2000x128xf32, #tpu.memory_space<vmem>>, vector<2000x128xf32>,
    return
  }
  func.func @transform_0(%arg0: i32) -> (i32, i32) {
    %c0_i32 = arith.constant 0 : i32
    %c0_i32_0 = arith.constant 0 : i32
    return %arg0, %c0_i32 : i32, i32
  }
  func.func @transform_1(%arg0: i32) -> (i32, i32) {
    %c0_i32 = arith.constant 0 : i32
    %c0_i32_0 = arith.constant 0 : i32
    %c0_i32_1 = arith.constant 0 : i32
    return %c0_i32, %c0_i32_0 : i32, i32
  }
  func.func @transform_2(%arg0: i32) -> (i32, i32) {
    %c0_i32 = arith.constant 0 : i32
    %c0_i32_0 = arith.constant 0 : i32
    %c0_i32_1 = arith.constant 0 : i32
    return %c0_i32, %c0_i32_0 : i32, i32
  }
  func.func @transform_3(%arg0: i32) -> (i32, i32) {
    %c0_i32 = arith.constant 0 : i32
    %c0_i32_0 = arith.constant 0 : i32
    %c0_i32_1 = arith.constant 0 : i32
    return %c0_i32, %c0_i32_0 : i32, i32
  }
  func.func @transform_4(%arg0: i32) -> (i32, i32) {
    %c0_i32 = arith.constant 0 : i32
    %c0_i32_0 = arith.constant 0 : i32
    return %arg0, %c0_i32 : i32, i32
  }
}

module attributes {stable_mosaic.version = 14 : i64} {
  func.func @body(%arg0: i32, %arg1: memref<2000x128xf32, #tpu.memory_space<vmem>>, %arg2: memref<2000x128xf32, #tpu.memory_space<vmem>>, %arg3: memref<2000x128xf32, #tpu.memory_space<vmem>>) attributes {dimension_semantics = [#tpu.dimension_semantics<arbitrary>], iteration_bounds = array<i64: 5>, scalar_prefetch = 0 : i64, scratch_operands = 0 : i64, tpu.core_type = #tpu.core_type<tc>, window_params = [{transform_indices = @transform_0, window_bounds = array<i64: 2000, 128>}, {transform_indices = @transform_1, window_bounds = array<i64: 2000, 128>}, {transform_indices = @transform_2, window_bounds = array<i64: 2000, 128>}]} {
    %get3A = arith.constant 0 : index
    %get3A_0 = arith.constant 0 : index
    %get3A_1 = vector.load %arg1[%get3A, %get3A_0] : memref<2000x128xf32, #tpu.memory_space<vmem>>, vector<2000x128xf32>
    %get3A_2 = arith.constant 0 : index
    %get3A_3 = arith.constant 0 : index
    %get3A_4 = vector.load %arg2[%get3A_2, %get3A_3] : memref<2000x128xf32, #tpu.memory_space<vmem>>, vector<2000x128xf32>
    %mul3A = arith.mulf %get3A_1, %get3A_4 : vector<2000x128xf32>
    %swap3A = arith.constant 0 : index
    %swap3A_5 = arith.constant 0 : index
    %swap3A_6 = vector.load %arg3[%swap3A, %swap3A_5] : memref<2000x128xf32, #tpu.memory_space<vmem>>, vector<2000x128xf32>
    tpu.vector_store %arg3[%swap3A, %swap3A_5], %mul3A {strides = array<i32>} : memref<2000x128xf32, #tpu.memory_space<vmem>>, vector<2000x128xf32>,
    return
  }
  func.func @transform_0(%arg0: i32) -> (i32, i32) {
    %c0_i32 = arith.constant 0 : i32
    %c0_i32_0 = arith.constant 0 : i32
    return %arg0, %c0_i32 : i32, i32
  }
  func.func @transform_1(%arg0: i32) -> (i32, i32) {
    %c0_i32 = arith.constant 0 : i32
    %c0_i32_0 = arith.constant 0 : i32
    return %arg0, %c0_i32 : i32, i32
  }
  func.func @transform_2(%arg0: i32) -> (i32, i32) {
    %c0_i32 = arith.constant 0 : i32
    %c0_i32_0 = arith.constant 0 : i32
    return %arg0, %c0_i32 : i32, i32
  }
}

module attributes {stable_mosaic.version = 14 : i64} {
  func.func @body(%arg0: i32, %arg1: memref<2000x128xf32, #tpu.memory_space<vmem>>, %arg2: memref<2000x128xf32, #tpu.memory_space<vmem>>, %arg3: memref<2000x128xf32, #tpu.memory_space<vmem>>, %arg4: memref<2000x128xf32, #tpu.memory_space<vmem>>, %arg5: memref<1x128xf32, #tpu.memory_space<vmem>>, %arg6: memref<128x128xf32, #tpu.memory_space<vmem>>, %arg7: memref<2000x128xf32, #tpu.memory_space<vmem>>) attributes {dimension_semantics = [#tpu.dimension_semantics<arbitrary>], iteration_bounds = array<i64: 5>, scalar_prefetch = 0 : i64, scratch_operands = 0 : i64, tpu.core_type = #tpu.core_type<tc>, window_params = [{transform_indices = @transform_0, window_bounds = array<i64: 2000, 128>}, {transform_indices = @transform_1, window_bounds = array<i64: 2000, 128>}, {transform_indices = @transform_2, window_bounds = array<i64: 2000, 128>}, {transform_indices = @transform_3, window_bounds = array<i64: 2000, 128>}, {pipeline_mode = #tpu.pipeline_mode<synchronous>, transform_indices = @transform_4, window_bounds = array<i64: 1, 128>}, {pipeline_mode = #tpu.pipeline_mode<synchronous>, transform_indices = @transform_5, window_bounds = array<i64: 128, 128>}, {transform_indices = @transform_6, window_bounds = array<i64: 2000, 128>}]} {
    %get3A = arith.constant 0 : index
    %get3A_0 = arith.constant 0 : index
    %get3A_1 = vector.load %arg4[%get3A, %get3A_0] : memref<2000x128xf32, #tpu.memory_space<vmem>>, vector<2000x128xf32>
    %get3A_2 = arith.constant 0 : index
    %get3A_3 = arith.constant 0 : index
    %get3A_4 = vector.load %arg1[%get3A_2, %get3A_3] : memref<2000x128xf32, #tpu.memory_space<vmem>>, vector<2000x128xf32>
    %get3A_5 = arith.constant 0 : index
    %get3A_6 = arith.constant 0 : index
    %get3A_7 = vector.load %arg2[%get3A_5, %get3A_6] : memref<2000x128xf32, #tpu.memory_space<vmem>>, vector<2000x128xf32>
    %add3A = arith.addf %get3A_4, %get3A_7 : vector<2000x128xf32>
    %get3A_8 = arith.constant 0 : index
    %get3A_9 = arith.constant 0 : index
    %get3A_10 = vector.load %arg3[%get3A_8, %get3A_9] : memref<2000x128xf32, #tpu.memory_space<vmem>>, vector<2000x128xf32>
    %add3A_11 = arith.addf %add3A, %get3A_10 : vector<2000x128xf32>
    %mul3A = arith.mulf %get3A_1, %add3A_11 : vector<2000x128xf32>
    %get3A_12 = arith.constant 0 : index
    %get3A_13 = arith.constant 0 : index
    %get3A_14 = vector.load %arg5[%get3A_12, %get3A_13] : memref<1x128xf32, #tpu.memory_space<vmem>>, vector<1x128xf32>
    %add3A_15 = vector.broadcast %get3A_14 : vector<1x128xf32> to vector<2000x128xf32>
    %add3A_16 = arith.addf %mul3A, %add3A_15 : vector<2000x128xf32>
    %max3A = arith.constant 0.000000e+00 : f32
    %max3A_17 = vector.broadcast %max3A : f32 to vector<2000x128xf32>
    %max3A_18 = arith.maximumf %add3A_16, %max3A_17 : vector<2000x128xf32>
    %get3A_19 = arith.constant 0 : index
    %get3A_20 = arith.constant 0 : index
    %get3A_21 = vector.load %arg6[%get3A_19, %get3A_20] : memref<128x128xf32, #tpu.memory_space<vmem>>, vector<128x128xf32>
    %dot_general3A = arith.constant dense<0.000000e+00> : vector<2000x128xf32>
    %dot_general3A_22 = tpu.matmul %max3A_18, %get3A_21, %dot_general3A {dimension_numbers = #tpu.dot_dimension_numbers<[1], [0], [0], [1], [0, 0, 1, 1], [], []>, transpose_lhs_hint = false} : vector<2000x128xf32>, vector<128x128xf32>, vector<2000x128xf32> -> vector<2000x128xf32>
    %get3A_23 = arith.constant 0 : index
    %get3A_24 = arith.constant 0 : index
    %get3A_25 = vector.load %arg4[%get3A_23, %get3A_24] : memref<2000x128xf32, #tpu.memory_space<vmem>>, vector<2000x128xf32>
    %mul3A_26 = arith.mulf %dot_general3A_22, %get3A_25 : vector<2000x128xf32>
    %swap3A = arith.constant 0 : index
    %swap3A_27 = arith.constant 0 : index
    %swap3A_28 = vector.load %arg7[%swap3A, %swap3A_27] : memref<2000x128xf32, #tpu.memory_space<vmem>>, vector<2000x128xf32>
    tpu.vector_store %arg7[%swap3A, %swap3A_27], %mul3A_26 {strides = array<i32>} : memref<2000x128xf32, #tpu.memory_space<vmem>>, vector<2000x128xf32>,
    return
  }
  func.func @transform_0(%arg0: i32) -> (i32, i32) {
    %c0_i32 = arith.constant 0 : i32
    %c0_i32_0 = arith.constant 0 : i32
    return %arg0, %c0_i32 : i32, i32
  }
  func.func @transform_1(%arg0: i32) -> (i32, i32) {
    %c0_i32 = arith.constant 0 : i32
    %c0_i32_0 = arith.constant 0 : i32
    return %arg0, %c0_i32 : i32, i32
  }
  func.func @transform_2(%arg0: i32) -> (i32, i32) {
    %c0_i32 = arith.constant 0 : i32
    %c0_i32_0 = arith.constant 0 : i32
    return %arg0, %c0_i32 : i32, i32
  }
  func.func @transform_3(%arg0: i32) -> (i32, i32) {
    %c0_i32 = arith.constant 0 : i32
    %c0_i32_0 = arith.constant 0 : i32
    return %arg0, %c0_i32 : i32, i32
  }
  func.func @transform_4(%arg0: i32) -> (i32, i32) {
    %c0_i32 = arith.constant 0 : i32
    %c0_i32_0 = arith.constant 0 : i32
    %c0_i32_1 = arith.constant 0 : i32
    return %c0_i32, %c0_i32_0 : i32, i32
  }
  func.func @transform_5(%arg0: i32) -> (i32, i32) {
    %c0_i32 = arith.constant 0 : i32
    %c0_i32_0 = arith.constant 0 : i32
    %c0_i32_1 = arith.constant 0 : i32
    return %c0_i32, %c0_i32_0 : i32, i32
  }
  func.func @transform_6(%arg0: i32) -> (i32, i32) {
    %c0_i32 = arith.constant 0 : i32
    %c0_i32_0 = arith.constant 0 : i32
    return %arg0, %c0_i32 : i32, i32
  }
}

module attributes {stable_mosaic.version = 14 : i64} {
  func.func @body(%arg0: i32, %arg1: memref<2000x128xf32, #tpu.memory_space<vmem>>, %arg2: memref<2000x128xf32, #tpu.memory_space<vmem>>, %arg3: memref<2000x128xf32, #tpu.memory_space<vmem>>, %arg4: memref<2000x128xf32, #tpu.memory_space<vmem>>, %arg5: memref<1x128xf32, #tpu.memory_space<vmem>>, %arg6: memref<128x64xf32, #tpu.memory_space<vmem>>, %arg7: memref<1x64xf32, #tpu.memory_space<vmem>>, %arg8: memref<2000x64xf32, #tpu.memory_space<vmem>>) attributes {dimension_semantics = [#tpu.dimension_semantics<arbitrary>], iteration_bounds = array<i64: 5>, scalar_prefetch = 0 : i64, scratch_operands = 0 : i64, tpu.core_type = #tpu.core_type<tc>, window_params = [{transform_indices = @transform_0, window_bounds = array<i64: 2000, 128>}, {transform_indices = @transform_1, window_bounds = array<i64: 2000, 128>}, {transform_indices = @transform_2, window_bounds = array<i64: 2000, 128>}, {transform_indices = @transform_3, window_bounds = array<i64: 2000, 128>}, {pipeline_mode = #tpu.pipeline_mode<synchronous>, transform_indices = @transform_4, window_bounds = array<i64: 1, 128>}, {pipeline_mode = #tpu.pipeline_mode<synchronous>, transform_indices = @transform_5, window_bounds = array<i64: 128, 64>}, {pipeline_mode = #tpu.pipeline_mode<synchronous>, transform_indices = @transform_6, window_bounds = array<i64: 1, 64>}, {transform_indices = @transform_7, window_bounds = array<i64: 2000, 64>}]} {
    %get3A = arith.constant 0 : index
    %get3A_0 = arith.constant 0 : index
    %get3A_1 = vector.load %arg4[%get3A, %get3A_0] : memref<2000x128xf32, #tpu.memory_space<vmem>>, vector<2000x128xf32>
    %get3A_2 = arith.constant 0 : index
    %get3A_3 = arith.constant 0 : index
    %get3A_4 = vector.load %arg1[%get3A_2, %get3A_3] : memref<2000x128xf32, #tpu.memory_space<vmem>>, vector<2000x128xf32>
    %get3A_5 = arith.constant 0 : index
    %get3A_6 = arith.constant 0 : index
    %get3A_7 = vector.load %arg2[%get3A_5, %get3A_6] : memref<2000x128xf32, #tpu.memory_space<vmem>>, vector<2000x128xf32>
    %add3A = arith.addf %get3A_4, %get3A_7 : vector<2000x128xf32>
    %get3A_8 = arith.constant 0 : index
    %get3A_9 = arith.constant 0 : index
    %get3A_10 = vector.load %arg3[%get3A_8, %get3A_9] : memref<2000x128xf32, #tpu.memory_space<vmem>>, vector<2000x128xf32>
    %add3A_11 = arith.addf %add3A, %get3A_10 : vector<2000x128xf32>
    %mul3A = arith.mulf %get3A_1, %add3A_11 : vector<2000x128xf32>
    %get3A_12 = arith.constant 0 : index
    %get3A_13 = arith.constant 0 : index
    %get3A_14 = vector.load %arg5[%get3A_12, %get3A_13] : memref<1x128xf32, #tpu.memory_space<vmem>>, vector<1x128xf32>
    %add3A_15 = vector.broadcast %get3A_14 : vector<1x128xf32> to vector<2000x128xf32>
    %add3A_16 = arith.addf %mul3A, %add3A_15 : vector<2000x128xf32>
    %max3A = arith.constant 0.000000e+00 : f32
    %max3A_17 = vector.broadcast %max3A : f32 to vector<2000x128xf32>
    %max3A_18 = arith.maximumf %add3A_16, %max3A_17 : vector<2000x128xf32>
    %get3A_19 = arith.constant 0 : index
    %get3A_20 = arith.constant 0 : index
    %get3A_21 = vector.load %arg6[%get3A_19, %get3A_20] : memref<128x64xf32, #tpu.memory_space<vmem>>, vector<128x64xf32>
    %dot_general3A = arith.constant dense<0.000000e+00> : vector<2000x64xf32>
    %dot_general3A_22 = tpu.matmul %max3A_18, %get3A_21, %dot_general3A {dimension_numbers = #tpu.dot_dimension_numbers<[1], [0], [0], [1], [0, 0, 1, 1], [], []>, transpose_lhs_hint = false} : vector<2000x128xf32>, vector<128x64xf32>, vector<2000x64xf32> -> vector<2000x64xf32>
    %get3A_23 = arith.constant 0 : index
    %get3A_24 = arith.constant 0 : index
    %get3A_25 = vector.load %arg7[%get3A_23, %get3A_24] : memref<1x64xf32, #tpu.memory_space<vmem>>, vector<1x64xf32>
    %add3A_26 = vector.broadcast %get3A_25 : vector<1x64xf32> to vector<2000x64xf32>
    %add3A_27 = arith.addf %dot_general3A_22, %add3A_26 : vector<2000x64xf32>
    %swap3A = arith.constant 0 : index
    %swap3A_28 = arith.constant 0 : index
    %swap3A_29 = vector.load %arg8[%swap3A, %swap3A_28] : memref<2000x64xf32, #tpu.memory_space<vmem>>, vector<2000x64xf32>
    tpu.vector_store %arg8[%swap3A, %swap3A_28], %add3A_27 {strides = array<i32>} : memref<2000x64xf32, #tpu.memory_space<vmem>>, vector<2000x64xf32>,
    return
  }
  func.func @transform_0(%arg0: i32) -> (i32, i32) {
    %c0_i32 = arith.constant 0 : i32
    %c0_i32_0 = arith.constant 0 : i32
    return %arg0, %c0_i32 : i32, i32
  }
  func.func @transform_1(%arg0: i32) -> (i32, i32) {
    %c0_i32 = arith.constant 0 : i32
    %c0_i32_0 = arith.constant 0 : i32
    return %arg0, %c0_i32 : i32, i32
  }
  func.func @transform_2(%arg0: i32) -> (i32, i32) {
    %c0_i32 = arith.constant 0 : i32
    %c0_i32_0 = arith.constant 0 : i32
    return %arg0, %c0_i32 : i32, i32
  }
  func.func @transform_3(%arg0: i32) -> (i32, i32) {
    %c0_i32 = arith.constant 0 : i32
    %c0_i32_0 = arith.constant 0 : i32
    return %arg0, %c0_i32 : i32, i32
  }
  func.func @transform_4(%arg0: i32) -> (i32, i32) {
    %c0_i32 = arith.constant 0 : i32
    %c0_i32_0 = arith.constant 0 : i32
    %c0_i32_1 = arith.constant 0 : i32
    return %c0_i32, %c0_i32_0 : i32, i32
  }
  func.func @transform_5(%arg0: i32) -> (i32, i32) {
    %c0_i32 = arith.constant 0 : i32
    %c0_i32_0 = arith.constant 0 : i32
    %c0_i32_1 = arith.constant 0 : i32
    return %c0_i32, %c0_i32_0 : i32, i32
  }
  func.func @transform_6(%arg0: i32) -> (i32, i32) {
    %c0_i32 = arith.constant 0 : i32
    %c0_i32_0 = arith.constant 0 : i32
    %c0_i32_1 = arith.constant 0 : i32
    return %c0_i32, %c0_i32_0 : i32, i32
  }
  func.func @transform_7(%arg0: i32) -> (i32, i32) {
    %c0_i32 = arith.constant 0 : i32
    %c0_i32_0 = arith.constant 0 : i32
    return %arg0, %c0_i32 : i32, i32
  }
}

</mosaic_0001>

<sc_bundles>
// kernel: kernel.12.cloned.1.call-start
scs
__scs_entry_jumppad:
0x0: {  	(pc) =	sbr.rel $0x88, $3  }
0x1: {  	(tag) =	ssettag $0x0;
	lr =	simm.s32 $0x1  }
0x2: {  	[smem:$0x3F97] =	sst lr;
	_ =	strace $0xD0000000  }
0x3: {  	_ = 	snop  }
0x4: {  	_ = 	snop  }
0x5: {  	_ = 	snop  }
0x6: {  	_ = 	snop  }
0x7: {  	_ = 	snop  }
__scs_overlays_trampoline_lowered:
0x8: {  	[smem:$0x3FA6] =	sst s0  }
0x9: {  	[smem:$0x3FA7] =	sst s1  }
0xa: {  	[smem:$0x3FA8] =	sst s2  }
0xb: {  	[smem:$0x3FA9] =	sst s3  }
0xc: {  	[smem:$0x3FAA] =	sst s4  }
0xd: {  	[smem:$0x3FAB] =	sst s5  }
0xe: {  	[smem:$0x3FAC] =	sst s6  }
0xf: {  	[smem:$0x3FAD] =	sst s7  }
0x10: {  	[smem:$0x3FAE] =	sst s8  }
0x11: {  	[smem:$0x3FAF] =	sst s9;
	s0 =	simm.s32 @!p0 $0x0  }
0x12: {  	s1 =	sld [smem:$0x3F95];
	s0 =	simm.s32 @p0 $0x1  }
0x13: {  	[smem:$0x3FB0] =	sst s0;
	s0 =	simm.s32 @!p1 $0x0  }
0x14: {  	s2 =	sld [smem:$0x3F94];
	s0 =	simm.s32 @p1 $0x1  }
0x15: {  	[smem:$0x3FB1] =	sst s0;
	s0 =	simm.s32 @!p2 $0x0  }
0x16: {  	s3 =	sld [smem:$0x3FDB];
	s0 =	simm.s32 @p2 $0x1  }
0x17: {  	s4 =	simm.s32 $0x1BF5;
	[smem:$0x3FB3] =	sst s0  }
0x18: {  	s0 =	sld [smem:$0x3F96];
	_ =	swait.ge [sflag:s4], $0x0  }
0x19: {  	s7 =	sld [smem:$0x3F97]  }
0x1a: {  	s8 =	sadd.s32 $0xFFFFE003, lr  }
0x1b: {  	s9 =	sadd.s32 $0xFFFFFEF7, lr;
	s5 =	simm.s32 $0xFFFFFFFF;
	p2 =	slt.u32 s8, $0xFFFFF086  }
0x1c: {  	p1 =	slt.u32 s9, $0xF7A;
	s5 =	simm.s32 @!p2 $0x0  }
0x1d: {  	s5 =	simm.s32 @p1 $0x1;
	p0 =	seq.s32 s7, s2  }
0x1e: {  	s7 =	smul.u32 @!p0 $0xF7A, s2;
	p2 =	seq.s32 @!p0 s5, $0x0  }
0x1f: {  	s9 =	smul.u32 $0xF7A, s1;
	s8 =	simm.s32 @!p0 $0x1BF5;
	p2 =	por !p2, p0  }
0x20: {  	[sflag:s8] =	ssyncset.s32 @!p0 $0xFFFFF086;
	s6 =	sadd.s32 @!p0 s3, s7;
	s7 =	simm.s32 @!p0 $0x108  }
0x21: {  	s3 =	sadd.s32 s3, s9;
	s6 =	sadd.s32 @!p0 $0x88, s6;
	s7 =	simm.s32 @p2 $0x1082  }
0x22: {  	[simem:s7], [sflag:s8] =	dma.local @!p0 [hbm:s6], $0xF7A  }
0x23: {  	s9 =	sor.u32 $0xD0000000, s2;
	s6 =	simm.s32 $0x108;
	_ =	swait.ge @!p0 [sflag:s8], $0x0  }
0x24: {  	s3 =	sadd.s32 $0x88, s3;
	s6 =	simm.s32 @!p1 $0x1082;
	[sflag:s4] =	ssyncset.s32 $0xFFFFF086  }
0x25: {  	[simem:s6], [sflag:s4] =	dma.local [hbm:s3], $0xF7A  }
0x26: {  	[smem:$0x3F97] =	sst s1;
	(tag) =	ssettag s2;
	_ =	strace s9  }
0x27: {  	s1 =	sld [smem:$0x3FA7]  }
0x28: {  	s2 =	sld [smem:$0x3FA8]  }
0x29: {  	s4 =	sld [smem:$0x3FAA]  }
0x2a: {  	p0 =	seq.s32 s5, $0x0;
	s5 =	sld [smem:$0x3FAB]  }
0x2b: {  	s6 =	sld [smem:$0x3FAC]  }
0x2c: {  	s7 =	sld [smem:$0x3FAD]  }
0x2d: {  	s3 =	simm.s32 $0x108;
	s8 =	sld [smem:$0x3FAE]  }
0x2e: {  	s3 =	simm.s32 @!p0 $0x1082;
	s9 =	sld [smem:$0x3FAF]  }
0x2f: {  	lr =	sadd.s32 s0, s3;
	s0 =	sld [smem:$0x3FA6]  }
0x30: {  	s3 =	sld [smem:$0x3FA9]  }
0x31: {  	[smem:$0x3FB2] =	sst s10  }
0x32: {  	s10 =	sld [smem:$0x3FB0];
	_ =	sdelay $0x3  }
0x33: {  	p0 =	seq.s32 s10, $0x1;
	s10 =	sld [smem:$0x3FB2];
	_ =	sdelay $0x3  }
0x34: {  	[smem:$0x3FB2] =	sst s10  }
0x35: {  	s10 =	sld [smem:$0x3FB1];
	_ =	sdelay $0x3  }
0x36: {  	p1 =	seq.s32 s10, $0x1;
	s10 =	sld [smem:$0x3FB2];
	_ =	sdelay $0x3  }
0x37: {  	[smem:$0x3FB2] =	sst s10  }
0x38: {  	s10 =	sld [smem:$0x3FB3]  }
0x39: {  	_ = 	snop;
	(pc) =	sbr.ind lr, $3  }
0x3a: {  	_ = 	snop  }
0x3b: {  	_ = 	snop  }
0x3c: {  	p2 =	seq.s32 s10, $0x1;
	s10 =	sld [smem:$0x3FB2]  }
0x3d: {  	_ =	shalt  }
0x3e: {  	_ =	shalt  }
0x3f: {  	_ =	shalt  }
0x40: {  	_ =	shalt  }
0x41: {  	_ =	shalt  }
0x42: {  	_ =	shalt  }
0x43: {  	_ =	shalt  }
0x44: {  	_ =	shalt  }
0x45: {  	_ =	shalt  }
0x46: {  	_ =	shalt  }
0x47: {  	_ =	shalt  }
0x48: {  	_ =	shalt  }
0x49: {  	_ =	shalt  }
0x4a: {  	_ =	shalt  }
0x4b: {  	_ =	shalt  }
0x4c: {  	_ =	shalt  }
0x4d: {  	_ =	shalt  }
0x4e: {  	_ =	shalt  }
0x4f: {  	_ =	shalt  }
0x50: {  	_ =	shalt  }
0x51: {  	_ =	shalt  }
0x52: {  	_ =	shalt  }
0x53: {  	_ =	shalt  }
0x54: {  	_ =	shalt  }
0x55: {  	_ =	shalt  }
0x56: {  	_ =	shalt  }
0x57: {  	_ =	shalt  }
0x58: {  	_ =	shalt  }
0x59: {  	_ =	shalt  }
0x5a: {  	_ =	shalt  }
0x5b: {  	_ =	shalt  }
0x5c: {  	_ =	shalt  }
0x5d: {  	_ =	shalt  }
0x5e: {  	_ =	shalt  }
0x5f: {  	_ =	shalt  }
0x60: {  	_ =	shalt  }
0x61: {  	_ =	shalt  }
0x62: {  	_ =	shalt  }
0x63: {  	_ =	shalt  }
0x64: {  	_ =	shalt  }
0x65: {  	_ =	shalt  }
0x66: {  	_ =	shalt  }
0x67: {  	_ =	shalt  }
0x68: {  	_ =	shalt  }
0x69: {  	_ =	shalt  }
0x6a: {  	_ =	shalt  }
0x6b: {  	_ =	shalt  }
0x6c: {  	_ =	shalt  }
0x6d: {  	_ =	shalt  }
0x6e: {  	_ =	shalt  }
0x6f: {  	_ =	shalt  }
0x70: {  	_ =	shalt  }
0x71: {  	_ =	shalt  }
0x72: {  	_ =	shalt  }
0x73: {  	_ =	shalt  }
0x74: {  	_ =	shalt  }
0x75: {  	_ =	shalt  }
0x76: {  	_ =	shalt  }
0x77: {  	_ =	shalt  }
0x78: {  	_ =	shalt  }
0x79: {  	_ =	shalt  }
0x7a: {  	_ =	shalt  }
0x7b: {  	_ =	shalt  }
0x7c: {  	_ =	shalt  }
0x7d: {  	_ =	shalt  }
0x7e: {  	_ =	shalt  }
0x7f: {  	_ =	shalt  }
0x80: {  	_ =	shalt  }
0x81: {  	_ =	shalt  }
0x82: {  	_ =	shalt  }
0x83: {  	_ =	shalt  }
0x84: {  	_ =	shalt  }
0x85: {  	_ =	shalt  }
0x86: {  	_ =	shalt  }
0x87: {  	_ =	shalt  }
.Lfunc_end0:
.L_simem_size_0:
called_computation.1_lowered:
.L_overlay_start_0:
0x88: {  	s2 =	sld [smem:$0x3FD9]  }
0x89: {  	s3 =	sld [smem:$0x3FFE];
	_ =	sdelay $0x1  }
0x8a: {  	s1 =	srdreg.scid  }
0x8b: {  	s0 =	sand.u32 $0x1, s1  }
0x8c: {  	s17 =	sshll.u32 s0, $0xA;
	s2 =	sadd.s32 s3, s2  }
0x8d: {  	s2 =	sadd.s32 s2, s17  }
0x8e: {  	[smem:$0x3FBE] =	sst s2  }
0x8f: {  	_ = 	snop  }
0x90: {  	s2 =	sld [smem:$0x3FD0];
	(tm) =	ssettm $0x1  }
0x91: {  	s18 =	sld [smem:$0x3FFB];
	_ =	sdelay $0x3  }
0x92: {  	_ =	strace s18  }
0x93: {  	s3 =	sld [smem:$0x3FFC];
	_ =	sdelay $0x3  }
0x94: {  	_ =	strace s3  }
0x95: {  	s3 =	sld [smem:$0x3FFD];
	_ =	sdelay $0x3  }
0x96: {  	_ =	strace s3  }
0x97: {  	_ =	strace $0x8FFFFFFF  }
0x98: {  	s19 =	sld [smem:$0x3FDB];
	_ =	sdelay $0x1  }
0x99: {  	s4 =	simm.s32 $_scs_section_size  }
0x9a: {  	s5 =	simm.s32 $_size__tile_overlayer_lowered;
	s6 =	simm.s32 $_tile_overlayer_lowered  }
0x9b: {  	s22 =	simm.s32 $0x1BFF;
	s21 =	sshll.u32 s6, $0x1;
	s3 =	sadd.s32 s4, s19  }
0x9c: {  	s7 =	simm.s32 $0x0;
	s20 =	sshll.u32 s5, $0x1;
	s5 =	sadd.s32 s21, s3  }
0x9d: {  	[timem:s7], [sflag:s22] =	dma.local [hbm:s5], s20  }
0x9e: {  	_ =	swait.ge [sflag:s22], s20  }
0x9f: {  	s4 =	ssub.s32 $0x0, s20;
	[sflag:s22] =	ssyncset.done $0x0  }
0xa0: {  	[sflag:s22] =	ssyncadd.s32 s4;
	_ =	sdelay $0x1  }
0xa1: {  	s23 =	simm.s32 $0x1B8B  }
0xa2: {  	_ =	swait.ge [sflag:s23], $0x1  }
0xa3: {  	[sflag:s23] =	ssyncset.done $0x0  }
0xa4: {  	s25 =	simm.s32 $0x1B8E;
	s24 =	sld [smem:$0x3FFE];
	[sflag:s23] =	ssyncadd.s32 $0xFFFFFFFF  }
0xa5: {  	s26 =	simm.s32 $execute0_lowered;
	[smem:$0x3FD2] =	sst s25  }
0xa6: {  	s5 =	sshll.u32 s26, $0x1;
	_ =	strace $0x80000049;
	[dreg:$0x1] =	wrdreg $0xFFFFFFFF  }
0xa7: {  	s28 =	simm.s32 $_size_execute0_lowered;
	s3 =	sadd.s32 s3, s5;
	[dreg:$0x0] =	wrdreg $0x0  }
0xa8: {  	s5 =	sshll.u32 s28, $0x1;
	[dreg:$0x2] =	wrdreg s3  }
0xa9: {  	[dreg:$0x3] =	wrdreg s5  }
0xaa: {  	[dreg:$0x4] =	wrdreg $0xC0  }
0xab: {  	_ =	task [dreg:s7], $0x5FFFF  }
0xac: {  	[dreg:$0x1] =	wrdreg $0xFFFFFFFF  }
0xad: {  	[dreg:$0x0] =	wrdreg $0x60  }
0xae: {  	[dreg:$0x2] =	wrdreg s24  }
0xaf: {  	[dreg:$0x3] =	wrdreg s2  }
0xb0: {  	[dreg:$0x4] =	wrdreg $0xB0000  }
0xb1: {  	[dreg:$0x5] =	wrdreg $0x9  }
0xb2: {  	_ =	task.clear_ibuf [dreg:s7], $0x6FFFF;
	_ =	strace $0x90000049  }
0xb3: {  	s29 =	simm.s32 $0x9;
	_ =	strace $0x8000004B  }
0xb4: {  	_ =	swait.ge [sflag:s29], $0x1  }
0xb5: {  	[sflag:s29] =	ssyncadd.s32 $0xFFFFFFFF  }
0xb6: {  	_ =	strace $0x9000004B  }
0xb7: {  	_ =	sfence  }
0xb8: {  	s30 =	sld [smem:$0x0];
	_ =	sdelay $0x2  }
0xb9: {  	s31 =	sshll.u32 s1, $0xD;
	s1 =	sshrl.u32 s1, $0x2  }
0xba: {  	s3 =	sand.u32 $0x4000, s31;
	s1 =	sadd.s32 s1, s30  }
0xbb: {  	s0 =	sor.u32 s3, s0;
	s1 =	sshll.u32 s1, $0x11  }
0xbc: {  	s0 =	sor.u32 s1, s0  }
0xbd: {  	s0 =	sadd.s32 $0x8F2B, s0  }
0xbe: {  	[sflag:s0] =	ssyncadd.remote.s32 $0x1  }
0xbf: {  	_ =	sfence.sel $0xFFFF  }
0xc0: {  	[dreg:$0x0] =	wrdreg $0xFFFFFFFF;
	(pc) =	sbr.abs _section_cstart, $3  }
0xc1: {  	[dreg:$0x1] =	wrdreg $0xFFFFFFFF  }
0xc2: {  	_ =	task.clear_ibuf [dreg:s7], $0x2FFFF;
	_ =	strace $0x9FFFFFFF  }
0xc3: {  	(tm) =	ssettm $0x7FFFFFFF  }
tec
execute0_lowered:
.L_overlay_start_1:
0x0: {  	(tag) =	ssettag $0x1  }
0x1: {  	s6 =	rddreg [dreg:$0x0]  }
0x2: {  	s0 =	srdreg.scid;
	s8 =	rddreg [dreg:$0x1]  }
0x3: {  	s24 =	stileid.u32;
	s2 =	rddreg [dreg:$0x2];
	s3 =	simm.s32 $0x0  }
0x4: {  	s17 =	simm.s32 $0x3000;
	s19 =	simm.s32 $0x2;
	s20 =	simm.s32 $0x7000  }
0x5: {  	s21 =	simm.s32 $0x3;
	s22 =	simm.s32 $0x4;
	s23 =	simm.s32 $0x5  }
0x6: {  	s7 =	sand.u32 $0x1, s0;
	[smem:$0x7FF] =	sst s3;
	s10 =	smul.u32 $0x2800, s24  }
0x7: {  	s5 =	sadd.s32 $0xD200, s6;
	s13 =	smul.u32 $0x50000, s24;
	s29 =	sshll.u32 s24, $0x6  }
0x8: {  	s15 =	smul.u32 $0xA, s24;
	s30 =	sadd.s32 $0x80, s8;
	s1 =	sshll.u32 s7, $0x4  }
0x9: {  	_ =	strace $0x8000004A;
	s11 =	smul.u32 $0x28000, s7;
	s25 =	ssub.s32 $0x2, s7  }
0xa: {  	s14 =	smul.u32 $0xA0, s7;
	s4 =	sor.u32 s24, s1;
	s26 =	sshrl.u32 s25, $0x1  }
0xb: {  	s28 =	sshrl.u32 s13, $0x2;
	s24 =	simm.s32 $0x0;
	s9 =	smul.u32 $0x500, s4  }
0xc: {  	s4 =	sadd.s32 $0x36C00, s6;
	s10 =	sadd.s32 s10, s11;
	s11 =	ssub.s32 s25, s26  }
0xd: {  	s16 =	sadd.s32 s28, s2;
	s31 =	sadd.s32 s15, s14;
	s14 =	simm.s32 $0x6  }
0xe: {  	s10 =	sadd.s32 s10, s6;
	s13 =	sshll.u32 s31, $0x7;
	s11 =	smax.u32 s11, $0x1  }
0xf: {  	s12 =	sadd.s32 s9, s6;
	s6 =	sor.u32 $0x1C06, s29;
	s8 =	sadd.s32 s8, s9  }
0x10: {  	s9 =	sadd.s32 s9, s30;
	s10 =	sadd.s32 $0x5DE00, s10;
	s7 =	sadd.s32 $0x3200, s12  }
0x11: {  	s12 =	sadd.s32 s13, s30;
	s13 =	sshrl.u32 s16, $0x3;
	s16 =	simm.s32 $0x80  }
.LBB2_1:
0x12: {  	[spmem:s13], [sflag:s6] =	dma.local [hbm:s5], $0x2800  }
0x13: {  	_ =	swait.ge [sflag:s14], $0x2800  }
0x14: {  	[sflag:s14] =	ssyncset.done $0x0  }
0x15: {  	[sflag:s14] =	ssyncadd.s32 $0xFFFFD800  }
0x16: {  	[tilespmem:s3], [sflag:$0x6] =	stream.linear.gather [hbm4b:s7+s3], $0x2800, $0x38;
	[tilespmem:$0x1F000] =	vst v63  }
0x17: {  	_ =	swait.ge [sflag:s14], $0x2800  }
0x18: {  	[sflag:s14] =	ssyncset.done $0x0  }
0x19: {  	s0 =	simm.s32 $0x2800;
	[sflag:s14] =	ssyncadd.s32 $0xFFFFD800  }
0x1a: {  	[tilespmem:s0], [sflag:$0x6] =	stream.linear.gather [hbm4b:s8+s3], $0x400, $0x38;
	[tilespmem:$0x1F000] =	vst v63  }
0x1b: {  	_ =	swait.ge [sflag:s14], $0x400  }
0x1c: {  	[sflag:s14] =	ssyncset.done $0x0  }
0x1d: {  	[sflag:s14] =	ssyncadd.s32 $0xFFFFFC00  }
0x1e: {  	[bflag:$0x0] =	sbarrier.arrive $0xFFFF  }
0x1f: {  	[tilespmem:s17], [sflag:$0x2] =	stream.indirect.gather [hbm4b:s4+s16], $0x80, s3, s16, $0xb8;
	[tilespmem:$0x1F000] =	vst v63  }
0x20: {  	s1 =	simm.s32 $0x2C00  }
0x21: {  	[tilespmem:s1], [sflag:$0x1] =	stream.linear.gather [hbm4b:s9+s3], $0x400, $0x38;
	[tilespmem:$0x1F000] =	vst v63  }
0x22: {  	s25 =	simm.s32 $0x0;
	p1 =	por $0x1, $0x1;
	_ =	swait.ge [sflag:s19], $0x4000  }
0x23: {  	s25 =	sand.u32 $0x400, s25;
	p0 =	por @!p1 $0x0, $0x0;
	[sflag:s19] =	ssyncset.done $0x0  }
0x24: {  	s28 =	simm.s32 @!p1 $0x5;
	s26 =	sor.u32 $0x2800, s25;
	[sflag:s19] =	ssyncadd.s32 $0xFFFFC000  }
0x25: {  	[spmem:s2] =	stream.indirect.scatter.add.f32 [tilespmem:s17], [sflag:$0x4], $0x80, s26, s16, $0xb8;
	[tilespmem:$0x1F000] =	vst v63  }
0x26: {  	p2 =	por p0, p1;
	s26 =	simm.s32 $0x400;
	_ =	swait.ge @!p1 [sflag:s28], $0x4000  }
0x27: {  	s26 =	sand.u32 @!p2 $0x400, s26;
	[sflag:s28] =	ssyncset.done @!p1 $0x0  }
0x28: {  	s26 =	sor.u32 @!p2 $0x2800, s26;
	[sflag:s28] =	ssyncadd.s32 @!p1 $0xFFFFC000;
	s28 =	simm.s32 @!p2 $0x0  }
0x29: {  	[tilespmem:s26], [sflag:$0x1] =	stream.linear.gather @!p2 [hbm4b:s12+s28], $0x400, $0x38;
	[tilespmem:$0x1F000] =	vst v63  }
0x2a: {  	s15 =	simm.s32 $0x80  }
0x2b: {  	[tilespmem:s20], [sflag:$0x3] =	stream.indirect.gather [hbm4b:s4+s16], $0x80, s15, s16, $0xb8;
	[tilespmem:$0x1F000] =	vst v63  }
0x2c: {  	_ =	swait.ge [sflag:s21], $0x4000  }
0x2d: {  	[sflag:s21] =	ssyncset.done $0x0  }
0x2e: {  	s18 =	sadd.s32 $0x2880, s25;
	[sflag:s21] =	ssyncadd.s32 $0xFFFFC000  }
0x2f: {  	[spmem:s2] =	stream.indirect.scatter.add.f32 [tilespmem:s20], [sflag:$0x5], $0x80, s18, s16, $0xb8;
	[tilespmem:$0x1F000] =	vst v63  }
0x30: {  	_ =	swait.ge [sflag:s22], $0x4000  }
0x31: {  	[sflag:s22] =	ssyncset.done $0x0  }
0x32: {  	s31 =	simm.s32 $0x100;
	[sflag:s22] =	ssyncadd.s32 $0xFFFFC000  }
0x33: {  	[tilespmem:s17], [sflag:$0x2] =	stream.indirect.gather [hbm4b:s4+s16], $0x80, s31, s16, $0xb8;
	[tilespmem:$0x1F000] =	vst v63  }
0x34: {  	_ =	swait.ge [sflag:s19], $0x4000  }
0x35: {  	[sflag:s19] =	ssyncset.done $0x0  }
0x36: {  	s0 =	sadd.s32 $0x2900, s25;
	[sflag:s19] =	ssyncadd.s32 $0xFFFFC000  }
0x37: {  	[spmem:s2] =	stream.indirect.scatter.add.f32 [tilespmem:s17], [sflag:$0x4], $0x80, s0, s16, $0xb8;
	[tilespmem:$0x1F000] =	vst v63  }
0x38: {  	_ =	swait.ge [sflag:s23], $0x4000  }
0x39: {  	[sflag:s23] =	ssyncset.done $0x0  }
0x3a: {  	s1 =	simm.s32 $0x180;
	[sflag:s23] =	ssyncadd.s32 $0xFFFFC000  }
0x3b: {  	[tilespmem:s20], [sflag:$0x3] =	stream.indirect.gather [hbm4b:s4+s16], $0x80, s1, s16, $0xb8;
	[tilespmem:$0x1F000] =	vst v63  }
0x3c: {  	_ =	swait.ge [sflag:s21], $0x4000  }
0x3d: {  	[sflag:s21] =	ssyncset.done $0x0  }
0x3e: {  	s15 =	sadd.s32 $0x2980, s25;
	[sflag:s21] =	ssyncadd.s32 $0xFFFFC000  }
0x3f: {  	[spmem:s2] =	stream.indirect.scatter.add.f32 [tilespmem:s20], [sflag:$0x5], $0x80, s15, s16, $0xb8;
	[tilespmem:$0x1F000] =	vst v63  }
0x40: {  	_ =	swait.ge [sflag:s22], $0x4000  }
0x41: {  	[sflag:s22] =	ssyncset.done $0x0  }
0x42: {  	s18 =	simm.s32 $0x200;
	[sflag:s22] =	ssyncadd.s32 $0xFFFFC000  }
0x43: {  	[tilespmem:s17], [sflag:$0x2] =	stream.indirect.gather [hbm4b:s4+s16], $0x80, s18, s16, $0xb8;
	[tilespmem:$0x1F000] =	vst v63  }
0x44: {  	_ =	swait.ge [sflag:s19], $0x4000  }
0x45: {  	[sflag:s19] =	ssyncset.done $0x0  }
0x46: {  	s31 =	sadd.s32 $0x2A00, s25;
	[sflag:s19] =	ssyncadd.s32 $0xFFFFC000  }
0x47: {  	[spmem:s2] =	stream.indirect.scatter.add.f32 [tilespmem:s17], [sflag:$0x4], $0x80, s31, s16, $0xb8;
	[tilespmem:$0x1F000] =	vst v63  }
0x48: {  	_ =	swait.ge [sflag:s23], $0x4000  }
0x49: {  	[sflag:s23] =	ssyncset.done $0x0  }
0x4a: {  	s0 =	simm.s32 $0x280;
	[sflag:s23] =	ssyncadd.s32 $0xFFFFC000  }
0x4b: {  	[tilespmem:s20], [sflag:$0x3] =	stream.indirect.gather [hbm4b:s4+s16], $0x80, s0, s16, $0xb8;
	[tilespmem:$0x1F000] =	vst v63  }
0x4c: {  	_ =	swait.ge [sflag:s21], $0x4000  }
0x4d: {  	[sflag:s21] =	ssyncset.done $0x0  }
0x4e: {  	s1 =	sadd.s32 $0x2A80, s25;
	[sflag:s21] =	ssyncadd.s32 $0xFFFFC000  }
0x4f: {  	[spmem:s2] =	stream.indirect.scatter.add.f32 [tilespmem:s20], [sflag:$0x5], $0x80, s1, s16, $0xb8;
	[tilespmem:$0x1F000] =	vst v63  }
0x50: {  	_ =	swait.ge [sflag:s22], $0x4000  }
0x51: {  	[sflag:s22] =	ssyncset.done $0x0  }
0x52: {  	s15 =	simm.s32 $0x300;
	[sflag:s22] =	ssyncadd.s32 $0xFFFFC000  }
0x53: {  	[tilespmem:s17], [sflag:$0x2] =	stream.indirect.gather [hbm4b:s4+s16], $0x80, s15, s16, $0xb8;
	[tilespmem:$0x1F000] =	vst v63  }
0x54: {  	_ =	swait.ge [sflag:s19], $0x4000  }
0x55: {  	[sflag:s19] =	ssyncset.done $0x0  }
0x56: {  	s18 =	sadd.s32 $0x2B00, s25;
	[sflag:s19] =	ssyncadd.s32 $0xFFFFC000  }
0x57: {  	[spmem:s2] =	stream.indirect.scatter.add.f32 [tilespmem:s17], [sflag:$0x4], $0x80, s18, s16, $0xb8;
	[tilespmem:$0x1F000] =	vst v63  }
0x58: {  	p3 =	por @!p1 $0x0, $0x0;
	_ =	swait.ge [sflag:s23], $0x4000  }
0x59: {  	p0 =	por !p0, p1;
	p2 =	por @!p2 $0x1, $0x1;
	[sflag:s23] =	ssyncset.done $0x0  }
0x5a: {  	s26 =	sadd.s32 $0x80, s12;
	s31 =	simm.s32 $0x380;
	[sflag:s23] =	ssyncadd.s32 $0xFFFFC000  }
0x5b: {  	[tilespmem:s20], [sflag:$0x3] =	stream.indirect.gather [hbm4b:s4+s16], $0x80, s31, s16, $0xb8;
	[tilespmem:$0x1F000] =	vst v63  }
0x5c: {  	p2 =	por @!p0 p3, p3;
	p0 =	por $0x1, $0x1;
	_ =	swait.ge [sflag:s21], $0x4000  }
0x5d: {  	s28 =	simm.s32 $0x800;
	p0 =	por @!p1 p2, p2;
	[sflag:s21] =	ssyncset.done $0x0  }
0x5e: {  	s30 =	simm.s32 @p0 $0x1;
	s25 =	sadd.s32 $0x2B80, s25;
	[sflag:s21] =	ssyncadd.s32 $0xFFFFC000  }
0x5f: {  	[spmem:s2] =	stream.indirect.scatter.add.f32 [tilespmem:s20], [sflag:$0x5], $0x80, s25, s16, $0xb8;
	[tilespmem:$0x1F000] =	vst v63  }
0x60: {  	s29 =	simm.s32 @p0 $0x400;
	s25 =	simm.s32 $0x1000;
	_ =	swait.ge @p0 [sflag:s30], $0x400  }
.LBB2_2:
0x61: {  	[sflag:s30] =	ssyncset.done @p0 $0x0;
	s31 =	simm.s32 @p0 $0x3000  }
0x62: {  	s1 =	smov.u32 s25;
	s25 =	sadd.s32 $0x1000, s25;
	s0 =	sadd.s32 $0xFFFFFC00, s28  }
0x63: {  	s15 =	simm.s32 @p0 $0x4;
	[sflag:s30] =	ssyncadd.s32 @p0 $0xFFFFFC00;
	s30 =	sand.u32 $0x400, s0  }
0x64: {  	s0 =	simm.s32 @p0 $0x80;
	p2 =	seq.s32 s1, $0x0;
	_ =	swait.ge @p0 [sflag:s15], $0x4000  }
0x65: {  	s18 =	sor.u32 $0x2800, s30;
	p4 =	seq.s32 @!p2 s1, $0x9000;
	[sflag:s15] =	ssyncset.done @p0 $0x0  }
0x66: {  	p1 =	por @!p2 $0x0, $0x0;
	p3 =	por p4, p2;
	[sflag:s15] =	ssyncadd.s32 @p0 $0xFFFFC000  }
0x67: {  	[tilespmem:s31], [sflag:$0x2] =	stream.indirect.gather @p0 [hbm4b:s4+s0], $0x80, s29, s0, $0xb8;
	[tilespmem:$0x1F000] =	vst v63  }
0x68: {  	s15 =	simm.s32 @!p2 $0x5;
	p0 =	por !p4, p2;
	_ =	swait.ge [sflag:s19], $0x4000  }
0x69: {  	s0 =	sand.u32 @!p3 $0x400, s28;
	p4 =	por @!p3 $0x1, $0x1;
	[sflag:s19] =	ssyncset.done $0x0  }
0x6a: {  	p4 =	por @!p0 p1, p1;
	p0 =	por $0x1, $0x1;
	[sflag:s19] =	ssyncadd.s32 $0xFFFFC000  }
0x6b: {  	[spmem:s2] =	stream.indirect.scatter.add.f32 [tilespmem:s17], [sflag:$0x4], $0x80, s18, s16, $0xb8;
	[tilespmem:$0x1F000] =	vst v63  }
0x6c: {  	s0 =	sor.u32 @!p3 $0x2800, s0;
	p0 =	por @!p2 p4, p4;
	_ =	swait.ge @!p2 [sflag:s15], $0x4000  }
0x6d: {  	p1 =	sne.s32 s25, $0xA000;
	s18 =	sshra.s32 @p0 s1, $0x2;
	[sflag:s15] =	ssyncset.done @!p2 $0x0  }
0x6e: {  	s31 =	sshra.s32 s1, $0x2;
	[sflag:s15] =	ssyncadd.s32 @!p2 $0xFFFFC000;
	s15 =	simm.s32 @!p3 $0x0  }
0x6f: {  	[tilespmem:s0], [sflag:$0x1] =	stream.linear.gather @!p3 [hbm4b:s26+s15], $0x400, $0x38;
	[tilespmem:$0x1F000] =	vst v63  }
0x70: {  	s29 =	sadd.s32 @p0 $0x400, s18;
	s0 =	sadd.s32 $0x80, s31  }
0x71: {  	[tilespmem:s20], [sflag:$0x3] =	stream.indirect.gather [hbm4b:s4+s16], $0x80, s0, s16, $0xb8;
	[tilespmem:$0x1F000] =	vst v63  }
0x72: {  	_ =	swait.ge [sflag:s21], $0x4000  }
0x73: {  	[sflag:s21] =	ssyncset.done $0x0  }
0x74: {  	s0 =	sadd.s32 $0x2880, s30;
	[sflag:s21] =	ssyncadd.s32 $0xFFFFC000  }
0x75: {  	[spmem:s2] =	stream.indirect.scatter.add.f32 [tilespmem:s20], [sflag:$0x5], $0x80, s0, s16, $0xb8;
	[tilespmem:$0x1F000] =	vst v63  }
0x76: {  	_ =	swait.ge [sflag:s22], $0x4000  }
0x77: {  	[sflag:s22] =	ssyncset.done $0x0  }
0x78: {  	s0 =	sadd.s32 $0x100, s31;
	[sflag:s22] =	ssyncadd.s32 $0xFFFFC000  }
0x79: {  	[tilespmem:s17], [sflag:$0x2] =	stream.indirect.gather [hbm4b:s4+s16], $0x80, s0, s16, $0xb8;
	[tilespmem:$0x1F000] =	vst v63  }
0x7a: {  	_ =	swait.ge [sflag:s19], $0x4000  }
0x7b: {  	[sflag:s19] =	ssyncset.done $0x0  }
0x7c: {  	s0 =	sadd.s32 $0x2900, s30;
	[sflag:s19] =	ssyncadd.s32 $0xFFFFC000  }
0x7d: {  	[spmem:s2] =	stream.indirect.scatter.add.f32 [tilespmem:s17], [sflag:$0x4], $0x80, s0, s16, $0xb8;
	[tilespmem:$0x1F000] =	vst v63  }
0x7e: {  	_ =	swait.ge [sflag:s23], $0x4000  }
0x7f: {  	[sflag:s23] =	ssyncset.done $0x0  }
0x80: {  	s0 =	sadd.s32 $0x180, s31;
	[sflag:s23] =	ssyncadd.s32 $0xFFFFC000  }
0x81: {  	[tilespmem:s20], [sflag:$0x3] =	stream.indirect.gather [hbm4b:s4+s16], $0x80, s0, s16, $0xb8;
	[tilespmem:$0x1F000] =	vst v63  }
0x82: {  	_ =	swait.ge [sflag:s21], $0x4000  }
0x83: {  	[sflag:s21] =	ssyncset.done $0x0  }
0x84: {  	s0 =	sadd.s32 $0x2980, s30;
	[sflag:s21] =	ssyncadd.s32 $0xFFFFC000  }
0x85: {  	[spmem:s2] =	stream.indirect.scatter.add.f32 [tilespmem:s20], [sflag:$0x5], $0x80, s0, s16, $0xb8;
	[tilespmem:$0x1F000] =	vst v63  }
0x86: {  	_ =	swait.ge [sflag:s22], $0x4000  }
0x87: {  	[sflag:s22] =	ssyncset.done $0x0  }
0x88: {  	s0 =	sadd.s32 $0x200, s31;
	[sflag:s22] =	ssyncadd.s32 $0xFFFFC000  }
0x89: {  	[tilespmem:s17], [sflag:$0x2] =	stream.indirect.gather [hbm4b:s4+s16], $0x80, s0, s16, $0xb8;
	[tilespmem:$0x1F000] =	vst v63  }
0x8a: {  	_ =	swait.ge [sflag:s19], $0x4000  }
0x8b: {  	[sflag:s19] =	ssyncset.done $0x0  }
0x8c: {  	s0 =	sadd.s32 $0x2A00, s30;
	[sflag:s19] =	ssyncadd.s32 $0xFFFFC000  }
0x8d: {  	[spmem:s2] =	stream.indirect.scatter.add.f32 [tilespmem:s17], [sflag:$0x4], $0x80, s0, s16, $0xb8;
	[tilespmem:$0x1F000] =	vst v63  }
0x8e: {  	_ =	swait.ge [sflag:s23], $0x4000  }
0x8f: {  	[sflag:s23] =	ssyncset.done $0x0  }
0x90: {  	s0 =	sadd.s32 $0x280, s31;
	[sflag:s23] =	ssyncadd.s32 $0xFFFFC000  }
0x91: {  	[tilespmem:s20], [sflag:$0x3] =	stream.indirect.gather [hbm4b:s4+s16], $0x80, s0, s16, $0xb8;
	[tilespmem:$0x1F000] =	vst v63  }
0x92: {  	_ =	swait.ge [sflag:s21], $0x4000  }
0x93: {  	[sflag:s21] =	ssyncset.done $0x0  }
0x94: {  	s0 =	sadd.s32 $0x2A80, s30;
	[sflag:s21] =	ssyncadd.s32 $0xFFFFC000  }
0x95: {  	[spmem:s2] =	stream.indirect.scatter.add.f32 [tilespmem:s20], [sflag:$0x5], $0x80, s0, s16, $0xb8;
	[tilespmem:$0x1F000] =	vst v63  }
0x96: {  	_ =	swait.ge [sflag:s22], $0x4000  }
0x97: {  	[sflag:s22] =	ssyncset.done $0x0  }
0x98: {  	s0 =	sadd.s32 $0x300, s31;
	[sflag:s22] =	ssyncadd.s32 $0xFFFFC000  }
0x99: {  	[tilespmem:s17], [sflag:$0x2] =	stream.indirect.gather [hbm4b:s4+s16], $0x80, s0, s16, $0xb8;
	[tilespmem:$0x1F000] =	vst v63  }
0x9a: {  	_ =	swait.ge [sflag:s19], $0x4000  }
0x9b: {  	[sflag:s19] =	ssyncset.done $0x0  }
0x9c: {  	s0 =	sadd.s32 $0x2B00, s30;
	[sflag:s19] =	ssyncadd.s32 $0xFFFFC000  }
0x9d: {  	[spmem:s2] =	stream.indirect.scatter.add.f32 [tilespmem:s17], [sflag:$0x4], $0x80, s0, s16, $0xb8;
	[tilespmem:$0x1F000] =	vst v63  }
0x9e: {  	_ =	swait.ge [sflag:s23], $0x4000  }
0x9f: {  	[sflag:s23] =	ssyncset.done $0x0  }
0xa0: {  	s0 =	sadd.s32 $0x380, s31;
	[sflag:s23] =	ssyncadd.s32 $0xFFFFC000  }
0xa1: {  	[tilespmem:s20], [sflag:$0x3] =	stream.indirect.gather [hbm4b:s4+s16], $0x80, s0, s16, $0xb8;
	[tilespmem:$0x1F000] =	vst v63  }
.Ltmp0:
0xa2: {  	_ =	swait.ge [sflag:s21], $0x4000;
	(pc) =	sbr.rel @p1 .LBB2_2-.Ltmp0, $4  }
0xa3: {  	[sflag:s21] =	ssyncset.done $0x0  }
0xa4: {  	s0 =	sadd.s32 $0x2B80, s30;
	s30 =	simm.s32 @p0 $0x1;
	[sflag:s21] =	ssyncadd.s32 $0xFFFFC000  }
0xa5: {  	[spmem:s2] =	stream.indirect.scatter.add.f32 [tilespmem:s20], [sflag:$0x5], $0x80, s0, s16, $0xb8;
	[tilespmem:$0x1F000] =	vst v63  }
0xa6: {  	s28 =	sadd.s32 $0x400, s28;
	s26 =	sadd.s32 $0x80, s26;
	_ =	swait.ge @p0 [sflag:s30], $0x400  }
0xa7: {  	[sflag:s30] =	ssyncset.done @p0 $0x0  }
0xa8: {  	s0 =	simm.s32 @p0 $0x4;
	[sflag:s30] =	ssyncadd.s32 @p0 $0xFFFFFC00  }
0xa9: {  	_ =	swait.ge @p0 [sflag:s0], $0x4000  }
0xaa: {  	[sflag:s0] =	ssyncset.done @p0 $0x0  }
0xab: {  	s1 =	simm.s32 @p0 $0x3000;
	s15 =	simm.s32 @p0 $0x80;
	[sflag:s0] =	ssyncadd.s32 @p0 $0xFFFFC000  }
0xac: {  	[tilespmem:s1], [sflag:$0x2] =	stream.indirect.gather @p0 [hbm4b:s4+s15], $0x80, s29, s15, $0xb8;
	[tilespmem:$0x1F000] =	vst v63  }
0xad: {  	_ =	swait.ge [sflag:s22], $0x4000  }
0xae: {  	[sflag:s22] =	ssyncset.done $0x0  }
0xaf: {  	[sflag:s22] =	ssyncadd.s32 $0xFFFFC000  }
0xb0: {  	_ =	swait.ge [sflag:s23], $0x4000  }
0xb1: {  	s24 =	sadd.s32 $0x1, s24;
	[sflag:s23] =	ssyncset.done $0x0  }
0xb2: {  	p0 =	sne.s32 s24, s11;
	[sflag:s23] =	ssyncadd.s32 $0xFFFFC000  }
.Ltmp1:
0xb3: {  	[bflag:$0x0] =	sbarrier.arrive $0xFFFF;
	(pc) =	sbr.rel @p0 .LBB2_1-.Ltmp1, $4  }
0xb4: {  	[hbm:s10], [sflag:s6] =	dma.local [spmem:s13], $0x2800  }
0xb5: {  	_ =	swait.ge [sflag:s14], $0x2800  }
0xb6: {  	[sflag:s14] =	ssyncset.done $0x0  }
0xb7: {  	[sflag:s14] =	ssyncadd.s32 $0xFFFFD800  }
0xb8: {  	_ =	sfence.sel $0x180000  }
0xb9: {  	[bflag:$0x0] =	sbarrier.arrive $0xFFFF  }
0xba: {  	_ =	strace $0x9000004A  }
0xbb: {  	s0 =	stileid.u32;
	[bflag:$0x2] =	sbarrier.arrive $0xFFFF  }
0xbc: {  	p0 =	sne.s32 s0, $0x0;
	s0 =	rddreg [dreg:$0x3]  }
0xbd: {  	s0 =	sadd.s32 @!p0 $0x100000, s0  }
0xbe: {  	[sflag:s0] =	ssyncadd.tile.s32 @!p0 $0x1;
	_ =	shalt  }
.Lfunc_end2:
_tile_overlayer_lowered:
.L_overlay_start_2:
0xbf: {  	(tag) =	ssettag $0x2  }
0xc0: {  	s0 =	rddreg [dreg:$0x0];
	s2 =	stileid.u32  }
0xc1: {  	s1 =	rddreg [dreg:$0x1];
	p0 =	sne.s32 s2, $0x0  }
0xc2: {  	s3 =	rddreg [dreg:$0x2];
	[bflag:$0x3] =	sbarrier.arrive $0xFFFF;
	s2 =	simm.s32 @!p0 $0x1C06  }
0xc3: {  	[timem:s3], [sflag:s2] =	dma.local @!p0 [hbm:s0], s1  }
0xc4: {  	s0 =	simm.s32 @!p0 $0x6  }
0xc5: {  	_ =	swait.ge @!p0 [sflag:s0], s1  }
0xc6: {  	s1 =	ssub.s32 @!p0 $0x0, s1;
	[sflag:s0] =	ssyncset.done @!p0 $0x0  }
0xc7: {  	[sflag:s0] =	ssyncadd.s32 @!p0 s1  }
0xc8: {  	[bflag:$0x3] =	sbarrier.arrive $0xFFFF  }
0xc9: {  	_ =	shalt  }

// kernel: kernel.15.cloned.1.call-start
scs
__scs_entry_jumppad:
0x0: {  	(pc) =	sbr.rel $0x88, $3  }
0x1: {  	(tag) =	ssettag $0x0;
	lr =	simm.s32 $0x1  }
0x2: {  	[smem:$0x3F97] =	sst lr;
	_ =	strace $0xD0000000  }
0x3: {  	_ = 	snop  }
0x4: {  	_ = 	snop  }
0x5: {  	_ = 	snop  }
0x6: {  	_ = 	snop  }
0x7: {  	_ = 	snop  }
__scs_overlays_trampoline_lowered:
0x8: {  	[smem:$0x3FA6] =	sst s0  }
0x9: {  	[smem:$0x3FA7] =	sst s1  }
0xa: {  	[smem:$0x3FA8] =	sst s2  }
0xb: {  	[smem:$0x3FA9] =	sst s3  }
0xc: {  	[smem:$0x3FAA] =	sst s4  }
0xd: {  	[smem:$0x3FAB] =	sst s5  }
0xe: {  	[smem:$0x3FAC] =	sst s6  }
0xf: {  	[smem:$0x3FAD] =	sst s7  }
0x10: {  	[smem:$0x3FAE] =	sst s8  }
0x11: {  	[smem:$0x3FAF] =	sst s9;
	s0 =	simm.s32 @!p0 $0x0  }
0x12: {  	s1 =	sld [smem:$0x3F95];
	s0 =	simm.s32 @p0 $0x1  }
0x13: {  	[smem:$0x3FB0] =	sst s0;
	s0 =	simm.s32 @!p1 $0x0  }
0x14: {  	s2 =	sld [smem:$0x3F94];
	s0 =	simm.s32 @p1 $0x1  }
0x15: {  	[smem:$0x3FB1] =	sst s0;
	s0 =	simm.s32 @!p2 $0x0  }
0x16: {  	s3 =	sld [smem:$0x3FDB];
	s0 =	simm.s32 @p2 $0x1  }
0x17: {  	s4 =	simm.s32 $0x1BF5;
	[smem:$0x3FB3] =	sst s0  }
0x18: {  	s0 =	sld [smem:$0x3F96];
	_ =	swait.ge [sflag:s4], $0x0  }
0x19: {  	s7 =	sld [smem:$0x3F97]  }
0x1a: {  	s8 =	sadd.s32 $0xFFFFE003, lr  }
0x1b: {  	s9 =	sadd.s32 $0xFFFFFEF7, lr;
	s5 =	simm.s32 $0xFFFFFFFF;
	p2 =	slt.u32 s8, $0xFFFFF086  }
0x1c: {  	p1 =	slt.u32 s9, $0xF7A;
	s5 =	simm.s32 @!p2 $0x0  }
0x1d: {  	s5 =	simm.s32 @p1 $0x1;
	p0 =	seq.s32 s7, s2  }
0x1e: {  	s7 =	smul.u32 @!p0 $0xF7A, s2;
	p2 =	seq.s32 @!p0 s5, $0x0  }
0x1f: {  	s9 =	smul.u32 $0xF7A, s1;
	s8 =	simm.s32 @!p0 $0x1BF5;
	p2 =	por !p2, p0  }
0x20: {  	[sflag:s8] =	ssyncset.s32 @!p0 $0xFFFFF086;
	s6 =	sadd.s32 @!p0 s3, s7;
	s7 =	simm.s32 @!p0 $0x108  }
0x21: {  	s3 =	sadd.s32 s3, s9;
	s6 =	sadd.s32 @!p0 $0x88, s6;
	s7 =	simm.s32 @p2 $0x1082  }
0x22: {  	[simem:s7], [sflag:s8] =	dma.local @!p0 [hbm:s6], $0xF7A  }
0x23: {  	s9 =	sor.u32 $0xD0000000, s2;
	s6 =	simm.s32 $0x108;
	_ =	swait.ge @!p0 [sflag:s8], $0x0  }
0x24: {  	s3 =	sadd.s32 $0x88, s3;
	s6 =	simm.s32 @!p1 $0x1082;
	[sflag:s4] =	ssyncset.s32 $0xFFFFF086  }
0x25: {  	[simem:s6], [sflag:s4] =	dma.local [hbm:s3], $0xF7A  }
0x26: {  	[smem:$0x3F97] =	sst s1;
	(tag) =	ssettag s2;
	_ =	strace s9  }
0x27: {  	s1 =	sld [smem:$0x3FA7]  }
0x28: {  	s2 =	sld [smem:$0x3FA8]  }
0x29: {  	s4 =	sld [smem:$0x3FAA]  }
0x2a: {  	p0 =	seq.s32 s5, $0x0;
	s5 =	sld [smem:$0x3FAB]  }
0x2b: {  	s6 =	sld [smem:$0x3FAC]  }
0x2c: {  	s7 =	sld [smem:$0x3FAD]  }
0x2d: {  	s3 =	simm.s32 $0x108;
	s8 =	sld [smem:$0x3FAE]  }
0x2e: {  	s3 =	simm.s32 @!p0 $0x1082;
	s9 =	sld [smem:$0x3FAF]  }
0x2f: {  	lr =	sadd.s32 s0, s3;
	s0 =	sld [smem:$0x3FA6]  }
0x30: {  	s3 =	sld [smem:$0x3FA9]  }
0x31: {  	[smem:$0x3FB2] =	sst s10  }
0x32: {  	s10 =	sld [smem:$0x3FB0];
	_ =	sdelay $0x3  }
0x33: {  	p0 =	seq.s32 s10, $0x1;
	s10 =	sld [smem:$0x3FB2];
	_ =	sdelay $0x3  }
0x34: {  	[smem:$0x3FB2] =	sst s10  }
0x35: {  	s10 =	sld [smem:$0x3FB1];
	_ =	sdelay $0x3  }
0x36: {  	p1 =	seq.s32 s10, $0x1;
	s10 =	sld [smem:$0x3FB2];
	_ =	sdelay $0x3  }
0x37: {  	[smem:$0x3FB2] =	sst s10  }
0x38: {  	s10 =	sld [smem:$0x3FB3]  }
0x39: {  	_ = 	snop;
	(pc) =	sbr.ind lr, $3  }
0x3a: {  	_ = 	snop  }
0x3b: {  	_ = 	snop  }
0x3c: {  	p2 =	seq.s32 s10, $0x1;
	s10 =	sld [smem:$0x3FB2]  }
0x3d: {  	_ =	shalt  }
0x3e: {  	_ =	shalt  }
0x3f: {  	_ =	shalt  }
0x40: {  	_ =	shalt  }
0x41: {  	_ =	shalt  }
0x42: {  	_ =	shalt  }
0x43: {  	_ =	shalt  }
0x44: {  	_ =	shalt  }
0x45: {  	_ =	shalt  }
0x46: {  	_ =	shalt  }
0x47: {  	_ =	shalt  }
0x48: {  	_ =	shalt  }
0x49: {  	_ =	shalt  }
0x4a: {  	_ =	shalt  }
0x4b: {  	_ =	shalt  }
0x4c: {  	_ =	shalt  }
0x4d: {  	_ =	shalt  }
0x4e: {  	_ =	shalt  }
0x4f: {  	_ =	shalt  }
0x50: {  	_ =	shalt  }
0x51: {  	_ =	shalt  }
0x52: {  	_ =	shalt  }
0x53: {  	_ =	shalt  }
0x54: {  	_ =	shalt  }
0x55: {  	_ =	shalt  }
0x56: {  	_ =	shalt  }
0x57: {  	_ =	shalt  }
0x58: {  	_ =	shalt  }
0x59: {  	_ =	shalt  }
0x5a: {  	_ =	shalt  }
0x5b: {  	_ =	shalt  }
0x5c: {  	_ =	shalt  }
0x5d: {  	_ =	shalt  }
0x5e: {  	_ =	shalt  }
0x5f: {  	_ =	shalt  }
0x60: {  	_ =	shalt  }
0x61: {  	_ =	shalt  }
0x62: {  	_ =	shalt  }
0x63: {  	_ =	shalt  }
0x64: {  	_ =	shalt  }
0x65: {  	_ =	shalt  }
0x66: {  	_ =	shalt  }
0x67: {  	_ =	shalt  }
0x68: {  	_ =	shalt  }
0x69: {  	_ =	shalt  }
0x6a: {  	_ =	shalt  }
0x6b: {  	_ =	shalt  }
0x6c: {  	_ =	shalt  }
0x6d: {  	_ =	shalt  }
0x6e: {  	_ =	shalt  }
0x6f: {  	_ =	shalt  }
0x70: {  	_ =	shalt  }
0x71: {  	_ =	shalt  }
0x72: {  	_ =	shalt  }
0x73: {  	_ =	shalt  }
0x74: {  	_ =	shalt  }
0x75: {  	_ =	shalt  }
0x76: {  	_ =	shalt  }
0x77: {  	_ =	shalt  }
0x78: {  	_ =	shalt  }
0x79: {  	_ =	shalt  }
0x7a: {  	_ =	shalt  }
0x7b: {  	_ =	shalt  }
0x7c: {  	_ =	shalt  }
0x7d: {  	_ =	shalt  }
0x7e: {  	_ =	shalt  }
0x7f: {  	_ =	shalt  }
0x80: {  	_ =	shalt  }
0x81: {  	_ =	shalt  }
0x82: {  	_ =	shalt  }
0x83: {  	_ =	shalt  }
0x84: {  	_ =	shalt  }
0x85: {  	_ =	shalt  }
0x86: {  	_ =	shalt  }
0x87: {  	_ =	shalt  }
.Lfunc_end0:
.L_simem_size_0:
called_computation.2_lowered:
.L_overlay_start_0:
0x88: {  	s2 =	sld [smem:$0x3FD9]  }
0x89: {  	s3 =	sld [smem:$0x3FFE];
	_ =	sdelay $0x1  }
0x8a: {  	s1 =	srdreg.scid  }
0x8b: {  	s0 =	sand.u32 $0x1, s1  }
0x8c: {  	s17 =	sshll.u32 s0, $0xA;
	s2 =	sadd.s32 s3, s2  }
0x8d: {  	s2 =	sadd.s32 s2, s17  }
0x8e: {  	[smem:$0x3FBE] =	sst s2  }
0x8f: {  	_ = 	snop  }
0x90: {  	s2 =	sld [smem:$0x3FD0];
	(tm) =	ssettm $0x1  }
0x91: {  	s18 =	sld [smem:$0x3FFB];
	_ =	sdelay $0x3  }
0x92: {  	_ =	strace s18  }
0x93: {  	s3 =	sld [smem:$0x3FFC];
	_ =	sdelay $0x3  }
0x94: {  	_ =	strace s3  }
0x95: {  	s3 =	sld [smem:$0x3FFD];
	_ =	sdelay $0x3  }
0x96: {  	_ =	strace s3  }
0x97: {  	_ =	strace $0x8FFFFFFF  }
0x98: {  	s19 =	sld [smem:$0x3FDB];
	_ =	sdelay $0x1  }
0x99: {  	s4 =	simm.s32 $_scs_section_size  }
0x9a: {  	s5 =	simm.s32 $_size__tile_overlayer_lowered;
	s6 =	simm.s32 $_tile_overlayer_lowered  }
0x9b: {  	s22 =	simm.s32 $0x1BFF;
	s21 =	sshll.u32 s6, $0x1;
	s3 =	sadd.s32 s4, s19  }
0x9c: {  	s7 =	simm.s32 $0x0;
	s20 =	sshll.u32 s5, $0x1;
	s5 =	sadd.s32 s21, s3  }
0x9d: {  	[timem:s7], [sflag:s22] =	dma.local [hbm:s5], s20  }
0x9e: {  	_ =	swait.ge [sflag:s22], s20  }
0x9f: {  	s4 =	ssub.s32 $0x0, s20;
	[sflag:s22] =	ssyncset.done $0x0  }
0xa0: {  	[sflag:s22] =	ssyncadd.s32 s4;
	_ =	sdelay $0x1  }
0xa1: {  	s23 =	simm.s32 $0x1B8B  }
0xa2: {  	_ =	swait.ge [sflag:s23], $0x1  }
0xa3: {  	[sflag:s23] =	ssyncset.done $0x0  }
0xa4: {  	s25 =	simm.s32 $0x1B8E;
	s24 =	sld [smem:$0x3FFE];
	[sflag:s23] =	ssyncadd.s32 $0xFFFFFFFF  }
0xa5: {  	s26 =	simm.s32 $execute0_lowered;
	[smem:$0x3FD2] =	sst s25  }
0xa6: {  	s5 =	sshll.u32 s26, $0x1;
	_ =	strace $0x8000004C;
	[dreg:$0x1] =	wrdreg $0xFFFFFFFF  }
0xa7: {  	s28 =	simm.s32 $_size_execute0_lowered;
	s3 =	sadd.s32 s3, s5;
	[dreg:$0x0] =	wrdreg $0x0  }
0xa8: {  	s5 =	sshll.u32 s28, $0x1;
	[dreg:$0x2] =	wrdreg s3  }
0xa9: {  	[dreg:$0x3] =	wrdreg s5  }
0xaa: {  	[dreg:$0x4] =	wrdreg $0xC0  }
0xab: {  	_ =	task [dreg:s7], $0x5FFFF  }
0xac: {  	[dreg:$0x1] =	wrdreg $0xFFFFFFFF  }
0xad: {  	[dreg:$0x0] =	wrdreg $0x60  }
0xae: {  	[dreg:$0x2] =	wrdreg s24  }
0xaf: {  	[dreg:$0x3] =	wrdreg s2  }
0xb0: {  	[dreg:$0x4] =	wrdreg $0xB0000  }
0xb1: {  	[dreg:$0x5] =	wrdreg $0x9  }
0xb2: {  	_ =	task.clear_ibuf [dreg:s7], $0x6FFFF;
	_ =	strace $0x9000004C  }
0xb3: {  	s29 =	simm.s32 $0x9;
	_ =	strace $0x8000004E  }
0xb4: {  	_ =	swait.ge [sflag:s29], $0x1  }
0xb5: {  	[sflag:s29] =	ssyncadd.s32 $0xFFFFFFFF  }
0xb6: {  	_ =	strace $0x9000004E  }
0xb7: {  	_ =	sfence  }
0xb8: {  	s30 =	sld [smem:$0x0];
	_ =	sdelay $0x2  }
0xb9: {  	s31 =	sshll.u32 s1, $0xD;
	s1 =	sshrl.u32 s1, $0x2  }
0xba: {  	s3 =	sand.u32 $0x4000, s31;
	s1 =	sadd.s32 s1, s30  }
0xbb: {  	s0 =	sor.u32 s3, s0;
	s1 =	sshll.u32 s1, $0x11  }
0xbc: {  	s0 =	sor.u32 s1, s0  }
0xbd: {  	s0 =	sadd.s32 $0x8F2B, s0  }
0xbe: {  	[sflag:s0] =	ssyncadd.remote.s32 $0x1  }
0xbf: {  	_ =	sfence.sel $0xFFFF  }
0xc0: {  	[dreg:$0x0] =	wrdreg $0xFFFFFFFF;
	(pc) =	sbr.abs _section_cstart, $3  }
0xc1: {  	[dreg:$0x1] =	wrdreg $0xFFFFFFFF  }
0xc2: {  	_ =	task.clear_ibuf [dreg:s7], $0x2FFFF;
	_ =	strace $0x9FFFFFFF  }
0xc3: {  	(tm) =	ssettm $0x7FFFFFFF  }
tec
execute0_lowered:
.L_overlay_start_1:
0x0: {  	(tag) =	ssettag $0x1  }
0x1: {  	s6 =	rddreg [dreg:$0x0]  }
0x2: {  	s0 =	srdreg.scid;
	s8 =	rddreg [dreg:$0x1]  }
0x3: {  	s24 =	stileid.u32;
	s2 =	rddreg [dreg:$0x2];
	s3 =	simm.s32 $0x0  }
0x4: {  	s17 =	simm.s32 $0x3000;
	s19 =	simm.s32 $0x2;
	s20 =	simm.s32 $0x7000  }
0x5: {  	s21 =	simm.s32 $0x3;
	s22 =	simm.s32 $0x4;
	s23 =	simm.s32 $0x5  }
0x6: {  	s7 =	sand.u32 $0x1, s0;
	[smem:$0x7FF] =	sst s3;
	s10 =	smul.u32 $0x2800, s24  }
0x7: {  	s5 =	sadd.s32 $0xD200, s6;
	s13 =	smul.u32 $0x50000, s24;
	s29 =	sshll.u32 s24, $0x6  }
0x8: {  	s15 =	smul.u32 $0xA, s24;
	s30 =	sadd.s32 $0x80, s8;
	s1 =	sshll.u32 s7, $0x4  }
0x9: {  	_ =	strace $0x8000004D;
	s11 =	smul.u32 $0x28000, s7;
	s25 =	ssub.s32 $0x2, s7  }
0xa: {  	s14 =	smul.u32 $0xA0, s7;
	s4 =	sor.u32 s24, s1;
	s26 =	sshrl.u32 s25, $0x1  }
0xb: {  	s28 =	sshrl.u32 s13, $0x2;
	s24 =	simm.s32 $0x0;
	s9 =	smul.u32 $0x500, s4  }
0xc: {  	s4 =	sadd.s32 $0x36C00, s6;
	s10 =	sadd.s32 s10, s11;
	s11 =	ssub.s32 s25, s26  }
0xd: {  	s16 =	sadd.s32 s28, s2;
	s31 =	sadd.s32 s15, s14;
	s14 =	simm.s32 $0x6  }
0xe: {  	s10 =	sadd.s32 s10, s6;
	s13 =	sshll.u32 s31, $0x7;
	s11 =	smax.u32 s11, $0x1  }
0xf: {  	s12 =	sadd.s32 s9, s6;
	s6 =	sor.u32 $0x1C06, s29;
	s8 =	sadd.s32 s8, s9  }
0x10: {  	s9 =	sadd.s32 s9, s30;
	s10 =	sadd.s32 $0x5DE00, s10;
	s7 =	sadd.s32 $0x3200, s12  }
0x11: {  	s12 =	sadd.s32 s13, s30;
	s13 =	sshrl.u32 s16, $0x3;
	s16 =	simm.s32 $0x80  }
.LBB2_1:
0x12: {  	[spmem:s13], [sflag:s6] =	dma.local [hbm:s5], $0x2800  }
0x13: {  	_ =	swait.ge [sflag:s14], $0x2800  }
0x14: {  	[sflag:s14] =	ssyncset.done $0x0  }
0x15: {  	[sflag:s14] =	ssyncadd.s32 $0xFFFFD800  }
0x16: {  	[tilespmem:s3], [sflag:$0x6] =	stream.linear.gather [hbm4b:s7+s3], $0x2800, $0x38;
	[tilespmem:$0x1F000] =	vst v63  }
0x17: {  	_ =	swait.ge [sflag:s14], $0x2800  }
0x18: {  	[sflag:s14] =	ssyncset.done $0x0  }
0x19: {  	s0 =	simm.s32 $0x2800;
	[sflag:s14] =	ssyncadd.s32 $0xFFFFD800  }
0x1a: {  	[tilespmem:s0], [sflag:$0x6] =	stream.linear.gather [hbm4b:s8+s3], $0x400, $0x38;
	[tilespmem:$0x1F000] =	vst v63  }
0x1b: {  	_ =	swait.ge [sflag:s14], $0x400  }
0x1c: {  	[sflag:s14] =	ssyncset.done $0x0  }
0x1d: {  	[sflag:s14] =	ssyncadd.s32 $0xFFFFFC00  }
0x1e: {  	[bflag:$0x0] =	sbarrier.arrive $0xFFFF  }
0x1f: {  	[tilespmem:s17], [sflag:$0x2] =	stream.indirect.gather [hbm4b:s4+s16], $0x80, s3, s16, $0xb8;
	[tilespmem:$0x1F000] =	vst v63  }
0x20: {  	s1 =	simm.s32 $0x2C00  }
0x21: {  	[tilespmem:s1], [sflag:$0x1] =	stream.linear.gather [hbm4b:s9+s3], $0x400, $0x38;
	[tilespmem:$0x1F000] =	vst v63  }
0x22: {  	s25 =	simm.s32 $0x0;
	p1 =	por $0x1, $0x1;
	_ =	swait.ge [sflag:s19], $0x4000  }
0x23: {  	s25 =	sand.u32 $0x400, s25;
	p0 =	por @!p1 $0x0, $0x0;
	[sflag:s19] =	ssyncset.done $0x0  }
0x24: {  	s28 =	simm.s32 @!p1 $0x5;
	s26 =	sor.u32 $0x2800, s25;
	[sflag:s19] =	ssyncadd.s32 $0xFFFFC000  }
0x25: {  	[spmem:s2] =	stream.indirect.scatter.add.f32 [tilespmem:s17], [sflag:$0x4], $0x80, s26, s16, $0xb8;
	[tilespmem:$0x1F000] =	vst v63  }
0x26: {  	p2 =	por p0, p1;
	s26 =	simm.s32 $0x400;
	_ =	swait.ge @!p1 [sflag:s28], $0x4000  }
0x27: {  	s26 =	sand.u32 @!p2 $0x400, s26;
	[sflag:s28] =	ssyncset.done @!p1 $0x0  }
0x28: {  	s26 =	sor.u32 @!p2 $0x2800, s26;
	[sflag:s28] =	ssyncadd.s32 @!p1 $0xFFFFC000;
	s28 =	simm.s32 @!p2 $0x0  }
0x29: {  	[tilespmem:s26], [sflag:$0x1] =	stream.linear.gather @!p2 [hbm4b:s12+s28], $0x400, $0x38;
	[tilespmem:$0x1F000] =	vst v63  }
0x2a: {  	s15 =	simm.s32 $0x80  }
0x2b: {  	[tilespmem:s20], [sflag:$0x3] =	stream.indirect.gather [hbm4b:s4+s16], $0x80, s15, s16, $0xb8;
	[tilespmem:$0x1F000] =	vst v63  }
0x2c: {  	_ =	swait.ge [sflag:s21], $0x4000  }
0x2d: {  	[sflag:s21] =	ssyncset.done $0x0  }
0x2e: {  	s18 =	sadd.s32 $0x2880, s25;
	[sflag:s21] =	ssyncadd.s32 $0xFFFFC000  }
0x2f: {  	[spmem:s2] =	stream.indirect.scatter.add.f32 [tilespmem:s20], [sflag:$0x5], $0x80, s18, s16, $0xb8;
	[tilespmem:$0x1F000] =	vst v63  }
0x30: {  	_ =	swait.ge [sflag:s22], $0x4000  }
0x31: {  	[sflag:s22] =	ssyncset.done $0x0  }
0x32: {  	s31 =	simm.s32 $0x100;
	[sflag:s22] =	ssyncadd.s32 $0xFFFFC000  }
0x33: {  	[tilespmem:s17], [sflag:$0x2] =	stream.indirect.gather [hbm4b:s4+s16], $0x80, s31, s16, $0xb8;
	[tilespmem:$0x1F000] =	vst v63  }
0x34: {  	_ =	swait.ge [sflag:s19], $0x4000  }
0x35: {  	[sflag:s19] =	ssyncset.done $0x0  }
0x36: {  	s0 =	sadd.s32 $0x2900, s25;
	[sflag:s19] =	ssyncadd.s32 $0xFFFFC000  }
0x37: {  	[spmem:s2] =	stream.indirect.scatter.add.f32 [tilespmem:s17], [sflag:$0x4], $0x80, s0, s16, $0xb8;
	[tilespmem:$0x1F000] =	vst v63  }
0x38: {  	_ =	swait.ge [sflag:s23], $0x4000  }
0x39: {  	[sflag:s23] =	ssyncset.done $0x0  }
0x3a: {  	s1 =	simm.s32 $0x180;
	[sflag:s23] =	ssyncadd.s32 $0xFFFFC000  }
0x3b: {  	[tilespmem:s20], [sflag:$0x3] =	stream.indirect.gather [hbm4b:s4+s16], $0x80, s1, s16, $0xb8;
	[tilespmem:$0x1F000] =	vst v63  }
0x3c: {  	_ =	swait.ge [sflag:s21], $0x4000  }
0x3d: {  	[sflag:s21] =	ssyncset.done $0x0  }
0x3e: {  	s15 =	sadd.s32 $0x2980, s25;
	[sflag:s21] =	ssyncadd.s32 $0xFFFFC000  }
0x3f: {  	[spmem:s2] =	stream.indirect.scatter.add.f32 [tilespmem:s20], [sflag:$0x5], $0x80, s15, s16, $0xb8;
	[tilespmem:$0x1F000] =	vst v63  }
0x40: {  	_ =	swait.ge [sflag:s22], $0x4000  }
0x41: {  	[sflag:s22] =	ssyncset.done $0x0  }
0x42: {  	s18 =	simm.s32 $0x200;
	[sflag:s22] =	ssyncadd.s32 $0xFFFFC000  }
0x43: {  	[tilespmem:s17], [sflag:$0x2] =	stream.indirect.gather [hbm4b:s4+s16], $0x80, s18, s16, $0xb8;
	[tilespmem:$0x1F000] =	vst v63  }
0x44: {  	_ =	swait.ge [sflag:s19], $0x4000  }
0x45: {  	[sflag:s19] =	ssyncset.done $0x0  }
0x46: {  	s31 =	sadd.s32 $0x2A00, s25;
	[sflag:s19] =	ssyncadd.s32 $0xFFFFC000  }
0x47: {  	[spmem:s2] =	stream.indirect.scatter.add.f32 [tilespmem:s17], [sflag:$0x4], $0x80, s31, s16, $0xb8;
	[tilespmem:$0x1F000] =	vst v63  }
0x48: {  	_ =	swait.ge [sflag:s23], $0x4000  }
0x49: {  	[sflag:s23] =	ssyncset.done $0x0  }
0x4a: {  	s0 =	simm.s32 $0x280;
	[sflag:s23] =	ssyncadd.s32 $0xFFFFC000  }
0x4b: {  	[tilespmem:s20], [sflag:$0x3] =	stream.indirect.gather [hbm4b:s4+s16], $0x80, s0, s16, $0xb8;
	[tilespmem:$0x1F000] =	vst v63  }
0x4c: {  	_ =	swait.ge [sflag:s21], $0x4000  }
0x4d: {  	[sflag:s21] =	ssyncset.done $0x0  }
0x4e: {  	s1 =	sadd.s32 $0x2A80, s25;
	[sflag:s21] =	ssyncadd.s32 $0xFFFFC000  }
0x4f: {  	[spmem:s2] =	stream.indirect.scatter.add.f32 [tilespmem:s20], [sflag:$0x5], $0x80, s1, s16, $0xb8;
	[tilespmem:$0x1F000] =	vst v63  }
0x50: {  	_ =	swait.ge [sflag:s22], $0x4000  }
0x51: {  	[sflag:s22] =	ssyncset.done $0x0  }
0x52: {  	s15 =	simm.s32 $0x300;
	[sflag:s22] =	ssyncadd.s32 $0xFFFFC000  }
0x53: {  	[tilespmem:s17], [sflag:$0x2] =	stream.indirect.gather [hbm4b:s4+s16], $0x80, s15, s16, $0xb8;
	[tilespmem:$0x1F000] =	vst v63  }
0x54: {  	_ =	swait.ge [sflag:s19], $0x4000  }
0x55: {  	[sflag:s19] =	ssyncset.done $0x0  }
0x56: {  	s18 =	sadd.s32 $0x2B00, s25;
	[sflag:s19] =	ssyncadd.s32 $0xFFFFC000  }
0x57: {  	[spmem:s2] =	stream.indirect.scatter.add.f32 [tilespmem:s17], [sflag:$0x4], $0x80, s18, s16, $0xb8;
	[tilespmem:$0x1F000] =	vst v63  }
0x58: {  	p3 =	por @!p1 $0x0, $0x0;
	_ =	swait.ge [sflag:s23], $0x4000  }
0x59: {  	p0 =	por !p0, p1;
	p2 =	por @!p2 $0x1, $0x1;
	[sflag:s23] =	ssyncset.done $0x0  }
0x5a: {  	s26 =	sadd.s32 $0x80, s12;
	s31 =	simm.s32 $0x380;
	[sflag:s23] =	ssyncadd.s32 $0xFFFFC000  }
0x5b: {  	[tilespmem:s20], [sflag:$0x3] =	stream.indirect.gather [hbm4b:s4+s16], $0x80, s31, s16, $0xb8;
	[tilespmem:$0x1F000] =	vst v63  }
0x5c: {  	p2 =	por @!p0 p3, p3;
	p0 =	por $0x1, $0x1;
	_ =	swait.ge [sflag:s21], $0x4000  }
0x5d: {  	s28 =	simm.s32 $0x800;
	p0 =	por @!p1 p2, p2;
	[sflag:s21] =	ssyncset.done $0x0  }
0x5e: {  	s30 =	simm.s32 @p0 $0x1;
	s25 =	sadd.s32 $0x2B80, s25;
	[sflag:s21] =	ssyncadd.s32 $0xFFFFC000  }
0x5f: {  	[spmem:s2] =	stream.indirect.scatter.add.f32 [tilespmem:s20], [sflag:$0x5], $0x80, s25, s16, $0xb8;
	[tilespmem:$0x1F000] =	vst v63  }
0x60: {  	s29 =	simm.s32 @p0 $0x400;
	s25 =	simm.s32 $0x1000;
	_ =	swait.ge @p0 [sflag:s30], $0x400  }
.LBB2_2:
0x61: {  	[sflag:s30] =	ssyncset.done @p0 $0x0;
	s31 =	simm.s32 @p0 $0x3000  }
0x62: {  	s1 =	smov.u32 s25;
	s25 =	sadd.s32 $0x1000, s25;
	s0 =	sadd.s32 $0xFFFFFC00, s28  }
0x63: {  	s15 =	simm.s32 @p0 $0x4;
	[sflag:s30] =	ssyncadd.s32 @p0 $0xFFFFFC00;
	s30 =	sand.u32 $0x400, s0  }
0x64: {  	s0 =	simm.s32 @p0 $0x80;
	p2 =	seq.s32 s1, $0x0;
	_ =	swait.ge @p0 [sflag:s15], $0x4000  }
0x65: {  	s18 =	sor.u32 $0x2800, s30;
	p4 =	seq.s32 @!p2 s1, $0x9000;
	[sflag:s15] =	ssyncset.done @p0 $0x0  }
0x66: {  	p1 =	por @!p2 $0x0, $0x0;
	p3 =	por p4, p2;
	[sflag:s15] =	ssyncadd.s32 @p0 $0xFFFFC000  }
0x67: {  	[tilespmem:s31], [sflag:$0x2] =	stream.indirect.gather @p0 [hbm4b:s4+s0], $0x80, s29, s0, $0xb8;
	[tilespmem:$0x1F000] =	vst v63  }
0x68: {  	s15 =	simm.s32 @!p2 $0x5;
	p0 =	por !p4, p2;
	_ =	swait.ge [sflag:s19], $0x4000  }
0x69: {  	s0 =	sand.u32 @!p3 $0x400, s28;
	p4 =	por @!p3 $0x1, $0x1;
	[sflag:s19] =	ssyncset.done $0x0  }
0x6a: {  	p4 =	por @!p0 p1, p1;
	p0 =	por $0x1, $0x1;
	[sflag:s19] =	ssyncadd.s32 $0xFFFFC000  }
0x6b: {  	[spmem:s2] =	stream.indirect.scatter.add.f32 [tilespmem:s17], [sflag:$0x4], $0x80, s18, s16, $0xb8;
	[tilespmem:$0x1F000] =	vst v63  }
0x6c: {  	s0 =	sor.u32 @!p3 $0x2800, s0;
	p0 =	por @!p2 p4, p4;
	_ =	swait.ge @!p2 [sflag:s15], $0x4000  }
0x6d: {  	p1 =	sne.s32 s25, $0xA000;
	s18 =	sshra.s32 @p0 s1, $0x2;
	[sflag:s15] =	ssyncset.done @!p2 $0x0  }
0x6e: {  	s31 =	sshra.s32 s1, $0x2;
	[sflag:s15] =	ssyncadd.s32 @!p2 $0xFFFFC000;
	s15 =	simm.s32 @!p3 $0x0  }
0x6f: {  	[tilespmem:s0], [sflag:$0x1] =	stream.linear.gather @!p3 [hbm4b:s26+s15], $0x400, $0x38;
	[tilespmem:$0x1F000] =	vst v63  }
0x70: {  	s29 =	sadd.s32 @p0 $0x400, s18;
	s0 =	sadd.s32 $0x80, s31  }
0x71: {  	[tilespmem:s20], [sflag:$0x3] =	stream.indirect.gather [hbm4b:s4+s16], $0x80, s0, s16, $0xb8;
	[tilespmem:$0x1F000] =	vst v63  }
0x72: {  	_ =	swait.ge [sflag:s21], $0x4000  }
0x73: {  	[sflag:s21] =	ssyncset.done $0x0  }
0x74: {  	s0 =	sadd.s32 $0x2880, s30;
	[sflag:s21] =	ssyncadd.s32 $0xFFFFC000  }
0x75: {  	[spmem:s2] =	stream.indirect.scatter.add.f32 [tilespmem:s20], [sflag:$0x5], $0x80, s0, s16, $0xb8;
	[tilespmem:$0x1F000] =	vst v63  }
0x76: {  	_ =	swait.ge [sflag:s22], $0x4000  }
0x77: {  	[sflag:s22] =	ssyncset.done $0x0  }
0x78: {  	s0 =	sadd.s32 $0x100, s31;
	[sflag:s22] =	ssyncadd.s32 $0xFFFFC000  }
0x79: {  	[tilespmem:s17], [sflag:$0x2] =	stream.indirect.gather [hbm4b:s4+s16], $0x80, s0, s16, $0xb8;
	[tilespmem:$0x1F000] =	vst v63  }
0x7a: {  	_ =	swait.ge [sflag:s19], $0x4000  }
0x7b: {  	[sflag:s19] =	ssyncset.done $0x0  }
0x7c: {  	s0 =	sadd.s32 $0x2900, s30;
	[sflag:s19] =	ssyncadd.s32 $0xFFFFC000  }
0x7d: {  	[spmem:s2] =	stream.indirect.scatter.add.f32 [tilespmem:s17], [sflag:$0x4], $0x80, s0, s16, $0xb8;
	[tilespmem:$0x1F000] =	vst v63  }
0x7e: {  	_ =	swait.ge [sflag:s23], $0x4000  }
0x7f: {  	[sflag:s23] =	ssyncset.done $0x0  }
0x80: {  	s0 =	sadd.s32 $0x180, s31;
	[sflag:s23] =	ssyncadd.s32 $0xFFFFC000  }
0x81: {  	[tilespmem:s20], [sflag:$0x3] =	stream.indirect.gather [hbm4b:s4+s16], $0x80, s0, s16, $0xb8;
	[tilespmem:$0x1F000] =	vst v63  }
0x82: {  	_ =	swait.ge [sflag:s21], $0x4000  }
0x83: {  	[sflag:s21] =	ssyncset.done $0x0  }
0x84: {  	s0 =	sadd.s32 $0x2980, s30;
	[sflag:s21] =	ssyncadd.s32 $0xFFFFC000  }
0x85: {  	[spmem:s2] =	stream.indirect.scatter.add.f32 [tilespmem:s20], [sflag:$0x5], $0x80, s0, s16, $0xb8;
	[tilespmem:$0x1F000] =	vst v63  }
0x86: {  	_ =	swait.ge [sflag:s22], $0x4000  }
0x87: {  	[sflag:s22] =	ssyncset.done $0x0  }
0x88: {  	s0 =	sadd.s32 $0x200, s31;
	[sflag:s22] =	ssyncadd.s32 $0xFFFFC000  }
0x89: {  	[tilespmem:s17], [sflag:$0x2] =	stream.indirect.gather [hbm4b:s4+s16], $0x80, s0, s16, $0xb8;
	[tilespmem:$0x1F000] =	vst v63  }
0x8a: {  	_ =	swait.ge [sflag:s19], $0x4000  }
0x8b: {  	[sflag:s19] =	ssyncset.done $0x0  }
0x8c: {  	s0 =	sadd.s32 $0x2A00, s30;
	[sflag:s19] =	ssyncadd.s32 $0xFFFFC000  }
0x8d: {  	[spmem:s2] =	stream.indirect.scatter.add.f32 [tilespmem:s17], [sflag:$0x4], $0x80, s0, s16, $0xb8;
	[tilespmem:$0x1F000] =	vst v63  }
0x8e: {  	_ =	swait.ge [sflag:s23], $0x4000  }
0x8f: {  	[sflag:s23] =	ssyncset.done $0x0  }
0x90: {  	s0 =	sadd.s32 $0x280, s31;
	[sflag:s23] =	ssyncadd.s32 $0xFFFFC000  }
0x91: {  	[tilespmem:s20], [sflag:$0x3] =	stream.indirect.gather [hbm4b:s4+s16], $0x80, s0, s16, $0xb8;
	[tilespmem:$0x1F000] =	vst v63  }
0x92: {  	_ =	swait.ge [sflag:s21], $0x4000  }
0x93: {  	[sflag:s21] =	ssyncset.done $0x0  }
0x94: {  	s0 =	sadd.s32 $0x2A80, s30;
	[sflag:s21] =	ssyncadd.s32 $0xFFFFC000  }
0x95: {  	[spmem:s2] =	stream.indirect.scatter.add.f32 [tilespmem:s20], [sflag:$0x5], $0x80, s0, s16, $0xb8;
	[tilespmem:$0x1F000] =	vst v63  }
0x96: {  	_ =	swait.ge [sflag:s22], $0x4000  }
0x97: {  	[sflag:s22] =	ssyncset.done $0x0  }
0x98: {  	s0 =	sadd.s32 $0x300, s31;
	[sflag:s22] =	ssyncadd.s32 $0xFFFFC000  }
0x99: {  	[tilespmem:s17], [sflag:$0x2] =	stream.indirect.gather [hbm4b:s4+s16], $0x80, s0, s16, $0xb8;
	[tilespmem:$0x1F000] =	vst v63  }
0x9a: {  	_ =	swait.ge [sflag:s19], $0x4000  }
0x9b: {  	[sflag:s19] =	ssyncset.done $0x0  }
0x9c: {  	s0 =	sadd.s32 $0x2B00, s30;
	[sflag:s19] =	ssyncadd.s32 $0xFFFFC000  }
0x9d: {  	[spmem:s2] =	stream.indirect.scatter.add.f32 [tilespmem:s17], [sflag:$0x4], $0x80, s0, s16, $0xb8;
	[tilespmem:$0x1F000] =	vst v63  }
0x9e: {  	_ =	swait.ge [sflag:s23], $0x4000  }
0x9f: {  	[sflag:s23] =	ssyncset.done $0x0  }
0xa0: {  	s0 =	sadd.s32 $0x380, s31;
	[sflag:s23] =	ssyncadd.s32 $0xFFFFC000  }
0xa1: {  	[tilespmem:s20], [sflag:$0x3] =	stream.indirect.gather [hbm4b:s4+s16], $0x80, s0, s16, $0xb8;
	[tilespmem:$0x1F000] =	vst v63  }
.Ltmp0:
0xa2: {  	_ =	swait.ge [sflag:s21], $0x4000;
	(pc) =	sbr.rel @p1 .LBB2_2-.Ltmp0, $4  }
0xa3: {  	[sflag:s21] =	ssyncset.done $0x0  }
0xa4: {  	s0 =	sadd.s32 $0x2B80, s30;
	s30 =	simm.s32 @p0 $0x1;
	[sflag:s21] =	ssyncadd.s32 $0xFFFFC000  }
0xa5: {  	[spmem:s2] =	stream.indirect.scatter.add.f32 [tilespmem:s20], [sflag:$0x5], $0x80, s0, s16, $0xb8;
	[tilespmem:$0x1F000] =	vst v63  }
0xa6: {  	s28 =	sadd.s32 $0x400, s28;
	s26 =	sadd.s32 $0x80, s26;
	_ =	swait.ge @p0 [sflag:s30], $0x400  }
0xa7: {  	[sflag:s30] =	ssyncset.done @p0 $0x0  }
0xa8: {  	s0 =	simm.s32 @p0 $0x4;
	[sflag:s30] =	ssyncadd.s32 @p0 $0xFFFFFC00  }
0xa9: {  	_ =	swait.ge @p0 [sflag:s0], $0x4000  }
0xaa: {  	[sflag:s0] =	ssyncset.done @p0 $0x0  }
0xab: {  	s1 =	simm.s32 @p0 $0x3000;
	s15 =	simm.s32 @p0 $0x80;
	[sflag:s0] =	ssyncadd.s32 @p0 $0xFFFFC000  }
0xac: {  	[tilespmem:s1], [sflag:$0x2] =	stream.indirect.gather @p0 [hbm4b:s4+s15], $0x80, s29, s15, $0xb8;
	[tilespmem:$0x1F000] =	vst v63  }
0xad: {  	_ =	swait.ge [sflag:s22], $0x4000  }
0xae: {  	[sflag:s22] =	ssyncset.done $0x0  }
0xaf: {  	[sflag:s22] =	ssyncadd.s32 $0xFFFFC000  }
0xb0: {  	_ =	swait.ge [sflag:s23], $0x4000  }
0xb1: {  	s24 =	sadd.s32 $0x1, s24;
	[sflag:s23] =	ssyncset.done $0x0  }
0xb2: {  	p0 =	sne.s32 s24, s11;
	[sflag:s23] =	ssyncadd.s32 $0xFFFFC000  }
.Ltmp1:
0xb3: {  	[bflag:$0x0] =	sbarrier.arrive $0xFFFF;
	(pc) =	sbr.rel @p0 .LBB2_1-.Ltmp1, $4  }
0xb4: {  	[hbm:s10], [sflag:s6] =	dma.local [spmem:s13], $0x2800  }
0xb5: {  	_ =	swait.ge [sflag:s14], $0x2800  }
0xb6: {  	[sflag:s14] =	ssyncset.done $0x0  }
0xb7: {  	[sflag:s14] =	ssyncadd.s32 $0xFFFFD800  }
0xb8: {  	_ =	sfence.sel $0x180000  }
0xb9: {  	[bflag:$0x0] =	sbarrier.arrive $0xFFFF  }
0xba: {  	_ =	strace $0x9000004D  }
0xbb: {  	s0 =	stileid.u32;
	[bflag:$0x2] =	sbarrier.arrive $0xFFFF  }
0xbc: {  	p0 =	sne.s32 s0, $0x0;
	s0 =	rddreg [dreg:$0x3]  }
0xbd: {  	s0 =	sadd.s32 @!p0 $0x100000, s0  }
0xbe: {  	[sflag:s0] =	ssyncadd.tile.s32 @!p0 $0x1;
	_ =	shalt  }
.Lfunc_end2:
_tile_overlayer_lowered:
.L_overlay_start_2:
0xbf: {  	(tag) =	ssettag $0x2  }
0xc0: {  	s0 =	rddreg [dreg:$0x0];
	s2 =	stileid.u32  }
0xc1: {  	s1 =	rddreg [dreg:$0x1];
	p0 =	sne.s32 s2, $0x0  }
0xc2: {  	s3 =	rddreg [dreg:$0x2];
	[bflag:$0x3] =	sbarrier.arrive $0xFFFF;
	s2 =	simm.s32 @!p0 $0x1C06  }
0xc3: {  	[timem:s3], [sflag:s2] =	dma.local @!p0 [hbm:s0], s1  }
0xc4: {  	s0 =	simm.s32 @!p0 $0x6  }
0xc5: {  	_ =	swait.ge @!p0 [sflag:s0], s1  }
0xc6: {  	s1 =	ssub.s32 @!p0 $0x0, s1;
	[sflag:s0] =	ssyncset.done @!p0 $0x0  }
0xc7: {  	[sflag:s0] =	ssyncadd.s32 @!p0 s1  }
0xc8: {  	[bflag:$0x3] =	sbarrier.arrive $0xFFFF  }
0xc9: {  	_ =	shalt  }

// kernel: kernel.9.cloned.1.call-start
scs
__scs_entry_jumppad:
0x0: {  	(pc) =	sbr.rel $0x88, $3  }
0x1: {  	(tag) =	ssettag $0x0;
	lr =	simm.s32 $0x1  }
0x2: {  	[smem:$0x3F97] =	sst lr;
	_ =	strace $0xD0000000  }
0x3: {  	_ = 	snop  }
0x4: {  	_ = 	snop  }
0x5: {  	_ = 	snop  }
0x6: {  	_ = 	snop  }
0x7: {  	_ = 	snop  }
__scs_overlays_trampoline_lowered:
0x8: {  	[smem:$0x3FA6] =	sst s0  }
0x9: {  	[smem:$0x3FA7] =	sst s1  }
0xa: {  	[smem:$0x3FA8] =	sst s2  }
0xb: {  	[smem:$0x3FA9] =	sst s3  }
0xc: {  	[smem:$0x3FAA] =	sst s4  }
0xd: {  	[smem:$0x3FAB] =	sst s5  }
0xe: {  	[smem:$0x3FAC] =	sst s6  }
0xf: {  	[smem:$0x3FAD] =	sst s7  }
0x10: {  	[smem:$0x3FAE] =	sst s8  }
0x11: {  	[smem:$0x3FAF] =	sst s9;
	s0 =	simm.s32 @!p0 $0x0  }
0x12: {  	s1 =	sld [smem:$0x3F95];
	s0 =	simm.s32 @p0 $0x1  }
0x13: {  	[smem:$0x3FB0] =	sst s0;
	s0 =	simm.s32 @!p1 $0x0  }
0x14: {  	s2 =	sld [smem:$0x3F94];
	s0 =	simm.s32 @p1 $0x1  }
0x15: {  	[smem:$0x3FB1] =	sst s0;
	s0 =	simm.s32 @!p2 $0x0  }
0x16: {  	s3 =	sld [smem:$0x3FDB];
	s0 =	simm.s32 @p2 $0x1  }
0x17: {  	s4 =	simm.s32 $0x1BF5;
	[smem:$0x3FB3] =	sst s0  }
0x18: {  	s0 =	sld [smem:$0x3F96];
	_ =	swait.ge [sflag:s4], $0x0  }
0x19: {  	s7 =	sld [smem:$0x3F97]  }
0x1a: {  	s8 =	sadd.s32 $0xFFFFE003, lr  }
0x1b: {  	s9 =	sadd.s32 $0xFFFFFEF7, lr;
	s5 =	simm.s32 $0xFFFFFFFF;
	p2 =	slt.u32 s8, $0xFFFFF086  }
0x1c: {  	p1 =	slt.u32 s9, $0xF7A;
	s5 =	simm.s32 @!p2 $0x0  }
0x1d: {  	s5 =	simm.s32 @p1 $0x1;
	p0 =	seq.s32 s7, s2  }
0x1e: {  	s7 =	smul.u32 @!p0 $0xF7A, s2;
	p2 =	seq.s32 @!p0 s5, $0x0  }
0x1f: {  	s9 =	smul.u32 $0xF7A, s1;
	s8 =	simm.s32 @!p0 $0x1BF5;
	p2 =	por !p2, p0  }
0x20: {  	[sflag:s8] =	ssyncset.s32 @!p0 $0xFFFFF086;
	s6 =	sadd.s32 @!p0 s3, s7;
	s7 =	simm.s32 @!p0 $0x108  }
0x21: {  	s3 =	sadd.s32 s3, s9;
	s6 =	sadd.s32 @!p0 $0x88, s6;
	s7 =	simm.s32 @p2 $0x1082  }
0x22: {  	[simem:s7], [sflag:s8] =	dma.local @!p0 [hbm:s6], $0xF7A  }
0x23: {  	s9 =	sor.u32 $0xD0000000, s2;
	s6 =	simm.s32 $0x108;
	_ =	swait.ge @!p0 [sflag:s8], $0x0  }
0x24: {  	s3 =	sadd.s32 $0x88, s3;
	s6 =	simm.s32 @!p1 $0x1082;
	[sflag:s4] =	ssyncset.s32 $0xFFFFF086  }
0x25: {  	[simem:s6], [sflag:s4] =	dma.local [hbm:s3], $0xF7A  }
0x26: {  	[smem:$0x3F97] =	sst s1;
	(tag) =	ssettag s2;
	_ =	strace s9  }
0x27: {  	s1 =	sld [smem:$0x3FA7]  }
0x28: {  	s2 =	sld [smem:$0x3FA8]  }
0x29: {  	s4 =	sld [smem:$0x3FAA]  }
0x2a: {  	p0 =	seq.s32 s5, $0x0;
	s5 =	sld [smem:$0x3FAB]  }
0x2b: {  	s6 =	sld [smem:$0x3FAC]  }
0x2c: {  	s7 =	sld [smem:$0x3FAD]  }
0x2d: {  	s3 =	simm.s32 $0x108;
	s8 =	sld [smem:$0x3FAE]  }
0x2e: {  	s3 =	simm.s32 @!p0 $0x1082;
	s9 =	sld [smem:$0x3FAF]  }
0x2f: {  	lr =	sadd.s32 s0, s3;
	s0 =	sld [smem:$0x3FA6]  }
0x30: {  	s3 =	sld [smem:$0x3FA9]  }
0x31: {  	[smem:$0x3FB2] =	sst s10  }
0x32: {  	s10 =	sld [smem:$0x3FB0];
	_ =	sdelay $0x3  }
0x33: {  	p0 =	seq.s32 s10, $0x1;
	s10 =	sld [smem:$0x3FB2];
	_ =	sdelay $0x3  }
0x34: {  	[smem:$0x3FB2] =	sst s10  }
0x35: {  	s10 =	sld [smem:$0x3FB1];
	_ =	sdelay $0x3  }
0x36: {  	p1 =	seq.s32 s10, $0x1;
	s10 =	sld [smem:$0x3FB2];
	_ =	sdelay $0x3  }
0x37: {  	[smem:$0x3FB2] =	sst s10  }
0x38: {  	s10 =	sld [smem:$0x3FB3]  }
0x39: {  	_ = 	snop;
	(pc) =	sbr.ind lr, $3  }
0x3a: {  	_ = 	snop  }
0x3b: {  	_ = 	snop  }
0x3c: {  	p2 =	seq.s32 s10, $0x1;
	s10 =	sld [smem:$0x3FB2]  }
0x3d: {  	_ =	shalt  }
0x3e: {  	_ =	shalt  }
0x3f: {  	_ =	shalt  }
0x40: {  	_ =	shalt  }
0x41: {  	_ =	shalt  }
0x42: {  	_ =	shalt  }
0x43: {  	_ =	shalt  }
0x44: {  	_ =	shalt  }
0x45: {  	_ =	shalt  }
0x46: {  	_ =	shalt  }
0x47: {  	_ =	shalt  }
0x48: {  	_ =	shalt  }
0x49: {  	_ =	shalt  }
0x4a: {  	_ =	shalt  }
0x4b: {  	_ =	shalt  }
0x4c: {  	_ =	shalt  }
0x4d: {  	_ =	shalt  }
0x4e: {  	_ =	shalt  }
0x4f: {  	_ =	shalt  }
0x50: {  	_ =	shalt  }
0x51: {  	_ =	shalt  }
0x52: {  	_ =	shalt  }
0x53: {  	_ =	shalt  }
0x54: {  	_ =	shalt  }
0x55: {  	_ =	shalt  }
0x56: {  	_ =	shalt  }
0x57: {  	_ =	shalt  }
0x58: {  	_ =	shalt  }
0x59: {  	_ =	shalt  }
0x5a: {  	_ =	shalt  }
0x5b: {  	_ =	shalt  }
0x5c: {  	_ =	shalt  }
0x5d: {  	_ =	shalt  }
0x5e: {  	_ =	shalt  }
0x5f: {  	_ =	shalt  }
0x60: {  	_ =	shalt  }
0x61: {  	_ =	shalt  }
0x62: {  	_ =	shalt  }
0x63: {  	_ =	shalt  }
0x64: {  	_ =	shalt  }
0x65: {  	_ =	shalt  }
0x66: {  	_ =	shalt  }
0x67: {  	_ =	shalt  }
0x68: {  	_ =	shalt  }
0x69: {  	_ =	shalt  }
0x6a: {  	_ =	shalt  }
0x6b: {  	_ =	shalt  }
0x6c: {  	_ =	shalt  }
0x6d: {  	_ =	shalt  }
0x6e: {  	_ =	shalt  }
0x6f: {  	_ =	shalt  }
0x70: {  	_ =	shalt  }
0x71: {  	_ =	shalt  }
0x72: {  	_ =	shalt  }
0x73: {  	_ =	shalt  }
0x74: {  	_ =	shalt  }
0x75: {  	_ =	shalt  }
0x76: {  	_ =	shalt  }
0x77: {  	_ =	shalt  }
0x78: {  	_ =	shalt  }
0x79: {  	_ =	shalt  }
0x7a: {  	_ =	shalt  }
0x7b: {  	_ =	shalt  }
0x7c: {  	_ =	shalt  }
0x7d: {  	_ =	shalt  }
0x7e: {  	_ =	shalt  }
0x7f: {  	_ =	shalt  }
0x80: {  	_ =	shalt  }
0x81: {  	_ =	shalt  }
0x82: {  	_ =	shalt  }
0x83: {  	_ =	shalt  }
0x84: {  	_ =	shalt  }
0x85: {  	_ =	shalt  }
0x86: {  	_ =	shalt  }
0x87: {  	_ =	shalt  }
.Lfunc_end0:
.L_simem_size_0:
called_computation_lowered:
.L_overlay_start_0:
0x88: {  	s2 =	sld [smem:$0x3FD9]  }
0x89: {  	s3 =	sld [smem:$0x3FFE];
	_ =	sdelay $0x1  }
0x8a: {  	s1 =	srdreg.scid  }
0x8b: {  	s0 =	sand.u32 $0x1, s1  }
0x8c: {  	s17 =	sshll.u32 s0, $0xA;
	s2 =	sadd.s32 s3, s2  }
0x8d: {  	s2 =	sadd.s32 s2, s17  }
0x8e: {  	[smem:$0x3FBE] =	sst s2  }
0x8f: {  	_ = 	snop  }
0x90: {  	s2 =	sld [smem:$0x3FD0];
	(tm) =	ssettm $0x1  }
0x91: {  	s18 =	sld [smem:$0x3FFB];
	_ =	sdelay $0x3  }
0x92: {  	_ =	strace s18  }
0x93: {  	s3 =	sld [smem:$0x3FFC];
	_ =	sdelay $0x3  }
0x94: {  	_ =	strace s3  }
0x95: {  	s3 =	sld [smem:$0x3FFD];
	_ =	sdelay $0x3  }
0x96: {  	_ =	strace s3  }
0x97: {  	_ =	strace $0x8FFFFFFF  }
0x98: {  	s19 =	sld [smem:$0x3FDB];
	_ =	sdelay $0x1  }
0x99: {  	s4 =	simm.s32 $_scs_section_size  }
0x9a: {  	s5 =	simm.s32 $_size__tile_overlayer_lowered;
	s6 =	simm.s32 $_tile_overlayer_lowered  }
0x9b: {  	s22 =	simm.s32 $0x1BFF;
	s21 =	sshll.u32 s6, $0x1;
	s3 =	sadd.s32 s4, s19  }
0x9c: {  	s7 =	simm.s32 $0x0;
	s20 =	sshll.u32 s5, $0x1;
	s5 =	sadd.s32 s21, s3  }
0x9d: {  	[timem:s7], [sflag:s22] =	dma.local [hbm:s5], s20  }
0x9e: {  	_ =	swait.ge [sflag:s22], s20  }
0x9f: {  	s4 =	ssub.s32 $0x0, s20;
	[sflag:s22] =	ssyncset.done $0x0  }
0xa0: {  	[sflag:s22] =	ssyncadd.s32 s4;
	_ =	sdelay $0x1  }
0xa1: {  	s23 =	simm.s32 $0x1B8B  }
0xa2: {  	_ =	swait.ge [sflag:s23], $0x1  }
0xa3: {  	[sflag:s23] =	ssyncset.done $0x0  }
0xa4: {  	s25 =	simm.s32 $0x1B8E;
	s24 =	sld [smem:$0x3FFE];
	[sflag:s23] =	ssyncadd.s32 $0xFFFFFFFF  }
0xa5: {  	s26 =	simm.s32 $execute0_lowered;
	[smem:$0x3FD2] =	sst s25  }
0xa6: {  	s5 =	sshll.u32 s26, $0x1;
	_ =	strace $0x80000046;
	[dreg:$0x1] =	wrdreg $0xFFFFFFFF  }
0xa7: {  	s28 =	simm.s32 $_size_execute0_lowered;
	s3 =	sadd.s32 s3, s5;
	[dreg:$0x0] =	wrdreg $0x0  }
0xa8: {  	s5 =	sshll.u32 s28, $0x1;
	[dreg:$0x2] =	wrdreg s3  }
0xa9: {  	[dreg:$0x3] =	wrdreg s5  }
0xaa: {  	[dreg:$0x4] =	wrdreg $0xC0  }
0xab: {  	_ =	task [dreg:s7], $0x5FFFF  }
0xac: {  	[dreg:$0x1] =	wrdreg $0xFFFFFFFF  }
0xad: {  	[dreg:$0x0] =	wrdreg $0x60  }
0xae: {  	[dreg:$0x2] =	wrdreg s2  }
0xaf: {  	[dreg:$0x3] =	wrdreg s24  }
0xb0: {  	[dreg:$0x4] =	wrdreg $0x68000  }
0xb1: {  	[dreg:$0x5] =	wrdreg $0x9  }
0xb2: {  	_ =	task.clear_ibuf [dreg:s7], $0x6FFFF;
	_ =	strace $0x90000046  }
0xb3: {  	s29 =	simm.s32 $0x9;
	_ =	strace $0x80000048  }
0xb4: {  	_ =	swait.ge [sflag:s29], $0x1  }
0xb5: {  	[sflag:s29] =	ssyncadd.s32 $0xFFFFFFFF  }
0xb6: {  	_ =	strace $0x90000048  }
0xb7: {  	_ =	sfence  }
0xb8: {  	s30 =	sld [smem:$0x0];
	_ =	sdelay $0x2  }
0xb9: {  	s31 =	sshll.u32 s1, $0xD;
	s1 =	sshrl.u32 s1, $0x2  }
0xba: {  	s3 =	sand.u32 $0x4000, s31;
	s1 =	sadd.s32 s1, s30  }
0xbb: {  	s0 =	sor.u32 s3, s0;
	s1 =	sshll.u32 s1, $0x11  }
0xbc: {  	s0 =	sor.u32 s1, s0  }
0xbd: {  	s0 =	sadd.s32 $0x8F2B, s0  }
0xbe: {  	[sflag:s0] =	ssyncadd.remote.s32 $0x1  }
0xbf: {  	_ =	sfence.sel $0xFFFF  }
0xc0: {  	[dreg:$0x0] =	wrdreg $0xFFFFFFFF;
	(pc) =	sbr.abs _section_cstart, $3  }
0xc1: {  	[dreg:$0x1] =	wrdreg $0xFFFFFFFF  }
0xc2: {  	_ =	task.clear_ibuf [dreg:s7], $0x2FFFF;
	_ =	strace $0x9FFFFFFF  }
0xc3: {  	(tm) =	ssettm $0x7FFFFFFF  }
tec
execute0_lowered:
.L_overlay_start_1:
0x0: {  	(tag) =	ssettag $0x1  }
0x1: {  	s7 =	rddreg [dreg:$0x0]  }
0x2: {  	s6 =	rddreg [dreg:$0x1]  }
0x3: {  	s2 =	rddreg [dreg:$0x2]  }
0x4: {  	s0 =	rddreg [dreg:$0x3];
	s4 =	srdreg.scid  }
0x5: {  	s1 =	stileid.u32;
	s3 =	simm.s32 $0x0;
	s12 =	simm.s32 $0x2800  }
0x6: {  	s13 =	simm.s32 $0x80;
	s14 =	simm.s32 $0x0;
	s8 =	sand.u32 $0x1, s4  }
0x7: {  	s9 =	smul.u32 $0x2800, s1;
	[smem:$0x7FF] =	sst s3;
	s4 =	sadd.s32 $0xFA00, s6  }
0x8: {  	s5 =	sadd.s32 $0xD200, s6;
	s26 =	smul.u32 $0x50000, s1;
	s31 =	sshll.u32 s1, $0x6  }
0x9: {  	s10 =	smul.u32 $0x28000, s8;
	s11 =	sshll.u32 s8, $0x4;
	s28 =	ssub.s32 $0x2, s8  }
0xa: {  	_ =	strace $0x80000047;
	s29 =	sor.u32 s1, s11;
	s30 =	sshrl.u32 s28, $0x1  }
0xb: {  	s9 =	sadd.s32 s9, s10;
	s10 =	sshrl.u32 s26, $0x2;
	s8 =	smul.u32 $0x500, s29  }
0xc: {  	s11 =	ssub.s32 s28, s30;
	s9 =	sadd.s32 s9, s6;
	s10 =	sadd.s32 s10, s2  }
0xd: {  	s6 =	sor.u32 $0x1C01, s31;
	s7 =	sadd.s32 s7, s8;
	s8 =	sadd.s32 $0x10200, s9  }
0xe: {  	s9 =	smax.u32 s11, $0x1;
	s10 =	sshrl.u32 s10, $0x3;
	s11 =	simm.s32 $0x1  }
.LBB2_1:
0xf: {  	[spmem:s10], [sflag:s6] =	dma.local [hbm:s5], $0x2800  }
0x10: {  	_ =	swait.ge [sflag:s11], $0x2800  }
0x11: {  	[sflag:s11] =	ssyncset.done $0x0  }
0x12: {  	[sflag:s11] =	ssyncadd.s32 $0xFFFFD800  }
0x13: {  	[tilespmem:s12], [sflag:$0x1] =	stream.linear.gather [hbm4b:s4+s3], $0x4000, $0x38;
	[tilespmem:$0x1A800] =	vst v63  }
0x14: {  	_ =	swait.ge [sflag:s11], $0x4000  }
0x15: {  	[sflag:s11] =	ssyncset.done $0x0  }
0x16: {  	[sflag:s11] =	ssyncadd.s32 $0xFFFFC000  }
0x17: {  	[tilespmem:s3], [sflag:$0x1] =	stream.linear.gather [hbm4b:s7+s3], $0x2800, $0x38;
	[tilespmem:$0x1A800] =	vst v63  }
0x18: {  	_ =	swait.ge [sflag:s11], $0x2800  }
0x19: {  	[sflag:s11] =	ssyncset.done $0x0  }
0x1a: {  	[sflag:s11] =	ssyncadd.s32 $0xFFFFD800  }
0x1b: {  	s15 =	simm.s32 $0x0;
	[bflag:$0x0] =	sbarrier.arrive $0xFFFF  }
0x1c: {  	[spmem:s2] =	stream.indirect.scatter.add.f32 [tilespmem:s12], [sflag:$0x1], $0x80, s15, s13, $0xb8;
	[tilespmem:$0x1A800] =	vst v63  }
0x1d: {  	_ =	swait.ge [sflag:s11], $0x4000  }
0x1e: {  	s15 =	simm.s32 $0x200;
	[sflag:s11] =	ssyncset.done $0x0  }
.LBB2_2:
0x1f: {  	s16 =	sshra.s32 s15, $0x2;
	[sflag:s11] =	ssyncadd.s32 $0xFFFFC000;
	p0 =	sne.s32 s15, $0x9E00  }
0x20: {  	[spmem:s2] =	stream.indirect.scatter.add.f32 [tilespmem:s12], [sflag:$0x1], $0x80, s16, s13, $0xb8;
	[tilespmem:$0x1A800] =	vst v63  }
.Ltmp0:
0x21: {  	_ = 	snop;
	(pc) =	sbr.rel @p0 .LBB2_2-.Ltmp0, $4  }
0x22: {  	_ = 	snop  }
0x23: {  	s15 =	sadd.s32 $0x200, s15  }
0x24: {  	_ =	swait.ge [sflag:s11], $0x4000  }
0x25: {  	[sflag:s11] =	ssyncset.done $0x0  }
0x26: {  	s14 =	sadd.s32 $0x1, s14  }
0x27: {  	[sflag:s11] =	ssyncadd.s32 $0xFFFFC000;
	p0 =	sne.s32 s14, s9  }
.Ltmp1:
0x28: {  	[bflag:$0x0] =	sbarrier.arrive $0xFFFF;
	(pc) =	sbr.rel @p0 .LBB2_1-.Ltmp1, $4  }
0x29: {  	[hbm:s8], [sflag:s6] =	dma.local [spmem:s10], $0x2800  }
0x2a: {  	_ =	swait.ge [sflag:s11], $0x2800  }
0x2b: {  	[sflag:s11] =	ssyncset.done $0x0  }
0x2c: {  	[sflag:s11] =	ssyncadd.s32 $0xFFFFD800  }
0x2d: {  	_ =	sfence.sel $0x180000  }
0x2e: {  	[bflag:$0x0] =	sbarrier.arrive $0xFFFF  }
0x2f: {  	p0 =	sne.s32 s1, $0x0;
	_ =	strace $0x90000047  }
0x30: {  	s0 =	sadd.s32 @!p0 $0x100000, s0;
	[bflag:$0x2] =	sbarrier.arrive $0xFFFF  }
0x31: {  	[sflag:s0] =	ssyncadd.tile.s32 @!p0 $0x1;
	_ =	shalt  }
.Lfunc_end2:
_tile_overlayer_lowered:
.L_overlay_start_2:
0x32: {  	(tag) =	ssettag $0x2  }
0x33: {  	s0 =	rddreg [dreg:$0x0];
	s2 =	stileid.u32  }
0x34: {  	s1 =	rddreg [dreg:$0x1];
	p0 =	sne.s32 s2, $0x0  }
0x35: {  	s3 =	rddreg [dreg:$0x2];
	[bflag:$0x3] =	sbarrier.arrive $0xFFFF;
	s2 =	simm.s32 @!p0 $0x1C01  }
0x36: {  	[timem:s3], [sflag:s2] =	dma.local @!p0 [hbm:s0], s1  }
0x37: {  	s0 =	simm.s32 @!p0 $0x1  }
0x38: {  	_ =	swait.ge @!p0 [sflag:s0], s1  }
0x39: {  	s1 =	ssub.s32 @!p0 $0x0, s1;
	[sflag:s0] =	ssyncset.done @!p0 $0x0  }
0x3a: {  	[sflag:s0] =	ssyncadd.s32 @!p0 s1  }
0x3b: {  	[bflag:$0x3] =	sbarrier.arrive $0xFFFF  }
0x3c: {  	_ =	shalt  }

</sc_bundles>
